<compile_context>
chip_gen: v7x
topology: tpu7x:2x2x1
jax: 0.10.2.dev20260603
libtpu: 0.0.44.dev20260713+nightly
codegen_flags: <defaults>
</compile_context>

<pallas_src>
import functools

import jax
import jax.numpy as jnp
from jax import lax
from jax.experimental import pallas as pl
from jax.experimental.pallas import tpu as pltpu
from jax.experimental.pallas import tpu_sc as plsc

B = 16384
D = 64
NR = 1000
L = 16

_info = plsc.get_sparse_core_info()
NC = _info.num_cores
NS = _info.num_subcores
NW = NC * NS
PW = B // NW
CPR = 128
NCK = PW // CPR
CGRP = CPR // L


def _trans_e_body(h_hbm, r_hbm, t_hbm, ent_hbm, rel_hbm, out_hbm,
                  him, rim, tim, hb, tb, rloc, outv, sem, sem2):
    wid = lax.axis_index("s") * NC + lax.axis_index("c")

    pltpu.sync_copy(h_hbm.at[wid], him)
    pltpu.sync_copy(r_hbm.at[wid], rim)
    pltpu.sync_copy(t_hbm.at[wid], tim)
    def rel_body(gg, _):
        pltpu.async_copy(rel_hbm.at[pl.ds(gg * 8, 8)],
                         rloc.at[pl.ds(gg * 8, 8)], sem)
        return 0

    lax.fori_loop(0, (NR // 2) // 8, rel_body, 0)
    pltpu.async_copy(rel_hbm.at[pl.ds(496, 4)], rloc.at[pl.ds(496, 4)], sem)

    def rel_drain(gg, _):
        pltpu.make_async_copy(rel_hbm.at[pl.ds(0, 8)],
                              rloc.at[pl.ds(0, 8)], sem).wait()
        return 0

    lax.fori_loop(0, (NR // 2) // 8, rel_drain, 0)
    pltpu.make_async_copy(rel_hbm.at[pl.ds(496, 4)],
                          rloc.at[pl.ds(496, 4)], sem).wait()

    lane = lax.iota(jnp.int32, L)

    def chunk_body(k, _):
        base = k * CPR

        def fire_body(q, _):
            hv16 = him[pl.ds(base + q * L, L)]
            tv16 = tim[pl.ds(base + q * L, L)]
            for jj in range(L):
                i = q * L + jj
                pltpu.async_copy(ent_hbm.at[hv16[jj]], hb.at[i], sem)
                pltpu.async_copy(ent_hbm.at[tv16[jj]], tb.at[i], sem2)
            return 0

        lax.fori_loop(0, CPR // L, fire_body, 0)

        def drain_body(i, _):
            pltpu.make_async_copy(ent_hbm.at[0], hb.at[0], sem).wait()
            pltpu.make_async_copy(ent_hbm.at[0], tb.at[0], sem2).wait()
            return 0

        lax.fori_loop(0, CPR, drain_body, 0)

        def group_body(g, _):
            row = lane + g * L
            rv16 = rim[pl.ds(base + g * L, L)]
            rp16 = jax.lax.shift_right_logical(rv16, 1)
            ro16 = (rv16 & 1) * D
            acc = jnp.zeros((L,), jnp.float32)
            for c in range(D):
                col = jnp.full((L,), c, jnp.int32)
                hv = plsc.load_gather(hb, [row, col])
                tv = plsc.load_gather(tb, [row, col])
                rv = plsc.load_gather(rloc, [rp16, col + ro16])
                acc = acc + jnp.abs(hv + rv - tv)
            outv[pl.ds(base + g * L, L)] = acc
            return 0

        lax.fori_loop(0, CGRP, group_body, 0)
        return 0

    lax.fori_loop(0, NCK, chunk_body, 0)

    pltpu.sync_copy(outv, out_hbm.at[pl.ds(wid * PW, PW)])


@jax.jit
def _trans_e(h, r, t, entity_emb, rel2):
    mesh = plsc.VectorSubcoreMesh(core_axis_name="c", subcore_axis_name="s")
    run = functools.partial(
        pl.kernel,
        mesh=mesh,
        compiler_params=pltpu.CompilerParams(needs_layout_passes=False),
        out_type=jax.ShapeDtypeStruct((B,), jnp.float32),
        scratch_types=[
            pltpu.VMEM((PW,), jnp.int32),
            pltpu.VMEM((PW,), jnp.int32),
            pltpu.VMEM((PW,), jnp.int32),
            pltpu.VMEM((CPR, D), jnp.float32),
            pltpu.VMEM((CPR, D), jnp.float32),
            pltpu.VMEM((NR // 2, 2 * D), jnp.float32),
            pltpu.VMEM((PW,), jnp.float32),
            pltpu.SemaphoreType.DMA,
            pltpu.SemaphoreType.DMA,
        ],
    )(_trans_e_body)
    return run(h, r, t, entity_emb, rel2)


def kernel(h, r, t, entity_emb, relation_emb):
    h2 = h.astype(jnp.int32).reshape(NW, PW)
    r2 = r.astype(jnp.int32).reshape(NW, PW)
    t2 = t.astype(jnp.int32).reshape(NW, PW)
    return _trans_e(h2, r2, t2, entity_emb,
                    relation_emb.reshape(NR // 2, 2 * D))

# --- scband reference (transcript-rebuilt; emitter-appended) ---
"""Pipeline reference for scband-trans-e-59090160058653 (READ-ONLY COPY).

The authoritative reference and input builder live on the scoring server;
editing this copy changes nothing except your own understanding.
"""

import jax, jax.numpy as jnp
import numpy as np

N_ENTITIES = 1000000
N_RELATIONS = 1000
EMBED_DIM = 64
BATCH = 16384


def setup_inputs(seed: int = 0) -> dict:
    key = jax.random.key(seed)
    k1, k2, k3, k4, k5 = jax.random.split(key, 5)
    bound = 6.0 / np.sqrt(EMBED_DIM)
    entity_emb = jax.random.uniform(k1, (N_ENTITIES, EMBED_DIM), dtype=jnp.float32, minval=-bound, maxval=bound)
    # L2-normalize entity embeddings rows, as in __init__
    entity_emb = entity_emb / jnp.clip(jnp.linalg.norm(entity_emb, axis=1, keepdims=True), 1e-12)
    relation_emb = jax.random.uniform(k2, (N_RELATIONS, EMBED_DIM), dtype=jnp.float32, minval=-bound, maxval=bound)
    h = jax.random.randint(k3, (BATCH,), 0, N_ENTITIES, dtype=jnp.int64 if jax.config.jax_enable_x64 else jnp.int32)
    r = jax.random.randint(k4, (BATCH,), 0, N_RELATIONS, dtype=jnp.int64 if jax.config.jax_enable_x64 else jnp.int32)
    t = jax.random.randint(k5, (BATCH,), 0, N_ENTITIES, dtype=jnp.int64 if jax.config.jax_enable_x64 else jnp.int32)
    return {"h": h, "r": r, "t": t, "entity_emb": entity_emb, "relation_emb": relation_emb}


def reference(h, r, t, entity_emb, relation_emb):
    h_emb = jnp.take(entity_emb, h, axis=0)
    r_emb = jnp.take(relation_emb, r, axis=0)
    t_emb = jnp.take(entity_emb, t, axis=0)
    score = h_emb + r_emb - t_emb
    # distance == 'L1'
    energy = jnp.sum(jnp.abs(score), axis=1)
    return energy

if __name__ == "__main__":
    import jax
    _d = setup_inputs()
    print(jax.jit(kernel)(*tuple(_d.values())))

</pallas_src>

<mosaic_0001>
#map = affine_map<(d0, d1) -> (0, 0)>
#map1 = affine_map<(d0, d1) -> (0)>
module attributes {stable_mosaic.version = 14 : i64} {
  func.func @_trans_e_body(%arg0: i32, %arg1: i32, %arg2: memref<32x512xi32, #tpu.memory_space<hbm>>, %arg3: memref<32x512xi32, #tpu.memory_space<hbm>>, %arg4: memref<32x512xi32, #tpu.memory_space<hbm>>, %arg5: memref<1000000x64xf32, #tpu.memory_space<hbm>>, %arg6: memref<500x128xf32, #tpu.memory_space<hbm>>, %arg7: memref<16384xf32, #tpu.memory_space<hbm>>, %arg8: memref<512xi32, #tpu.memory_space<vmem>>, %arg9: memref<512xi32, #tpu.memory_space<vmem>>, %arg10: memref<512xi32, #tpu.memory_space<vmem>>, %arg11: memref<128x64xf32, #tpu.memory_space<vmem>>, %arg12: memref<128x64xf32, #tpu.memory_space<vmem>>, %arg13: memref<500x128xf32, #tpu.memory_space<vmem>>, %arg14: memref<512xf32, #tpu.memory_space<vmem>>, %arg15: memref<!tpu.dma_semaphore, #tpu.memory_space<semaphore_mem>>, %arg16: memref<!tpu.dma_semaphore, #tpu.memory_space<semaphore_mem>>) attributes {dimension_semantics = [#tpu.dimension_semantics<core_parallel>, #tpu.dimension_semantics<subcore_parallel>], iteration_bounds = array<i64: 2, 16>, scalar_prefetch = 0 : i64, scratch_operands = 9 : i64, tpu.core_type = #tpu.core_type<sc_vector_subcore>, window_params = [{transform_indices = #map}, {transform_indices = #map}, {transform_indices = #map}, {transform_indices = #map}, {transform_indices = #map}, {transform_indices = #map1}]} {
    %mul3A = arith.constant 2 : i32
    %mul3A_0 = arith.muli %arg1, %mul3A : i32
    %add3A = arith.addi %mul3A_0, %arg0 : i32
    "tpu.region"() ({
      %run_scoped3A = tpu.sem_alloc : memref<!tpu.dma_semaphore, #tpu.memory_space<semaphore_mem>>
      %dma_start3A_45 = arith.constant 0 : i32
      %dma_start3A_46 = tpu.memref_slice %arg2[%add3A, %dma_start3A_45] : memref<32x512xi32, #tpu.memory_space<hbm>> -> memref<1x512xi32, #tpu.memory_space<hbm>>
      %dma_start3A_47 = tpu.memref_squeeze %dma_start3A_46 : memref<1x512xi32, #tpu.memory_space<hbm>> -> memref<512xi32, #tpu.memory_space<hbm>>
      %dma_start3A_48 = arith.constant 0 : i32
      %dma_start3A_49 = tpu.memref_slice %arg2[%add3A, %dma_start3A_48] : memref<32x512xi32, #tpu.memory_space<hbm>> -> memref<1x512xi32, #tpu.memory_space<hbm>>
      %dma_start3A_50 = tpu.memref_squeeze %dma_start3A_49 : memref<1x512xi32, #tpu.memory_space<hbm>> -> memref<512xi32, #tpu.memory_space<hbm>>
      tpu.enqueue_dma source(%dma_start3A_50 : memref<512xi32, #tpu.memory_space<hbm>>) target(%arg8 : memref<512xi32, #tpu.memory_space<vmem>>) target_semaphore(%run_scoped3A : memref<!tpu.dma_semaphore, #tpu.memory_space<semaphore_mem>>)
      %dma_wait3A_51 = arith.constant 0 : i32
      %dma_wait3A_52 = tpu.memref_slice %arg2[%add3A, %dma_wait3A_51] : memref<32x512xi32, #tpu.memory_space<hbm>> -> memref<1x512xi32, #tpu.memory_space<hbm>>
      %dma_wait3A_53 = tpu.memref_squeeze %dma_wait3A_52 : memref<1x512xi32, #tpu.memory_space<hbm>> -> memref<512xi32, #tpu.memory_space<hbm>>
      %dma_wait3A_54 = arith.constant 0 : i32
      %dma_wait3A_55 = tpu.memref_slice %arg2[%add3A, %dma_wait3A_54] : memref<32x512xi32, #tpu.memory_space<hbm>> -> memref<1x512xi32, #tpu.memory_space<hbm>>
      %dma_wait3A_56 = tpu.memref_squeeze %dma_wait3A_55 : memref<1x512xi32, #tpu.memory_space<hbm>> -> memref<512xi32, #tpu.memory_space<hbm>>
      tpu.wait_dma2 semaphore(%run_scoped3A : memref<!tpu.dma_semaphore, #tpu.memory_space<semaphore_mem>>) src(%dma_wait3A_56 : memref<512xi32, #tpu.memory_space<hbm>>) dst(%arg8 : memref<512xi32, #tpu.memory_space<vmem>>)
      tpu.yield
    }) : () -> ()
    "tpu.region"() ({
      %run_scoped3A = tpu.sem_alloc : memref<!tpu.dma_semaphore, #tpu.memory_space<semaphore_mem>>
      %dma_start3A_45 = arith.constant 0 : i32
      %dma_start3A_46 = tpu.memref_slice %arg3[%add3A, %dma_start3A_45] : memref<32x512xi32, #tpu.memory_space<hbm>> -> memref<1x512xi32, #tpu.memory_space<hbm>>
      %dma_start3A_47 = tpu.memref_squeeze %dma_start3A_46 : memref<1x512xi32, #tpu.memory_space<hbm>> -> memref<512xi32, #tpu.memory_space<hbm>>
      %dma_start3A_48 = arith.constant 0 : i32
      %dma_start3A_49 = tpu.memref_slice %arg3[%add3A, %dma_start3A_48] : memref<32x512xi32, #tpu.memory_space<hbm>> -> memref<1x512xi32, #tpu.memory_space<hbm>>
      %dma_start3A_50 = tpu.memref_squeeze %dma_start3A_49 : memref<1x512xi32, #tpu.memory_space<hbm>> -> memref<512xi32, #tpu.memory_space<hbm>>
      tpu.enqueue_dma source(%dma_start3A_50 : memref<512xi32, #tpu.memory_space<hbm>>) target(%arg9 : memref<512xi32, #tpu.memory_space<vmem>>) target_semaphore(%run_scoped3A : memref<!tpu.dma_semaphore, #tpu.memory_space<semaphore_mem>>)
      %dma_wait3A_51 = arith.constant 0 : i32
      %dma_wait3A_52 = tpu.memref_slice %arg3[%add3A, %dma_wait3A_51] : memref<32x512xi32, #tpu.memory_space<hbm>> -> memref<1x512xi32, #tpu.memory_space<hbm>>
      %dma_wait3A_53 = tpu.memref_squeeze %dma_wait3A_52 : memref<1x512xi32, #tpu.memory_space<hbm>> -> memref<512xi32, #tpu.memory_space<hbm>>
      %dma_wait3A_54 = arith.constant 0 : i32
      %dma_wait3A_55 = tpu.memref_slice %arg3[%add3A, %dma_wait3A_54] : memref<32x512xi32, #tpu.memory_space<hbm>> -> memref<1x512xi32, #tpu.memory_space<hbm>>
      %dma_wait3A_56 = tpu.memref_squeeze %dma_wait3A_55 : memref<1x512xi32, #tpu.memory_space<hbm>> -> memref<512xi32, #tpu.memory_space<hbm>>
      tpu.wait_dma2 semaphore(%run_scoped3A : memref<!tpu.dma_semaphore, #tpu.memory_space<semaphore_mem>>) src(%dma_wait3A_56 : memref<512xi32, #tpu.memory_space<hbm>>) dst(%arg9 : memref<512xi32, #tpu.memory_space<vmem>>)
      tpu.yield
    }) : () -> ()
    "tpu.region"() ({
      %run_scoped3A = tpu.sem_alloc : memref<!tpu.dma_semaphore, #tpu.memory_space<semaphore_mem>>
      %dma_start3A_45 = arith.constant 0 : i32
      %dma_start3A_46 = tpu.memref_slice %arg4[%add3A, %dma_start3A_45] : memref<32x512xi32, #tpu.memory_space<hbm>> -> memref<1x512xi32, #tpu.memory_space<hbm>>
      %dma_start3A_47 = tpu.memref_squeeze %dma_start3A_46 : memref<1x512xi32, #tpu.memory_space<hbm>> -> memref<512xi32, #tpu.memory_space<hbm>>
      %dma_start3A_48 = arith.constant 0 : i32
      %dma_start3A_49 = tpu.memref_slice %arg4[%add3A, %dma_start3A_48] : memref<32x512xi32, #tpu.memory_space<hbm>> -> memref<1x512xi32, #tpu.memory_space<hbm>>
      %dma_start3A_50 = tpu.memref_squeeze %dma_start3A_49 : memref<1x512xi32, #tpu.memory_space<hbm>> -> memref<512xi32, #tpu.memory_space<hbm>>
      tpu.enqueue_dma source(%dma_start3A_50 : memref<512xi32, #tpu.memory_space<hbm>>) target(%arg10 : memref<512xi32, #tpu.memory_space<vmem>>) target_semaphore(%run_scoped3A : memref<!tpu.dma_semaphore, #tpu.memory_space<semaphore_mem>>)
      %dma_wait3A_51 = arith.constant 0 : i32
      %dma_wait3A_52 = tpu.memref_slice %arg4[%add3A, %dma_wait3A_51] : memref<32x512xi32, #tpu.memory_space<hbm>> -> memref<1x512xi32, #tpu.memory_space<hbm>>
      %dma_wait3A_53 = tpu.memref_squeeze %dma_wait3A_52 : memref<1x512xi32, #tpu.memory_space<hbm>> -> memref<512xi32, #tpu.memory_space<hbm>>
      %dma_wait3A_54 = arith.constant 0 : i32
      %dma_wait3A_55 = tpu.memref_slice %arg4[%add3A, %dma_wait3A_54] : memref<32x512xi32, #tpu.memory_space<hbm>> -> memref<1x512xi32, #tpu.memory_space<hbm>>
      %dma_wait3A_56 = tpu.memref_squeeze %dma_wait3A_55 : memref<1x512xi32, #tpu.memory_space<hbm>> -> memref<512xi32, #tpu.memory_space<hbm>>
      tpu.wait_dma2 semaphore(%run_scoped3A : memref<!tpu.dma_semaphore, #tpu.memory_space<semaphore_mem>>) src(%dma_wait3A_56 : memref<512xi32, #tpu.memory_space<hbm>>) dst(%arg10 : memref<512xi32, #tpu.memory_space<vmem>>)
      tpu.yield
    }) : () -> ()
    %scan3A = arith.constant 0 : i32
    %scan3A_1 = arith.constant 0 : i32
    %scan3A_2 = arith.constant 62 : i32
    %scan3A_3 = arith.addi %scan3A_1, %scan3A_2 : i32
    %scan3A_4 = arith.constant 1 : i32
    %scan3A_5 = scf.for %scan3A_45 = %scan3A_1 to %scan3A_3 step %scan3A_4 iter_args(%scan3A_46 = %scan3A) -> (i32)  : i32 {
      %mul3A_47 = arith.constant 8 : i32
      %mul3A_48 = arith.muli %scan3A_45, %mul3A_47 : i32
      %mul3A_49 = arith.constant 8 : i32
      %mul3A_50 = arith.muli %scan3A_45, %mul3A_49 : i32
      %dma_start3A_51 = arith.constant 0 : i32
      %dma_start3A_52 = tpu.memref_slice %arg13[%mul3A_50, %dma_start3A_51] : memref<500x128xf32, #tpu.memory_space<vmem>> -> memref<8x128xf32, #tpu.memory_space<vmem>>
      %dma_start3A_53 = arith.constant 0 : i32
      %dma_start3A_54 = tpu.memref_slice %arg6[%mul3A_48, %dma_start3A_53] : memref<500x128xf32, #tpu.memory_space<hbm>> -> memref<8x128xf32, #tpu.memory_space<hbm>>
      %dma_start3A_55 = arith.constant 0 : i32
      %dma_start3A_56 = tpu.memref_slice %arg13[%mul3A_50, %dma_start3A_55] : memref<500x128xf32, #tpu.memory_space<vmem>> -> memref<8x128xf32, #tpu.memory_space<vmem>>
      %dma_start3A_57 = arith.constant 0 : i32
      %dma_start3A_58 = tpu.memref_slice %arg6[%mul3A_48, %dma_start3A_57] : memref<500x128xf32, #tpu.memory_space<hbm>> -> memref<8x128xf32, #tpu.memory_space<hbm>>
      tpu.enqueue_dma source(%dma_start3A_58 : memref<8x128xf32, #tpu.memory_space<hbm>>) target(%dma_start3A_56 : memref<8x128xf32, #tpu.memory_space<vmem>>) target_semaphore(%arg15 : memref<!tpu.dma_semaphore, #tpu.memory_space<semaphore_mem>>)
      %scan3A_59 = arith.constant 0 : i32
      scf.yield %scan3A_59 : i32
    }
    %scan3A_6 = arith.constant 62 : i32
    %dma_start3A = arith.constant 496 : i32
    %dma_start3A_7 = arith.constant 0 : i32
    %dma_start3A_8 = tpu.memref_slice %arg13[%dma_start3A, %dma_start3A_7] : memref<500x128xf32, #tpu.memory_space<vmem>> -> memref<4x128xf32, #tpu.memory_space<vmem>>
    %dma_start3A_9 = arith.constant 496 : i32
    %dma_start3A_10 = arith.constant 0 : i32
    %dma_start3A_11 = tpu.memref_slice %arg6[%dma_start3A_9, %dma_start3A_10] : memref<500x128xf32, #tpu.memory_space<hbm>> -> memref<4x128xf32, #tpu.memory_space<hbm>>
    %dma_start3A_12 = arith.constant 496 : i32
    %dma_start3A_13 = arith.constant 0 : i32
    %dma_start3A_14 = tpu.memref_slice %arg13[%dma_start3A_12, %dma_start3A_13] : memref<500x128xf32, #tpu.memory_space<vmem>> -> memref<4x128xf32, #tpu.memory_space<vmem>>
    %dma_start3A_15 = arith.constant 496 : i32
    %dma_start3A_16 = arith.constant 0 : i32
    %dma_start3A_17 = tpu.memref_slice %arg6[%dma_start3A_15, %dma_start3A_16] : memref<500x128xf32, #tpu.memory_space<hbm>> -> memref<4x128xf32, #tpu.memory_space<hbm>>
    tpu.enqueue_dma source(%dma_start3A_17 : memref<4x128xf32, #tpu.memory_space<hbm>>) target(%dma_start3A_14 : memref<4x128xf32, #tpu.memory_space<vmem>>) target_semaphore(%arg15 : memref<!tpu.dma_semaphore, #tpu.memory_space<semaphore_mem>>)
    %scan3A_18 = arith.constant 0 : i32
    %scan3A_19 = arith.constant 0 : i32
    %scan3A_20 = arith.constant 62 : i32
    %scan3A_21 = arith.addi %scan3A_19, %scan3A_20 : i32
    %scan3A_22 = arith.constant 1 : i32
    %scan3A_23 = scf.for %scan3A_45 = %scan3A_19 to %scan3A_21 step %scan3A_22 iter_args(%scan3A_46 = %scan3A_18) -> (i32)  : i32 {
      %dma_wait3A_47 = arith.constant 0 : i32
      %dma_wait3A_48 = arith.constant 0 : i32
      %dma_wait3A_49 = tpu.memref_slice %arg13[%dma_wait3A_47, %dma_wait3A_48] : memref<500x128xf32, #tpu.memory_space<vmem>> -> memref<8x128xf32, #tpu.memory_space<vmem>>
      %dma_wait3A_50 = arith.constant 0 : i32
      %dma_wait3A_51 = arith.constant 0 : i32
      %dma_wait3A_52 = tpu.memref_slice %arg6[%dma_wait3A_50, %dma_wait3A_51] : memref<500x128xf32, #tpu.memory_space<hbm>> -> memref<8x128xf32, #tpu.memory_space<hbm>>
      %dma_wait3A_53 = arith.constant 0 : i32
      %dma_wait3A_54 = arith.constant 0 : i32
      %dma_wait3A_55 = tpu.memref_slice %arg13[%dma_wait3A_53, %dma_wait3A_54] : memref<500x128xf32, #tpu.memory_space<vmem>> -> memref<8x128xf32, #tpu.memory_space<vmem>>
      %dma_wait3A_56 = arith.constant 0 : i32
      %dma_wait3A_57 = arith.constant 0 : i32
      %dma_wait3A_58 = tpu.memref_slice %arg6[%dma_wait3A_56, %dma_wait3A_57] : memref<500x128xf32, #tpu.memory_space<hbm>> -> memref<8x128xf32, #tpu.memory_space<hbm>>
      tpu.wait_dma2 semaphore(%arg15 : memref<!tpu.dma_semaphore, #tpu.memory_space<semaphore_mem>>) src(%dma_wait3A_58 : memref<8x128xf32, #tpu.memory_space<hbm>>) dst(%dma_wait3A_55 : memref<8x128xf32, #tpu.memory_space<vmem>>)
      %scan3A_59 = arith.constant 0 : i32
      scf.yield %scan3A_59 : i32
    }
    %scan3A_24 = arith.constant 62 : i32
    %dma_wait3A = arith.constant 496 : i32
    %dma_wait3A_25 = arith.constant 0 : i32
    %dma_wait3A_26 = tpu.memref_slice %arg13[%dma_wait3A, %dma_wait3A_25] : memref<500x128xf32, #tpu.memory_space<vmem>> -> memref<4x128xf32, #tpu.memory_space<vmem>>
    %dma_wait3A_27 = arith.constant 496 : i32
    %dma_wait3A_28 = arith.constant 0 : i32
    %dma_wait3A_29 = tpu.memref_slice %arg6[%dma_wait3A_27, %dma_wait3A_28] : memref<500x128xf32, #tpu.memory_space<hbm>> -> memref<4x128xf32, #tpu.memory_space<hbm>>
    %dma_wait3A_30 = arith.constant 496 : i32
    %dma_wait3A_31 = arith.constant 0 : i32
    %dma_wait3A_32 = tpu.memref_slice %arg13[%dma_wait3A_30, %dma_wait3A_31] : memref<500x128xf32, #tpu.memory_space<vmem>> -> memref<4x128xf32, #tpu.memory_space<vmem>>
    %dma_wait3A_33 = arith.constant 496 : i32
    %dma_wait3A_34 = arith.constant 0 : i32
    %dma_wait3A_35 = tpu.memref_slice %arg6[%dma_wait3A_33, %dma_wait3A_34] : memref<500x128xf32, #tpu.memory_space<hbm>> -> memref<4x128xf32, #tpu.memory_space<hbm>>
    tpu.wait_dma2 semaphore(%arg15 : memref<!tpu.dma_semaphore, #tpu.memory_space<semaphore_mem>>) src(%dma_wait3A_35 : memref<4x128xf32, #tpu.memory_space<hbm>>) dst(%dma_wait3A_32 : memref<4x128xf32, #tpu.memory_space<vmem>>)
    %iota3A = tpu.iota {dimensions = array<i32: 0>} : vector<16xi32>
    %scan3A_36 = arith.constant 0 : i32
    %scan3A_37 = arith.constant 0 : i32
    %scan3A_38 = arith.constant 4 : i32
    %scan3A_39 = arith.addi %scan3A_37, %scan3A_38 : i32
    %scan3A_40 = arith.constant 1 : i32
    %scan3A_41 = scf.for %scan3A_45 = %scan3A_37 to %scan3A_39 step %scan3A_40 iter_args(%scan3A_46 = %scan3A_36) -> (i32)  : i32 {
      %mul3A_47 = arith.constant 128 : i32
      %mul3A_48 = arith.muli %scan3A_45, %mul3A_47 : i32
      %scan3A_49 = arith.constant 0 : i32
      %scan3A_50 = arith.constant 0 : i32
      %scan3A_51 = arith.constant 8 : i32
      %scan3A_52 = arith.addi %scan3A_50, %scan3A_51 : i32
      %scan3A_53 = arith.constant 1 : i32
      %scan3A_54 = scf.for %scan3A_71 = %scan3A_50 to %scan3A_52 step %scan3A_53 iter_args(%scan3A_72 = %scan3A_49) -> (i32)  : i32 {
        %mul3A_73 = arith.constant 16 : i32
        %mul3A_74 = arith.muli %scan3A_71, %mul3A_73 : i32
        %add3A_75 = arith.addi %mul3A_48, %mul3A_74 : i32
        %get3A = arith.index_cast %add3A_75 : i32 to index
        %get3A_76 = tpu.vector_load %arg8[%get3A] {strides = array<i32>} : memref<512xi32, #tpu.memory_space<vmem>>, vector<16xi32>,
        %mul3A_77 = arith.constant 16 : i32
        %mul3A_78 = arith.muli %scan3A_71, %mul3A_77 : i32
        %add3A_79 = arith.addi %mul3A_48, %mul3A_78 : i32
        %get3A_80 = arith.index_cast %add3A_79 : i32 to index
        %get3A_81 = tpu.vector_load %arg10[%get3A_80] {strides = array<i32>} : memref<512xi32, #tpu.memory_space<vmem>>, vector<16xi32>,
        %mul3A_82 = arith.constant 16 : i32
        %mul3A_83 = arith.muli %scan3A_71, %mul3A_82 : i32
        %add3A_84 = arith.constant 0 : i32
        %add3A_85 = arith.addi %mul3A_83, %add3A_84 : i32
        %slice3A = vector.extract_strided_slice %get3A_76 {offsets = [0], sizes = [1], strides = [1]} : vector<16xi32> to vector<1xi32>
        %squeeze3A = vector.extract %slice3A[0] : i32 from vector<1xi32>
        %dma_start3A_86 = arith.constant 0 : i32
        %dma_start3A_87 = tpu.memref_slice %arg11[%add3A_85, %dma_start3A_86] : memref<128x64xf32, #tpu.memory_space<vmem>> -> memref<1x64xf32, #tpu.memory_space<vmem>>
        %dma_start3A_88 = tpu.memref_squeeze %dma_start3A_87 : memref<1x64xf32, #tpu.memory_space<vmem>> -> memref<64xf32, #tpu.memory_space<vmem>>
        %dma_start3A_89 = arith.constant 0 : i32
        %dma_start3A_90 = tpu.memref_slice %arg5[%squeeze3A, %dma_start3A_89] : memref<1000000x64xf32, #tpu.memory_space<hbm>> -> memref<1x64xf32, #tpu.memory_space<hbm>>
        %dma_start3A_91 = tpu.memref_squeeze %dma_start3A_90 : memref<1x64xf32, #tpu.memory_space<hbm>> -> memref<64xf32, #tpu.memory_space<hbm>>
        %dma_start3A_92 = arith.constant 0 : i32
        %dma_start3A_93 = tpu.memref_slice %arg11[%add3A_85, %dma_start3A_92] : memref<128x64xf32, #tpu.memory_space<vmem>> -> memref<1x64xf32, #tpu.memory_space<vmem>>
        %dma_start3A_94 = tpu.memref_squeeze %dma_start3A_93 : memref<1x64xf32, #tpu.memory_space<vmem>> -> memref<64xf32, #tpu.memory_space<vmem>>
        %dma_start3A_95 = arith.constant 0 : i32
        %dma_start3A_96 = tpu.memref_slice %arg5[%squeeze3A, %dma_start3A_95] : memref<1000000x64xf32, #tpu.memory_space<hbm>> -> memref<1x64xf32, #tpu.memory_space<hbm>>
        %dma_start3A_97 = tpu.memref_squeeze %dma_start3A_96 : memref<1x64xf32, #tpu.memory_space<hbm>> -> memref<64xf32, #tpu.memory_space<hbm>>
        tpu.enqueue_dma source(%dma_start3A_97 : memref<64xf32, #tpu.memory_space<hbm>>) target(%dma_start3A_94 : memref<64xf32, #tpu.memory_space<vmem>>) target_semaphore(%arg15 : memref<!tpu.dma_semaphore, #tpu.memory_space<semaphore_mem>>)
        %slice3A_98 = vector.extract_strided_slice %get3A_81 {offsets = [0], sizes = [1], strides = [1]} : vector<16xi32> to vector<1xi32>
        %squeeze3A_99 = vector.extract %slice3A_98[0] : i32 from vector<1xi32>
        %dma_start3A_100 = arith.constant 0 : i32
        %dma_start3A_101 = tpu.memref_slice %arg12[%add3A_85, %dma_start3A_100] : memref<128x64xf32, #tpu.memory_space<vmem>> -> memref<1x64xf32, #tpu.memory_space<vmem>>
        %dma_start3A_102 = tpu.memref_squeeze %dma_start3A_101 : memref<1x64xf32, #tpu.memory_space<vmem>> -> memref<64xf32, #tpu.memory_space<vmem>>
        %dma_start3A_103 = arith.constant 0 : i32
        %dma_start3A_104 = tpu.memref_slice %arg5[%squeeze3A_99, %dma_start3A_103] : memref<1000000x64xf32, #tpu.memory_space<hbm>> -> memref<1x64xf32, #tpu.memory_space<hbm>>
        %dma_start3A_105 = tpu.memref_squeeze %dma_start3A_104 : memref<1x64xf32, #tpu.memory_space<hbm>> -> memref<64xf32, #tpu.memory_space<hbm>>
        %dma_start3A_106 = arith.constant 0 : i32
        %dma_start3A_107 = tpu.memref_slice %arg12[%add3A_85, %dma_start3A_106] : memref<128x64xf32, #tpu.memory_space<vmem>> -> memref<1x64xf32, #tpu.memory_space<vmem>>
        %dma_start3A_108 = tpu.memref_squeeze %dma_start3A_107 : memref<1x64xf32, #tpu.memory_space<vmem>> -> memref<64xf32, #tpu.memory_space<vmem>>
        %dma_start3A_109 = arith.constant 0 : i32
        %dma_start3A_110 = tpu.memref_slice %arg5[%squeeze3A_99, %dma_start3A_109] : memref<1000000x64xf32, #tpu.memory_space<hbm>> -> memref<1x64xf32, #tpu.memory_space<hbm>>
        %dma_start3A_111 = tpu.memref_squeeze %dma_start3A_110 : memref<1x64xf32, #tpu.memory_space<hbm>> -> memref<64xf32, #tpu.memory_space<hbm>>
        tpu.enqueue_dma source(%dma_start3A_111 : memref<64xf32, #tpu.memory_space<hbm>>) target(%dma_start3A_108 : memref<64xf32, #tpu.memory_space<vmem>>) target_semaphore(%arg16 : memref<!tpu.dma_semaphore, #tpu.memory_space<semaphore_mem>>)
        %mul3A_112 = arith.constant 16 : i32
        %mul3A_113 = arith.muli %scan3A_71, %mul3A_112 : i32
        %add3A_114 = arith.constant 1 : i32
        %add3A_115 = arith.addi %mul3A_113, %add3A_114 : i32
        %slice3A_116 = vector.extract_strided_slice %get3A_76 {offsets = [1], sizes = [1], strides = [1]} : vector<16xi32> to vector<1xi32>
        %squeeze3A_117 = vector.extract %slice3A_116[0] : i32 from vector<1xi32>
        %dma_start3A_118 = arith.constant 0 : i32
        %dma_start3A_119 = tpu.memref_slice %arg11[%add3A_115, %dma_start3A_118] : memref<128x64xf32, #tpu.memory_space<vmem>> -> memref<1x64xf32, #tpu.memory_space<vmem>>
        %dma_start3A_120 = tpu.memref_squeeze %dma_start3A_119 : memref<1x64xf32, #tpu.memory_space<vmem>> -> memref<64xf32, #tpu.memory_space<vmem>>
        %dma_start3A_121 = arith.constant 0 : i32
        %dma_start3A_122 = tpu.memref_slice %arg5[%squeeze3A_117, %dma_start3A_121] : memref<1000000x64xf32, #tpu.memory_space<hbm>> -> memref<1x64xf32, #tpu.memory_space<hbm>>
        %dma_start3A_123 = tpu.memref_squeeze %dma_start3A_122 : memref<1x64xf32, #tpu.memory_space<hbm>> -> memref<64xf32, #tpu.memory_space<hbm>>
        %dma_start3A_124 = arith.constant 0 : i32
        %dma_start3A_125 = tpu.memref_slice %arg11[%add3A_115, %dma_start3A_124] : memref<128x64xf32, #tpu.memory_space<vmem>> -> memref<1x64xf32, #tpu.memory_space<vmem>>
        %dma_start3A_126 = tpu.memref_squeeze %dma_start3A_125 : memref<1x64xf32, #tpu.memory_space<vmem>> -> memref<64xf32, #tpu.memory_space<vmem>>
        %dma_start3A_127 = arith.constant 0 : i32
        %dma_start3A_128 = tpu.memref_slice %arg5[%squeeze3A_117, %dma_start3A_127] : memref<1000000x64xf32, #tpu.memory_space<hbm>> -> memref<1x64xf32, #tpu.memory_space<hbm>>
        %dma_start3A_129 = tpu.memref_squeeze %dma_start3A_128 : memref<1x64xf32, #tpu.memory_space<hbm>> -> memref<64xf32, #tpu.memory_space<hbm>>
        tpu.enqueue_dma source(%dma_start3A_129 : memref<64xf32, #tpu.memory_space<hbm>>) target(%dma_start3A_126 : memref<64xf32, #tpu.memory_space<vmem>>) target_semaphore(%arg15 : memref<!tpu.dma_semaphore, #tpu.memory_space<semaphore_mem>>)
        %slice3A_130 = vector.extract_strided_slice %get3A_81 {offsets = [1], sizes = [1], strides = [1]} : vector<16xi32> to vector<1xi32>
        %squeeze3A_131 = vector.extract %slice3A_130[0] : i32 from vector<1xi32>
        %dma_start3A_132 = arith.constant 0 : i32
        %dma_start3A_133 = tpu.memref_slice %arg12[%add3A_115, %dma_start3A_132] : memref<128x64xf32, #tpu.memory_space<vmem>> -> memref<1x64xf32, #tpu.memory_space<vmem>>
        %dma_start3A_134 = tpu.memref_squeeze %dma_start3A_133 : memref<1x64xf32, #tpu.memory_space<vmem>> -> memref<64xf32, #tpu.memory_space<vmem>>
        %dma_start3A_135 = arith.constant 0 : i32
        %dma_start3A_136 = tpu.memref_slice %arg5[%squeeze3A_131, %dma_start3A_135] : memref<1000000x64xf32, #tpu.memory_space<hbm>> -> memref<1x64xf32, #tpu.memory_space<hbm>>
        %dma_start3A_137 = tpu.memref_squeeze %dma_start3A_136 : memref<1x64xf32, #tpu.memory_space<hbm>> -> memref<64xf32, #tpu.memory_space<hbm>>
        %dma_start3A_138 = arith.constant 0 : i32
        %dma_start3A_139 = tpu.memref_slice %arg12[%add3A_115, %dma_start3A_138] : memref<128x64xf32, #tpu.memory_space<vmem>> -> memref<1x64xf32, #tpu.memory_space<vmem>>
        %dma_start3A_140 = tpu.memref_squeeze %dma_start3A_139 : memref<1x64xf32, #tpu.memory_space<vmem>> -> memref<64xf32, #tpu.memory_space<vmem>>
        %dma_start3A_141 = arith.constant 0 : i32
        %dma_start3A_142 = tpu.memref_slice %arg5[%squeeze3A_131, %dma_start3A_141] : memref<1000000x64xf32, #tpu.memory_space<hbm>> -> memref<1x64xf32, #tpu.memory_space<hbm>>
        %dma_start3A_143 = tpu.memref_squeeze %dma_start3A_142 : memref<1x64xf32, #tpu.memory_space<hbm>> -> memref<64xf32, #tpu.memory_space<hbm>>
        tpu.enqueue_dma source(%dma_start3A_143 : memref<64xf32, #tpu.memory_space<hbm>>) target(%dma_start3A_140 : memref<64xf32, #tpu.memory_space<vmem>>) target_semaphore(%arg16 : memref<!tpu.dma_semaphore, #tpu.memory_space<semaphore_mem>>)
        %mul3A_144 = arith.constant 16 : i32
        %mul3A_145 = arith.muli %scan3A_71, %mul3A_144 : i32
        %add3A_146 = arith.constant 2 : i32
        %add3A_147 = arith.addi %mul3A_145, %add3A_146 : i32
        %slice3A_148 = vector.extract_strided_slice %get3A_76 {offsets = [2], sizes = [1], strides = [1]} : vector<16xi32> to vector<1xi32>
        %squeeze3A_149 = vector.extract %slice3A_148[0] : i32 from vector<1xi32>
        %dma_start3A_150 = arith.constant 0 : i32
        %dma_start3A_151 = tpu.memref_slice %arg11[%add3A_147, %dma_start3A_150] : memref<128x64xf32, #tpu.memory_space<vmem>> -> memref<1x64xf32, #tpu.memory_space<vmem>>
        %dma_start3A_152 = tpu.memref_squeeze %dma_start3A_151 : memref<1x64xf32, #tpu.memory_space<vmem>> -> memref<64xf32, #tpu.memory_space<vmem>>
        %dma_start3A_153 = arith.constant 0 : i32
        %dma_start3A_154 = tpu.memref_slice %arg5[%squeeze3A_149, %dma_start3A_153] : memref<1000000x64xf32, #tpu.memory_space<hbm>> -> memref<1x64xf32, #tpu.memory_space<hbm>>
        %dma_start3A_155 = tpu.memref_squeeze %dma_start3A_154 : memref<1x64xf32, #tpu.memory_space<hbm>> -> memref<64xf32, #tpu.memory_space<hbm>>
        %dma_start3A_156 = arith.constant 0 : i32
        %dma_start3A_157 = tpu.memref_slice %arg11[%add3A_147, %dma_start3A_156] : memref<128x64xf32, #tpu.memory_space<vmem>> -> memref<1x64xf32, #tpu.memory_space<vmem>>
        %dma_start3A_158 = tpu.memref_squeeze %dma_start3A_157 : memref<1x64xf32, #tpu.memory_space<vmem>> -> memref<64xf32, #tpu.memory_space<vmem>>
        %dma_start3A_159 = arith.constant 0 : i32
        %dma_start3A_160 = tpu.memref_slice %arg5[%squeeze3A_149, %dma_start3A_159] : memref<1000000x64xf32, #tpu.memory_space<hbm>> -> memref<1x64xf32, #tpu.memory_space<hbm>>
        %dma_start3A_161 = tpu.memref_squeeze %dma_start3A_160 : memref<1x64xf32, #tpu.memory_space<hbm>> -> memref<64xf32, #tpu.memory_space<hbm>>
        tpu.enqueue_dma source(%dma_start3A_161 : memref<64xf32, #tpu.memory_space<hbm>>) target(%dma_start3A_158 : memref<64xf32, #tpu.memory_space<vmem>>) target_semaphore(%arg15 : memref<!tpu.dma_semaphore, #tpu.memory_space<semaphore_mem>>)
        %slice3A_162 = vector.extract_strided_slice %get3A_81 {offsets = [2], sizes = [1], strides = [1]} : vector<16xi32> to vector<1xi32>
        %squeeze3A_163 = vector.extract %slice3A_162[0] : i32 from vector<1xi32>
        %dma_start3A_164 = arith.constant 0 : i32
        %dma_start3A_165 = tpu.memref_slice %arg12[%add3A_147, %dma_start3A_164] : memref<128x64xf32, #tpu.memory_space<vmem>> -> memref<1x64xf32, #tpu.memory_space<vmem>>
        %dma_start3A_166 = tpu.memref_squeeze %dma_start3A_165 : memref<1x64xf32, #tpu.memory_space<vmem>> -> memref<64xf32, #tpu.memory_space<vmem>>
        %dma_start3A_167 = arith.constant 0 : i32
        %dma_start3A_168 = tpu.memref_slice %arg5[%squeeze3A_163, %dma_start3A_167] : memref<1000000x64xf32, #tpu.memory_space<hbm>> -> memref<1x64xf32, #tpu.memory_space<hbm>>
        %dma_start3A_169 = tpu.memref_squeeze %dma_start3A_168 : memref<1x64xf32, #tpu.memory_space<hbm>> -> memref<64xf32, #tpu.memory_space<hbm>>
        %dma_start3A_170 = arith.constant 0 : i32
        %dma_start3A_171 = tpu.memref_slice %arg12[%add3A_147, %dma_start3A_170] : memref<128x64xf32, #tpu.memory_space<vmem>> -> memref<1x64xf32, #tpu.memory_space<vmem>>
        %dma_start3A_172 = tpu.memref_squeeze %dma_start3A_171 : memref<1x64xf32, #tpu.memory_space<vmem>> -> memref<64xf32, #tpu.memory_space<vmem>>
        %dma_start3A_173 = arith.constant 0 : i32
        %dma_start3A_174 = tpu.memref_slice %arg5[%squeeze3A_163, %dma_start3A_173] : memref<1000000x64xf32, #tpu.memory_space<hbm>> -> memref<1x64xf32, #tpu.memory_space<hbm>>
        %dma_start3A_175 = tpu.memref_squeeze %dma_start3A_174 : memref<1x64xf32, #tpu.memory_space<hbm>> -> memref<64xf32, #tpu.memory_space<hbm>>
        tpu.enqueue_dma source(%dma_start3A_175 : memref<64xf32, #tpu.memory_space<hbm>>) target(%dma_start3A_172 : memref<64xf32, #tpu.memory_space<vmem>>) target_semaphore(%arg16 : memref<!tpu.dma_semaphore, #tpu.memory_space<semaphore_mem>>)
        %mul3A_176 = arith.constant 16 : i32
        %mul3A_177 = arith.muli %scan3A_71, %mul3A_176 : i32
        %add3A_178 = arith.constant 3 : i32
        %add3A_179 = arith.addi %mul3A_177, %add3A_178 : i32
        %slice3A_180 = vector.extract_strided_slice %get3A_76 {offsets = [3], sizes = [1], strides = [1]} : vector<16xi32> to vector<1xi32>
        %squeeze3A_181 = vector.extract %slice3A_180[0] : i32 from vector<1xi32>
        %dma_start3A_182 = arith.constant 0 : i32
        %dma_start3A_183 = tpu.memref_slice %arg11[%add3A_179, %dma_start3A_182] : memref<128x64xf32, #tpu.memory_space<vmem>> -> memref<1x64xf32, #tpu.memory_space<vmem>>
        %dma_start3A_184 = tpu.memref_squeeze %dma_start3A_183 : memref<1x64xf32, #tpu.memory_space<vmem>> -> memref<64xf32, #tpu.memory_space<vmem>>
        %dma_start3A_185 = arith.constant 0 : i32
        %dma_start3A_186 = tpu.memref_slice %arg5[%squeeze3A_181, %dma_start3A_185] : memref<1000000x64xf32, #tpu.memory_space<hbm>> -> memref<1x64xf32, #tpu.memory_space<hbm>>
        %dma_start3A_187 = tpu.memref_squeeze %dma_start3A_186 : memref<1x64xf32, #tpu.memory_space<hbm>> -> memref<64xf32, #tpu.memory_space<hbm>>
        %dma_start3A_188 = arith.constant 0 : i32
        %dma_start3A_189 = tpu.memref_slice %arg11[%add3A_179, %dma_start3A_188] : memref<128x64xf32, #tpu.memory_space<vmem>> -> memref<1x64xf32, #tpu.memory_space<vmem>>
        %dma_start3A_190 = tpu.memref_squeeze %dma_start3A_189 : memref<1x64xf32, #tpu.memory_space<vmem>> -> memref<64xf32, #tpu.memory_space<vmem>>
        %dma_start3A_191 = arith.constant 0 : i32
        %dma_start3A_192 = tpu.memref_slice %arg5[%squeeze3A_181, %dma_start3A_191] : memref<1000000x64xf32, #tpu.memory_space<hbm>> -> memref<1x64xf32, #tpu.memory_space<hbm>>
        %dma_start3A_193 = tpu.memref_squeeze %dma_start3A_192 : memref<1x64xf32, #tpu.memory_space<hbm>> -> memref<64xf32, #tpu.memory_space<hbm>>
        tpu.enqueue_dma source(%dma_start3A_193 : memref<64xf32, #tpu.memory_space<hbm>>) target(%dma_start3A_190 : memref<64xf32, #tpu.memory_space<vmem>>) target_semaphore(%arg15 : memref<!tpu.dma_semaphore, #tpu.memory_space<semaphore_mem>>)
        %slice3A_194 = vector.extract_strided_slice %get3A_81 {offsets = [3], sizes = [1], strides = [1]} : vector<16xi32> to vector<1xi32>
        %squeeze3A_195 = vector.extract %slice3A_194[0] : i32 from vector<1xi32>
        %dma_start3A_196 = arith.constant 0 : i32
        %dma_start3A_197 = tpu.memref_slice %arg12[%add3A_179, %dma_start3A_196] : memref<128x64xf32, #tpu.memory_space<vmem>> -> memref<1x64xf32, #tpu.memory_space<vmem>>
        %dma_start3A_198 = tpu.memref_squeeze %dma_start3A_197 : memref<1x64xf32, #tpu.memory_space<vmem>> -> memref<64xf32, #tpu.memory_space<vmem>>
        %dma_start3A_199 = arith.constant 0 : i32
        %dma_start3A_200 = tpu.memref_slice %arg5[%squeeze3A_195, %dma_start3A_199] : memref<1000000x64xf32, #tpu.memory_space<hbm>> -> memref<1x64xf32, #tpu.memory_space<hbm>>
        %dma_start3A_201 = tpu.memref_squeeze %dma_start3A_200 : memref<1x64xf32, #tpu.memory_space<hbm>> -> memref<64xf32, #tpu.memory_space<hbm>>
        %dma_start3A_202 = arith.constant 0 : i32
        %dma_start3A_203 = tpu.memref_slice %arg12[%add3A_179, %dma_start3A_202] : memref<128x64xf32, #tpu.memory_space<vmem>> -> memref<1x64xf32, #tpu.memory_space<vmem>>
        %dma_start3A_204 = tpu.memref_squeeze %dma_start3A_203 : memref<1x64xf32, #tpu.memory_space<vmem>> -> memref<64xf32, #tpu.memory_space<vmem>>
        %dma_start3A_205 = arith.constant 0 : i32
        %dma_start3A_206 = tpu.memref_slice %arg5[%squeeze3A_195, %dma_start3A_205] : memref<1000000x64xf32, #tpu.memory_space<hbm>> -> memref<1x64xf32, #tpu.memory_space<hbm>>
        %dma_start3A_207 = tpu.memref_squeeze %dma_start3A_206 : memref<1x64xf32, #tpu.memory_space<hbm>> -> memref<64xf32, #tpu.memory_space<hbm>>
        tpu.enqueue_dma source(%dma_start3A_207 : memref<64xf32, #tpu.memory_space<hbm>>) target(%dma_start3A_204 : memref<64xf32, #tpu.memory_space<vmem>>) target_semaphore(%arg16 : memref<!tpu.dma_semaphore, #tpu.memory_space<semaphore_mem>>)
        %mul3A_208 = arith.constant 16 : i32
        %mul3A_209 = arith.muli %scan3A_71, %mul3A_208 : i32
        %add3A_210 = arith.constant 4 : i32
        %add3A_211 = arith.addi %mul3A_209, %add3A_210 : i32
        %slice3A_212 = vector.extract_strided_slice %get3A_76 {offsets = [4], sizes = [1], strides = [1]} : vector<16xi32> to vector<1xi32>
        %squeeze3A_213 = vector.extract %slice3A_212[0] : i32 from vector<1xi32>
        %dma_start3A_214 = arith.constant 0 : i32
        %dma_start3A_215 = tpu.memref_slice %arg11[%add3A_211, %dma_start3A_214] : memref<128x64xf32, #tpu.memory_space<vmem>> -> memref<1x64xf32, #tpu.memory_space<vmem>>
        %dma_start3A_216 = tpu.memref_squeeze %dma_start3A_215 : memref<1x64xf32, #tpu.memory_space<vmem>> -> memref<64xf32, #tpu.memory_space<vmem>>
        %dma_start3A_217 = arith.constant 0 : i32
        %dma_start3A_218 = tpu.memref_slice %arg5[%squeeze3A_213, %dma_start3A_217] : memref<1000000x64xf32, #tpu.memory_space<hbm>> -> memref<1x64xf32, #tpu.memory_space<hbm>>
        %dma_start3A_219 = tpu.memref_squeeze %dma_start3A_218 : memref<1x64xf32, #tpu.memory_space<hbm>> -> memref<64xf32, #tpu.memory_space<hbm>>
        %dma_start3A_220 = arith.constant 0 : i32
        %dma_start3A_221 = tpu.memref_slice %arg11[%add3A_211, %dma_start3A_220] : memref<128x64xf32, #tpu.memory_space<vmem>> -> memref<1x64xf32, #tpu.memory_space<vmem>>
        %dma_start3A_222 = tpu.memref_squeeze %dma_start3A_221 : memref<1x64xf32, #tpu.memory_space<vmem>> -> memref<64xf32, #tpu.memory_space<vmem>>
        %dma_start3A_223 = arith.constant 0 : i32
        %dma_start3A_224 = tpu.memref_slice %arg5[%squeeze3A_213, %dma_start3A_223] : memref<1000000x64xf32, #tpu.memory_space<hbm>> -> memref<1x64xf32, #tpu.memory_space<hbm>>
        %dma_start3A_225 = tpu.memref_squeeze %dma_start3A_224 : memref<1x64xf32, #tpu.memory_space<hbm>> -> memref<64xf32, #tpu.memory_space<hbm>>
        tpu.enqueue_dma source(%dma_start3A_225 : memref<64xf32, #tpu.memory_space<hbm>>) target(%dma_start3A_222 : memref<64xf32, #tpu.memory_space<vmem>>) target_semaphore(%arg15 : memref<!tpu.dma_semaphore, #tpu.memory_space<semaphore_mem>>)
        %slice3A_226 = vector.extract_strided_slice %get3A_81 {offsets = [4], sizes = [1], strides = [1]} : vector<16xi32> to vector<1xi32>
        %squeeze3A_227 = vector.extract %slice3A_226[0] : i32 from vector<1xi32>
        %dma_start3A_228 = arith.constant 0 : i32
        %dma_start3A_229 = tpu.memref_slice %arg12[%add3A_211, %dma_start3A_228] : memref<128x64xf32, #tpu.memory_space<vmem>> -> memref<1x64xf32, #tpu.memory_space<vmem>>
        %dma_start3A_230 = tpu.memref_squeeze %dma_start3A_229 : memref<1x64xf32, #tpu.memory_space<vmem>> -> memref<64xf32, #tpu.memory_space<vmem>>
        %dma_start3A_231 = arith.constant 0 : i32
        %dma_start3A_232 = tpu.memref_slice %arg5[%squeeze3A_227, %dma_start3A_231] : memref<1000000x64xf32, #tpu.memory_space<hbm>> -> memref<1x64xf32, #tpu.memory_space<hbm>>
        %dma_start3A_233 = tpu.memref_squeeze %dma_start3A_232 : memref<1x64xf32, #tpu.memory_space<hbm>> -> memref<64xf32, #tpu.memory_space<hbm>>
        %dma_start3A_234 = arith.constant 0 : i32
        %dma_start3A_235 = tpu.memref_slice %arg12[%add3A_211, %dma_start3A_234] : memref<128x64xf32, #tpu.memory_space<vmem>> -> memref<1x64xf32, #tpu.memory_space<vmem>>
        %dma_start3A_236 = tpu.memref_squeeze %dma_start3A_235 : memref<1x64xf32, #tpu.memory_space<vmem>> -> memref<64xf32, #tpu.memory_space<vmem>>
        %dma_start3A_237 = arith.constant 0 : i32
        %dma_start3A_238 = tpu.memref_slice %arg5[%squeeze3A_227, %dma_start3A_237] : memref<1000000x64xf32, #tpu.memory_space<hbm>> -> memref<1x64xf32, #tpu.memory_space<hbm>>
        %dma_start3A_239 = tpu.memref_squeeze %dma_start3A_238 : memref<1x64xf32, #tpu.memory_space<hbm>> -> memref<64xf32, #tpu.memory_space<hbm>>
        tpu.enqueue_dma source(%dma_start3A_239 : memref<64xf32, #tpu.memory_space<hbm>>) target(%dma_start3A_236 : memref<64xf32, #tpu.memory_space<vmem>>) target_semaphore(%arg16 : memref<!tpu.dma_semaphore, #tpu.memory_space<semaphore_mem>>)
        %mul3A_240 = arith.constant 16 : i32
        %mul3A_241 = arith.muli %scan3A_71, %mul3A_240 : i32
        %add3A_242 = arith.constant 5 : i32
        %add3A_243 = arith.addi %mul3A_241, %add3A_242 : i32
        %slice3A_244 = vector.extract_strided_slice %get3A_76 {offsets = [5], sizes = [1], strides = [1]} : vector<16xi32> to vector<1xi32>
        %squeeze3A_245 = vector.extract %slice3A_244[0] : i32 from vector<1xi32>
        %dma_start3A_246 = arith.constant 0 : i32
        %dma_start3A_247 = tpu.memref_slice %arg11[%add3A_243, %dma_start3A_246] : memref<128x64xf32, #tpu.memory_space<vmem>> -> memref<1x64xf32, #tpu.memory_space<vmem>>
        %dma_start3A_248 = tpu.memref_squeeze %dma_start3A_247 : memref<1x64xf32, #tpu.memory_space<vmem>> -> memref<64xf32, #tpu.memory_space<vmem>>
        %dma_start3A_249 = arith.constant 0 : i32
        %dma_start3A_250 = tpu.memref_slice %arg5[%squeeze3A_245, %dma_start3A_249] : memref<1000000x64xf32, #tpu.memory_space<hbm>> -> memref<1x64xf32, #tpu.memory_space<hbm>>
        %dma_start3A_251 = tpu.memref_squeeze %dma_start3A_250 : memref<1x64xf32, #tpu.memory_space<hbm>> -> memref<64xf32, #tpu.memory_space<hbm>>
        %dma_start3A_252 = arith.constant 0 : i32
        %dma_start3A_253 = tpu.memref_slice %arg11[%add3A_243, %dma_start3A_252] : memref<128x64xf32, #tpu.memory_space<vmem>> -> memref<1x64xf32, #tpu.memory_space<vmem>>
        %dma_start3A_254 = tpu.memref_squeeze %dma_start3A_253 : memref<1x64xf32, #tpu.memory_space<vmem>> -> memref<64xf32, #tpu.memory_space<vmem>>
        %dma_start3A_255 = arith.constant 0 : i32
        %dma_start3A_256 = tpu.memref_slice %arg5[%squeeze3A_245, %dma_start3A_255] : memref<1000000x64xf32, #tpu.memory_space<hbm>> -> memref<1x64xf32, #tpu.memory_space<hbm>>
        %dma_start3A_257 = tpu.memref_squeeze %dma_start3A_256 : memref<1x64xf32, #tpu.memory_space<hbm>> -> memref<64xf32, #tpu.memory_space<hbm>>
        tpu.enqueue_dma source(%dma_start3A_257 : memref<64xf32, #tpu.memory_space<hbm>>) target(%dma_start3A_254 : memref<64xf32, #tpu.memory_space<vmem>>) target_semaphore(%arg15 : memref<!tpu.dma_semaphore, #tpu.memory_space<semaphore_mem>>)
        %slice3A_258 = vector.extract_strided_slice %get3A_81 {offsets = [5], sizes = [1], strides = [1]} : vector<16xi32> to vector<1xi32>
        %squeeze3A_259 = vector.extract %slice3A_258[0] : i32 from vector<1xi32>
        %dma_start3A_260 = arith.constant 0 : i32
        %dma_start3A_261 = tpu.memref_slice %arg12[%add3A_243, %dma_start3A_260] : memref<128x64xf32, #tpu.memory_space<vmem>> -> memref<1x64xf32, #tpu.memory_space<vmem>>
        %dma_start3A_262 = tpu.memref_squeeze %dma_start3A_261 : memref<1x64xf32, #tpu.memory_space<vmem>> -> memref<64xf32, #tpu.memory_space<vmem>>
        %dma_start3A_263 = arith.constant 0 : i32
        %dma_start3A_264 = tpu.memref_slice %arg5[%squeeze3A_259, %dma_start3A_263] : memref<1000000x64xf32, #tpu.memory_space<hbm>> -> memref<1x64xf32, #tpu.memory_space<hbm>>
        %dma_start3A_265 = tpu.memref_squeeze %dma_start3A_264 : memref<1x64xf32, #tpu.memory_space<hbm>> -> memref<64xf32, #tpu.memory_space<hbm>>
        %dma_start3A_266 = arith.constant 0 : i32
        %dma_start3A_267 = tpu.memref_slice %arg12[%add3A_243, %dma_start3A_266] : memref<128x64xf32, #tpu.memory_space<vmem>> -> memref<1x64xf32, #tpu.memory_space<vmem>>
        %dma_start3A_268 = tpu.memref_squeeze %dma_start3A_267 : memref<1x64xf32, #tpu.memory_space<vmem>> -> memref<64xf32, #tpu.memory_space<vmem>>
        %dma_start3A_269 = arith.constant 0 : i32
        %dma_start3A_270 = tpu.memref_slice %arg5[%squeeze3A_259, %dma_start3A_269] : memref<1000000x64xf32, #tpu.memory_space<hbm>> -> memref<1x64xf32, #tpu.memory_space<hbm>>
        %dma_start3A_271 = tpu.memref_squeeze %dma_start3A_270 : memref<1x64xf32, #tpu.memory_space<hbm>> -> memref<64xf32, #tpu.memory_space<hbm>>
        tpu.enqueue_dma source(%dma_start3A_271 : memref<64xf32, #tpu.memory_space<hbm>>) target(%dma_start3A_268 : memref<64xf32, #tpu.memory_space<vmem>>) target_semaphore(%arg16 : memref<!tpu.dma_semaphore, #tpu.memory_space<semaphore_mem>>)
        %mul3A_272 = arith.constant 16 : i32
        %mul3A_273 = arith.muli %scan3A_71, %mul3A_272 : i32
        %add3A_274 = arith.constant 6 : i32
        %add3A_275 = arith.addi %mul3A_273, %add3A_274 : i32
        %slice3A_276 = vector.extract_strided_slice %get3A_76 {offsets = [6], sizes = [1], strides = [1]} : vector<16xi32> to vector<1xi32>
        %squeeze3A_277 = vector.extract %slice3A_276[0] : i32 from vector<1xi32>
        %dma_start3A_278 = arith.constant 0 : i32
        %dma_start3A_279 = tpu.memref_slice %arg11[%add3A_275, %dma_start3A_278] : memref<128x64xf32, #tpu.memory_space<vmem>> -> memref<1x64xf32, #tpu.memory_space<vmem>>
        %dma_start3A_280 = tpu.memref_squeeze %dma_start3A_279 : memref<1x64xf32, #tpu.memory_space<vmem>> -> memref<64xf32, #tpu.memory_space<vmem>>
        %dma_start3A_281 = arith.constant 0 : i32
        %dma_start3A_282 = tpu.memref_slice %arg5[%squeeze3A_277, %dma_start3A_281] : memref<1000000x64xf32, #tpu.memory_space<hbm>> -> memref<1x64xf32, #tpu.memory_space<hbm>>
        %dma_start3A_283 = tpu.memref_squeeze %dma_start3A_282 : memref<1x64xf32, #tpu.memory_space<hbm>> -> memref<64xf32, #tpu.memory_space<hbm>>
        %dma_start3A_284 = arith.constant 0 : i32
        %dma_start3A_285 = tpu.memref_slice %arg11[%add3A_275, %dma_start3A_284] : memref<128x64xf32, #tpu.memory_space<vmem>> -> memref<1x64xf32, #tpu.memory_space<vmem>>
        %dma_start3A_286 = tpu.memref_squeeze %dma_start3A_285 : memref<1x64xf32, #tpu.memory_space<vmem>> -> memref<64xf32, #tpu.memory_space<vmem>>
        %dma_start3A_287 = arith.constant 0 : i32
        %dma_start3A_288 = tpu.memref_slice %arg5[%squeeze3A_277, %dma_start3A_287] : memref<1000000x64xf32, #tpu.memory_space<hbm>> -> memref<1x64xf32, #tpu.memory_space<hbm>>
        %dma_start3A_289 = tpu.memref_squeeze %dma_start3A_288 : memref<1x64xf32, #tpu.memory_space<hbm>> -> memref<64xf32, #tpu.memory_space<hbm>>
        tpu.enqueue_dma source(%dma_start3A_289 : memref<64xf32, #tpu.memory_space<hbm>>) target(%dma_start3A_286 : memref<64xf32, #tpu.memory_space<vmem>>) target_semaphore(%arg15 : memref<!tpu.dma_semaphore, #tpu.memory_space<semaphore_mem>>)
        %slice3A_290 = vector.extract_strided_slice %get3A_81 {offsets = [6], sizes = [1], strides = [1]} : vector<16xi32> to vector<1xi32>
        %squeeze3A_291 = vector.extract %slice3A_290[0] : i32 from vector<1xi32>
        %dma_start3A_292 = arith.constant 0 : i32
        %dma_start3A_293 = tpu.memref_slice %arg12[%add3A_275, %dma_start3A_292] : memref<128x64xf32, #tpu.memory_space<vmem>> -> memref<1x64xf32, #tpu.memory_space<vmem>>
        %dma_start3A_294 = tpu.memref_squeeze %dma_start3A_293 : memref<1x64xf32, #tpu.memory_space<vmem>> -> memref<64xf32, #tpu.memory_space<vmem>>
        %dma_start3A_295 = arith.constant 0 : i32
        %dma_start3A_296 = tpu.memref_slice %arg5[%squeeze3A_291, %dma_start3A_295] : memref<1000000x64xf32, #tpu.memory_space<hbm>> -> memref<1x64xf32, #tpu.memory_space<hbm>>
        %dma_start3A_297 = tpu.memref_squeeze %dma_start3A_296 : memref<1x64xf32, #tpu.memory_space<hbm>> -> memref<64xf32, #tpu.memory_space<hbm>>
        %dma_start3A_298 = arith.constant 0 : i32
        %dma_start3A_299 = tpu.memref_slice %arg12[%add3A_275, %dma_start3A_298] : memref<128x64xf32, #tpu.memory_space<vmem>> -> memref<1x64xf32, #tpu.memory_space<vmem>>
        %dma_start3A_300 = tpu.memref_squeeze %dma_start3A_299 : memref<1x64xf32, #tpu.memory_space<vmem>> -> memref<64xf32, #tpu.memory_space<vmem>>
        %dma_start3A_301 = arith.constant 0 : i32
        %dma_start3A_302 = tpu.memref_slice %arg5[%squeeze3A_291, %dma_start3A_301] : memref<1000000x64xf32, #tpu.memory_space<hbm>> -> memref<1x64xf32, #tpu.memory_space<hbm>>
        %dma_start3A_303 = tpu.memref_squeeze %dma_start3A_302 : memref<1x64xf32, #tpu.memory_space<hbm>> -> memref<64xf32, #tpu.memory_space<hbm>>
        tpu.enqueue_dma source(%dma_start3A_303 : memref<64xf32, #tpu.memory_space<hbm>>) target(%dma_start3A_300 : memref<64xf32, #tpu.memory_space<vmem>>) target_semaphore(%arg16 : memref<!tpu.dma_semaphore, #tpu.memory_space<semaphore_mem>>)
        %mul3A_304 = arith.constant 16 : i32
        %mul3A_305 = arith.muli %scan3A_71, %mul3A_304 : i32
        %add3A_306 = arith.constant 7 : i32
        %add3A_307 = arith.addi %mul3A_305, %add3A_306 : i32
        %slice3A_308 = vector.extract_strided_slice %get3A_76 {offsets = [7], sizes = [1], strides = [1]} : vector<16xi32> to vector<1xi32>
        %squeeze3A_309 = vector.extract %slice3A_308[0] : i32 from vector<1xi32>
        %dma_start3A_310 = arith.constant 0 : i32
        %dma_start3A_311 = tpu.memref_slice %arg11[%add3A_307, %dma_start3A_310] : memref<128x64xf32, #tpu.memory_space<vmem>> -> memref<1x64xf32, #tpu.memory_space<vmem>>
        %dma_start3A_312 = tpu.memref_squeeze %dma_start3A_311 : memref<1x64xf32, #tpu.memory_space<vmem>> -> memref<64xf32, #tpu.memory_space<vmem>>
        %dma_start3A_313 = arith.constant 0 : i32
        %dma_start3A_314 = tpu.memref_slice %arg5[%squeeze3A_309, %dma_start3A_313] : memref<1000000x64xf32, #tpu.memory_space<hbm>> -> memref<1x64xf32, #tpu.memory_space<hbm>>
        %dma_start3A_315 = tpu.memref_squeeze %dma_start3A_314 : memref<1x64xf32, #tpu.memory_space<hbm>> -> memref<64xf32, #tpu.memory_space<hbm>>
        %dma_start3A_316 = arith.constant 0 : i32
        %dma_start3A_317 = tpu.memref_slice %arg11[%add3A_307, %dma_start3A_316] : memref<128x64xf32, #tpu.memory_space<vmem>> -> memref<1x64xf32, #tpu.memory_space<vmem>>
        %dma_start3A_318 = tpu.memref_squeeze %dma_start3A_317 : memref<1x64xf32, #tpu.memory_space<vmem>> -> memref<64xf32, #tpu.memory_space<vmem>>
        %dma_start3A_319 = arith.constant 0 : i32
        %dma_start3A_320 = tpu.memref_slice %arg5[%squeeze3A_309, %dma_start3A_319] : memref<1000000x64xf32, #tpu.memory_space<hbm>> -> memref<1x64xf32, #tpu.memory_space<hbm>>
        %dma_start3A_321 = tpu.memref_squeeze %dma_start3A_320 : memref<1x64xf32, #tpu.memory_space<hbm>> -> memref<64xf32, #tpu.memory_space<hbm>>
        tpu.enqueue_dma source(%dma_start3A_321 : memref<64xf32, #tpu.memory_space<hbm>>) target(%dma_start3A_318 : memref<64xf32, #tpu.memory_space<vmem>>) target_semaphore(%arg15 : memref<!tpu.dma_semaphore, #tpu.memory_space<semaphore_mem>>)
        %slice3A_322 = vector.extract_strided_slice %get3A_81 {offsets = [7], sizes = [1], strides = [1]} : vector<16xi32> to vector<1xi32>
        %squeeze3A_323 = vector.extract %slice3A_322[0] : i32 from vector<1xi32>
        %dma_start3A_324 = arith.constant 0 : i32
        %dma_start3A_325 = tpu.memref_slice %arg12[%add3A_307, %dma_start3A_324] : memref<128x64xf32, #tpu.memory_space<vmem>> -> memref<1x64xf32, #tpu.memory_space<vmem>>
        %dma_start3A_326 = tpu.memref_squeeze %dma_start3A_325 : memref<1x64xf32, #tpu.memory_space<vmem>> -> memref<64xf32, #tpu.memory_space<vmem>>
        %dma_start3A_327 = arith.constant 0 : i32
        %dma_start3A_328 = tpu.memref_slice %arg5[%squeeze3A_323, %dma_start3A_327] : memref<1000000x64xf32, #tpu.memory_space<hbm>> -> memref<1x64xf32, #tpu.memory_space<hbm>>
        %dma_start3A_329 = tpu.memref_squeeze %dma_start3A_328 : memref<1x64xf32, #tpu.memory_space<hbm>> -> memref<64xf32, #tpu.memory_space<hbm>>
        %dma_start3A_330 = arith.constant 0 : i32
        %dma_start3A_331 = tpu.memref_slice %arg12[%add3A_307, %dma_start3A_330] : memref<128x64xf32, #tpu.memory_space<vmem>> -> memref<1x64xf32, #tpu.memory_space<vmem>>
        %dma_start3A_332 = tpu.memref_squeeze %dma_start3A_331 : memref<1x64xf32, #tpu.memory_space<vmem>> -> memref<64xf32, #tpu.memory_space<vmem>>
        %dma_start3A_333 = arith.constant 0 : i32
        %dma_start3A_334 = tpu.memref_slice %arg5[%squeeze3A_323, %dma_start3A_333] : memref<1000000x64xf32, #tpu.memory_space<hbm>> -> memref<1x64xf32, #tpu.memory_space<hbm>>
        %dma_start3A_335 = tpu.memref_squeeze %dma_start3A_334 : memref<1x64xf32, #tpu.memory_space<hbm>> -> memref<64xf32, #tpu.memory_space<hbm>>
        tpu.enqueue_dma source(%dma_start3A_335 : memref<64xf32, #tpu.memory_space<hbm>>) target(%dma_start3A_332 : memref<64xf32, #tpu.memory_space<vmem>>) target_semaphore(%arg16 : memref<!tpu.dma_semaphore, #tpu.memory_space<semaphore_mem>>)
        %mul3A_336 = arith.constant 16 : i32
        %mul3A_337 = arith.muli %scan3A_71, %mul3A_336 : i32
        %add3A_338 = arith.constant 8 : i32
        %add3A_339 = arith.addi %mul3A_337, %add3A_338 : i32
        %slice3A_340 = vector.extract_strided_slice %get3A_76 {offsets = [8], sizes = [1], strides = [1]} : vector<16xi32> to vector<1xi32>
        %squeeze3A_341 = vector.extract %slice3A_340[0] : i32 from vector<1xi32>
        %dma_start3A_342 = arith.constant 0 : i32
        %dma_start3A_343 = tpu.memref_slice %arg11[%add3A_339, %dma_start3A_342] : memref<128x64xf32, #tpu.memory_space<vmem>> -> memref<1x64xf32, #tpu.memory_space<vmem>>
        %dma_start3A_344 = tpu.memref_squeeze %dma_start3A_343 : memref<1x64xf32, #tpu.memory_space<vmem>> -> memref<64xf32, #tpu.memory_space<vmem>>
        %dma_start3A_345 = arith.constant 0 : i32
        %dma_start3A_346 = tpu.memref_slice %arg5[%squeeze3A_341, %dma_start3A_345] : memref<1000000x64xf32, #tpu.memory_space<hbm>> -> memref<1x64xf32, #tpu.memory_space<hbm>>
        %dma_start3A_347 = tpu.memref_squeeze %dma_start3A_346 : memref<1x64xf32, #tpu.memory_space<hbm>> -> memref<64xf32, #tpu.memory_space<hbm>>
        %dma_start3A_348 = arith.constant 0 : i32
        %dma_start3A_349 = tpu.memref_slice %arg11[%add3A_339, %dma_start3A_348] : memref<128x64xf32, #tpu.memory_space<vmem>> -> memref<1x64xf32, #tpu.memory_space<vmem>>
        %dma_start3A_350 = tpu.memref_squeeze %dma_start3A_349 : memref<1x64xf32, #tpu.memory_space<vmem>> -> memref<64xf32, #tpu.memory_space<vmem>>
        %dma_start3A_351 = arith.constant 0 : i32
        %dma_start3A_352 = tpu.memref_slice %arg5[%squeeze3A_341, %dma_start3A_351] : memref<1000000x64xf32, #tpu.memory_space<hbm>> -> memref<1x64xf32, #tpu.memory_space<hbm>>
        %dma_start3A_353 = tpu.memref_squeeze %dma_start3A_352 : memref<1x64xf32, #tpu.memory_space<hbm>> -> memref<64xf32, #tpu.memory_space<hbm>>
        tpu.enqueue_dma source(%dma_start3A_353 : memref<64xf32, #tpu.memory_space<hbm>>) target(%dma_start3A_350 : memref<64xf32, #tpu.memory_space<vmem>>) target_semaphore(%arg15 : memref<!tpu.dma_semaphore, #tpu.memory_space<semaphore_mem>>)
        %slice3A_354 = vector.extract_strided_slice %get3A_81 {offsets = [8], sizes = [1], strides = [1]} : vector<16xi32> to vector<1xi32>
        %squeeze3A_355 = vector.extract %slice3A_354[0] : i32 from vector<1xi32>
        %dma_start3A_356 = arith.constant 0 : i32
        %dma_start3A_357 = tpu.memref_slice %arg12[%add3A_339, %dma_start3A_356] : memref<128x64xf32, #tpu.memory_space<vmem>> -> memref<1x64xf32, #tpu.memory_space<vmem>>
        %dma_start3A_358 = tpu.memref_squeeze %dma_start3A_357 : memref<1x64xf32, #tpu.memory_space<vmem>> -> memref<64xf32, #tpu.memory_space<vmem>>
        %dma_start3A_359 = arith.constant 0 : i32
        %dma_start3A_360 = tpu.memref_slice %arg5[%squeeze3A_355, %dma_start3A_359] : memref<1000000x64xf32, #tpu.memory_space<hbm>> -> memref<1x64xf32, #tpu.memory_space<hbm>>
        %dma_start3A_361 = tpu.memref_squeeze %dma_start3A_360 : memref<1x64xf32, #tpu.memory_space<hbm>> -> memref<64xf32, #tpu.memory_space<hbm>>
        %dma_start3A_362 = arith.constant 0 : i32
        %dma_start3A_363 = tpu.memref_slice %arg12[%add3A_339, %dma_start3A_362] : memref<128x64xf32, #tpu.memory_space<vmem>> -> memref<1x64xf32, #tpu.memory_space<vmem>>
        %dma_start3A_364 = tpu.memref_squeeze %dma_start3A_363 : memref<1x64xf32, #tpu.memory_space<vmem>> -> memref<64xf32, #tpu.memory_space<vmem>>
        %dma_start3A_365 = arith.constant 0 : i32
        %dma_start3A_366 = tpu.memref_slice %arg5[%squeeze3A_355, %dma_start3A_365] : memref<1000000x64xf32, #tpu.memory_space<hbm>> -> memref<1x64xf32, #tpu.memory_space<hbm>>
        %dma_start3A_367 = tpu.memref_squeeze %dma_start3A_366 : memref<1x64xf32, #tpu.memory_space<hbm>> -> memref<64xf32, #tpu.memory_space<hbm>>
        tpu.enqueue_dma source(%dma_start3A_367 : memref<64xf32, #tpu.memory_space<hbm>>) target(%dma_start3A_364 : memref<64xf32, #tpu.memory_space<vmem>>) target_semaphore(%arg16 : memref<!tpu.dma_semaphore, #tpu.memory_space<semaphore_mem>>)
        %mul3A_368 = arith.constant 16 : i32
        %mul3A_369 = arith.muli %scan3A_71, %mul3A_368 : i32
        %add3A_370 = arith.constant 9 : i32
        %add3A_371 = arith.addi %mul3A_369, %add3A_370 : i32
        %slice3A_372 = vector.extract_strided_slice %get3A_76 {offsets = [9], sizes = [1], strides = [1]} : vector<16xi32> to vector<1xi32>
        %squeeze3A_373 = vector.extract %slice3A_372[0] : i32 from vector<1xi32>
        %dma_start3A_374 = arith.constant 0 : i32
        %dma_start3A_375 = tpu.memref_slice %arg11[%add3A_371, %dma_start3A_374] : memref<128x64xf32, #tpu.memory_space<vmem>> -> memref<1x64xf32, #tpu.memory_space<vmem>>
        %dma_start3A_376 = tpu.memref_squeeze %dma_start3A_375 : memref<1x64xf32, #tpu.memory_space<vmem>> -> memref<64xf32, #tpu.memory_space<vmem>>
        %dma_start3A_377 = arith.constant 0 : i32
        %dma_start3A_378 = tpu.memref_slice %arg5[%squeeze3A_373, %dma_start3A_377] : memref<1000000x64xf32, #tpu.memory_space<hbm>> -> memref<1x64xf32, #tpu.memory_space<hbm>>
        %dma_start3A_379 = tpu.memref_squeeze %dma_start3A_378 : memref<1x64xf32, #tpu.memory_space<hbm>> -> memref<64xf32, #tpu.memory_space<hbm>>
        %dma_start3A_380 = arith.constant 0 : i32
        %dma_start3A_381 = tpu.memref_slice %arg11[%add3A_371, %dma_start3A_380] : memref<128x64xf32, #tpu.memory_space<vmem>> -> memref<1x64xf32, #tpu.memory_space<vmem>>
        %dma_start3A_382 = tpu.memref_squeeze %dma_start3A_381 : memref<1x64xf32, #tpu.memory_space<vmem>> -> memref<64xf32, #tpu.memory_space<vmem>>
        %dma_start3A_383 = arith.constant 0 : i32
        %dma_start3A_384 = tpu.memref_slice %arg5[%squeeze3A_373, %dma_start3A_383] : memref<1000000x64xf32, #tpu.memory_space<hbm>> -> memref<1x64xf32, #tpu.memory_space<hbm>>
        %dma_start3A_385 = tpu.memref_squeeze %dma_start3A_384 : memref<1x64xf32, #tpu.memory_space<hbm>> -> memref<64xf32, #tpu.memory_space<hbm>>
        tpu.enqueue_dma source(%dma_start3A_385 : memref<64xf32, #tpu.memory_space<hbm>>) target(%dma_start3A_382 : memref<64xf32, #tpu.memory_space<vmem>>) target_semaphore(%arg15 : memref<!tpu.dma_semaphore, #tpu.memory_space<semaphore_mem>>)
        %slice3A_386 = vector.extract_strided_slice %get3A_81 {offsets = [9], sizes = [1], strides = [1]} : vector<16xi32> to vector<1xi32>
        %squeeze3A_387 = vector.extract %slice3A_386[0] : i32 from vector<1xi32>
        %dma_start3A_388 = arith.constant 0 : i32
        %dma_start3A_389 = tpu.memref_slice %arg12[%add3A_371, %dma_start3A_388] : memref<128x64xf32, #tpu.memory_space<vmem>> -> memref<1x64xf32, #tpu.memory_space<vmem>>
        %dma_start3A_390 = tpu.memref_squeeze %dma_start3A_389 : memref<1x64xf32, #tpu.memory_space<vmem>> -> memref<64xf32, #tpu.memory_space<vmem>>
        %dma_start3A_391 = arith.constant 0 : i32
        %dma_start3A_392 = tpu.memref_slice %arg5[%squeeze3A_387, %dma_start3A_391] : memref<1000000x64xf32, #tpu.memory_space<hbm>> -> memref<1x64xf32, #tpu.memory_space<hbm>>
        %dma_start3A_393 = tpu.memref_squeeze %dma_start3A_392 : memref<1x64xf32, #tpu.memory_space<hbm>> -> memref<64xf32, #tpu.memory_space<hbm>>
        %dma_start3A_394 = arith.constant 0 : i32
        %dma_start3A_395 = tpu.memref_slice %arg12[%add3A_371, %dma_start3A_394] : memref<128x64xf32, #tpu.memory_space<vmem>> -> memref<1x64xf32, #tpu.memory_space<vmem>>
        %dma_start3A_396 = tpu.memref_squeeze %dma_start3A_395 : memref<1x64xf32, #tpu.memory_space<vmem>> -> memref<64xf32, #tpu.memory_space<vmem>>
        %dma_start3A_397 = arith.constant 0 : i32
        %dma_start3A_398 = tpu.memref_slice %arg5[%squeeze3A_387, %dma_start3A_397] : memref<1000000x64xf32, #tpu.memory_space<hbm>> -> memref<1x64xf32, #tpu.memory_space<hbm>>
        %dma_start3A_399 = tpu.memref_squeeze %dma_start3A_398 : memref<1x64xf32, #tpu.memory_space<hbm>> -> memref<64xf32, #tpu.memory_space<hbm>>
        tpu.enqueue_dma source(%dma_start3A_399 : memref<64xf32, #tpu.memory_space<hbm>>) target(%dma_start3A_396 : memref<64xf32, #tpu.memory_space<vmem>>) target_semaphore(%arg16 : memref<!tpu.dma_semaphore, #tpu.memory_space<semaphore_mem>>)
        %mul3A_400 = arith.constant 16 : i32
        %mul3A_401 = arith.muli %scan3A_71, %mul3A_400 : i32
        %add3A_402 = arith.constant 10 : i32
        %add3A_403 = arith.addi %mul3A_401, %add3A_402 : i32
        %slice3A_404 = vector.extract_strided_slice %get3A_76 {offsets = [10], sizes = [1], strides = [1]} : vector<16xi32> to vector<1xi32>
        %squeeze3A_405 = vector.extract %slice3A_404[0] : i32 from vector<1xi32>
        %dma_start3A_406 = arith.constant 0 : i32
        %dma_start3A_407 = tpu.memref_slice %arg11[%add3A_403, %dma_start3A_406] : memref<128x64xf32, #tpu.memory_space<vmem>> -> memref<1x64xf32, #tpu.memory_space<vmem>>
        %dma_start3A_408 = tpu.memref_squeeze %dma_start3A_407 : memref<1x64xf32, #tpu.memory_space<vmem>> -> memref<64xf32, #tpu.memory_space<vmem>>
        %dma_start3A_409 = arith.constant 0 : i32
        %dma_start3A_410 = tpu.memref_slice %arg5[%squeeze3A_405, %dma_start3A_409] : memref<1000000x64xf32, #tpu.memory_space<hbm>> -> memref<1x64xf32, #tpu.memory_space<hbm>>
        %dma_start3A_411 = tpu.memref_squeeze %dma_start3A_410 : memref<1x64xf32, #tpu.memory_space<hbm>> -> memref<64xf32, #tpu.memory_space<hbm>>
        %dma_start3A_412 = arith.constant 0 : i32
        %dma_start3A_413 = tpu.memref_slice %arg11[%add3A_403, %dma_start3A_412] : memref<128x64xf32, #tpu.memory_space<vmem>> -> memref<1x64xf32, #tpu.memory_space<vmem>>
        %dma_start3A_414 = tpu.memref_squeeze %dma_start3A_413 : memref<1x64xf32, #tpu.memory_space<vmem>> -> memref<64xf32, #tpu.memory_space<vmem>>
        %dma_start3A_415 = arith.constant 0 : i32
        %dma_start3A_416 = tpu.memref_slice %arg5[%squeeze3A_405, %dma_start3A_415] : memref<1000000x64xf32, #tpu.memory_space<hbm>> -> memref<1x64xf32, #tpu.memory_space<hbm>>
        %dma_start3A_417 = tpu.memref_squeeze %dma_start3A_416 : memref<1x64xf32, #tpu.memory_space<hbm>> -> memref<64xf32, #tpu.memory_space<hbm>>
        tpu.enqueue_dma source(%dma_start3A_417 : memref<64xf32, #tpu.memory_space<hbm>>) target(%dma_start3A_414 : memref<64xf32, #tpu.memory_space<vmem>>) target_semaphore(%arg15 : memref<!tpu.dma_semaphore, #tpu.memory_space<semaphore_mem>>)
        %slice3A_418 = vector.extract_strided_slice %get3A_81 {offsets = [10], sizes = [1], strides = [1]} : vector<16xi32> to vector<1xi32>
        %squeeze3A_419 = vector.extract %slice3A_418[0] : i32 from vector<1xi32>
        %dma_start3A_420 = arith.constant 0 : i32
        %dma_start3A_421 = tpu.memref_slice %arg12[%add3A_403, %dma_start3A_420] : memref<128x64xf32, #tpu.memory_space<vmem>> -> memref<1x64xf32, #tpu.memory_space<vmem>>
        %dma_start3A_422 = tpu.memref_squeeze %dma_start3A_421 : memref<1x64xf32, #tpu.memory_space<vmem>> -> memref<64xf32, #tpu.memory_space<vmem>>
        %dma_start3A_423 = arith.constant 0 : i32
        %dma_start3A_424 = tpu.memref_slice %arg5[%squeeze3A_419, %dma_start3A_423] : memref<1000000x64xf32, #tpu.memory_space<hbm>> -> memref<1x64xf32, #tpu.memory_space<hbm>>
        %dma_start3A_425 = tpu.memref_squeeze %dma_start3A_424 : memref<1x64xf32, #tpu.memory_space<hbm>> -> memref<64xf32, #tpu.memory_space<hbm>>
        %dma_start3A_426 = arith.constant 0 : i32
        %dma_start3A_427 = tpu.memref_slice %arg12[%add3A_403, %dma_start3A_426] : memref<128x64xf32, #tpu.memory_space<vmem>> -> memref<1x64xf32, #tpu.memory_space<vmem>>
        %dma_start3A_428 = tpu.memref_squeeze %dma_start3A_427 : memref<1x64xf32, #tpu.memory_space<vmem>> -> memref<64xf32, #tpu.memory_space<vmem>>
        %dma_start3A_429 = arith.constant 0 : i32
        %dma_start3A_430 = tpu.memref_slice %arg5[%squeeze3A_419, %dma_start3A_429] : memref<1000000x64xf32, #tpu.memory_space<hbm>> -> memref<1x64xf32, #tpu.memory_space<hbm>>
        %dma_start3A_431 = tpu.memref_squeeze %dma_start3A_430 : memref<1x64xf32, #tpu.memory_space<hbm>> -> memref<64xf32, #tpu.memory_space<hbm>>
        tpu.enqueue_dma source(%dma_start3A_431 : memref<64xf32, #tpu.memory_space<hbm>>) target(%dma_start3A_428 : memref<64xf32, #tpu.memory_space<vmem>>) target_semaphore(%arg16 : memref<!tpu.dma_semaphore, #tpu.memory_space<semaphore_mem>>)
        %mul3A_432 = arith.constant 16 : i32
        %mul3A_433 = arith.muli %scan3A_71, %mul3A_432 : i32
        %add3A_434 = arith.constant 11 : i32
        %add3A_435 = arith.addi %mul3A_433, %add3A_434 : i32
        %slice3A_436 = vector.extract_strided_slice %get3A_76 {offsets = [11], sizes = [1], strides = [1]} : vector<16xi32> to vector<1xi32>
        %squeeze3A_437 = vector.extract %slice3A_436[0] : i32 from vector<1xi32>
        %dma_start3A_438 = arith.constant 0 : i32
        %dma_start3A_439 = tpu.memref_slice %arg11[%add3A_435, %dma_start3A_438] : memref<128x64xf32, #tpu.memory_space<vmem>> -> memref<1x64xf32, #tpu.memory_space<vmem>>
        %dma_start3A_440 = tpu.memref_squeeze %dma_start3A_439 : memref<1x64xf32, #tpu.memory_space<vmem>> -> memref<64xf32, #tpu.memory_space<vmem>>
        %dma_start3A_441 = arith.constant 0 : i32
        %dma_start3A_442 = tpu.memref_slice %arg5[%squeeze3A_437, %dma_start3A_441] : memref<1000000x64xf32, #tpu.memory_space<hbm>> -> memref<1x64xf32, #tpu.memory_space<hbm>>
        %dma_start3A_443 = tpu.memref_squeeze %dma_start3A_442 : memref<1x64xf32, #tpu.memory_space<hbm>> -> memref<64xf32, #tpu.memory_space<hbm>>
        %dma_start3A_444 = arith.constant 0 : i32
        %dma_start3A_445 = tpu.memref_slice %arg11[%add3A_435, %dma_start3A_444] : memref<128x64xf32, #tpu.memory_space<vmem>> -> memref<1x64xf32, #tpu.memory_space<vmem>>
        %dma_start3A_446 = tpu.memref_squeeze %dma_start3A_445 : memref<1x64xf32, #tpu.memory_space<vmem>> -> memref<64xf32, #tpu.memory_space<vmem>>
        %dma_start3A_447 = arith.constant 0 : i32
        %dma_start3A_448 = tpu.memref_slice %arg5[%squeeze3A_437, %dma_start3A_447] : memref<1000000x64xf32, #tpu.memory_space<hbm>> -> memref<1x64xf32, #tpu.memory_space<hbm>>
        %dma_start3A_449 = tpu.memref_squeeze %dma_start3A_448 : memref<1x64xf32, #tpu.memory_space<hbm>> -> memref<64xf32, #tpu.memory_space<hbm>>
        tpu.enqueue_dma source(%dma_start3A_449 : memref<64xf32, #tpu.memory_space<hbm>>) target(%dma_start3A_446 : memref<64xf32, #tpu.memory_space<vmem>>) target_semaphore(%arg15 : memref<!tpu.dma_semaphore, #tpu.memory_space<semaphore_mem>>)
        %slice3A_450 = vector.extract_strided_slice %get3A_81 {offsets = [11], sizes = [1], strides = [1]} : vector<16xi32> to vector<1xi32>
        %squeeze3A_451 = vector.extract %slice3A_450[0] : i32 from vector<1xi32>
        %dma_start3A_452 = arith.constant 0 : i32
        %dma_start3A_453 = tpu.memref_slice %arg12[%add3A_435, %dma_start3A_452] : memref<128x64xf32, #tpu.memory_space<vmem>> -> memref<1x64xf32, #tpu.memory_space<vmem>>
        %dma_start3A_454 = tpu.memref_squeeze %dma_start3A_453 : memref<1x64xf32, #tpu.memory_space<vmem>> -> memref<64xf32, #tpu.memory_space<vmem>>
        %dma_start3A_455 = arith.constant 0 : i32
        %dma_start3A_456 = tpu.memref_slice %arg5[%squeeze3A_451, %dma_start3A_455] : memref<1000000x64xf32, #tpu.memory_space<hbm>> -> memref<1x64xf32, #tpu.memory_space<hbm>>
        %dma_start3A_457 = tpu.memref_squeeze %dma_start3A_456 : memref<1x64xf32, #tpu.memory_space<hbm>> -> memref<64xf32, #tpu.memory_space<hbm>>
        %dma_start3A_458 = arith.constant 0 : i32
        %dma_start3A_459 = tpu.memref_slice %arg12[%add3A_435, %dma_start3A_458] : memref<128x64xf32, #tpu.memory_space<vmem>> -> memref<1x64xf32, #tpu.memory_space<vmem>>
        %dma_start3A_460 = tpu.memref_squeeze %dma_start3A_459 : memref<1x64xf32, #tpu.memory_space<vmem>> -> memref<64xf32, #tpu.memory_space<vmem>>
        %dma_start3A_461 = arith.constant 0 : i32
        %dma_start3A_462 = tpu.memref_slice %arg5[%squeeze3A_451, %dma_start3A_461] : memref<1000000x64xf32, #tpu.memory_space<hbm>> -> memref<1x64xf32, #tpu.memory_space<hbm>>
        %dma_start3A_463 = tpu.memref_squeeze %dma_start3A_462 : memref<1x64xf32, #tpu.memory_space<hbm>> -> memref<64xf32, #tpu.memory_space<hbm>>
        tpu.enqueue_dma source(%dma_start3A_463 : memref<64xf32, #tpu.memory_space<hbm>>) target(%dma_start3A_460 : memref<64xf32, #tpu.memory_space<vmem>>) target_semaphore(%arg16 : memref<!tpu.dma_semaphore, #tpu.memory_space<semaphore_mem>>)
        %mul3A_464 = arith.constant 16 : i32
        %mul3A_465 = arith.muli %scan3A_71, %mul3A_464 : i32
        %add3A_466 = arith.constant 12 : i32
        %add3A_467 = arith.addi %mul3A_465, %add3A_466 : i32
        %slice3A_468 = vector.extract_strided_slice %get3A_76 {offsets = [12], sizes = [1], strides = [1]} : vector<16xi32> to vector<1xi32>
        %squeeze3A_469 = vector.extract %slice3A_468[0] : i32 from vector<1xi32>
        %dma_start3A_470 = arith.constant 0 : i32
        %dma_start3A_471 = tpu.memref_slice %arg11[%add3A_467, %dma_start3A_470] : memref<128x64xf32, #tpu.memory_space<vmem>> -> memref<1x64xf32, #tpu.memory_space<vmem>>
        %dma_start3A_472 = tpu.memref_squeeze %dma_start3A_471 : memref<1x64xf32, #tpu.memory_space<vmem>> -> memref<64xf32, #tpu.memory_space<vmem>>
        %dma_start3A_473 = arith.constant 0 : i32
        %dma_start3A_474 = tpu.memref_slice %arg5[%squeeze3A_469, %dma_start3A_473] : memref<1000000x64xf32, #tpu.memory_space<hbm>> -> memref<1x64xf32, #tpu.memory_space<hbm>>
        %dma_start3A_475 = tpu.memref_squeeze %dma_start3A_474 : memref<1x64xf32, #tpu.memory_space<hbm>> -> memref<64xf32, #tpu.memory_space<hbm>>
        %dma_start3A_476 = arith.constant 0 : i32
        %dma_start3A_477 = tpu.memref_slice %arg11[%add3A_467, %dma_start3A_476] : memref<128x64xf32, #tpu.memory_space<vmem>> -> memref<1x64xf32, #tpu.memory_space<vmem>>
        %dma_start3A_478 = tpu.memref_squeeze %dma_start3A_477 : memref<1x64xf32, #tpu.memory_space<vmem>> -> memref<64xf32, #tpu.memory_space<vmem>>
        %dma_start3A_479 = arith.constant 0 : i32
        %dma_start3A_480 = tpu.memref_slice %arg5[%squeeze3A_469, %dma_start3A_479] : memref<1000000x64xf32, #tpu.memory_space<hbm>> -> memref<1x64xf32, #tpu.memory_space<hbm>>
        %dma_start3A_481 = tpu.memref_squeeze %dma_start3A_480 : memref<1x64xf32, #tpu.memory_space<hbm>> -> memref<64xf32, #tpu.memory_space<hbm>>
        tpu.enqueue_dma source(%dma_start3A_481 : memref<64xf32, #tpu.memory_space<hbm>>) target(%dma_start3A_478 : memref<64xf32, #tpu.memory_space<vmem>>) target_semaphore(%arg15 : memref<!tpu.dma_semaphore, #tpu.memory_space<semaphore_mem>>)
        %slice3A_482 = vector.extract_strided_slice %get3A_81 {offsets = [12], sizes = [1], strides = [1]} : vector<16xi32> to vector<1xi32>
        %squeeze3A_483 = vector.extract %slice3A_482[0] : i32 from vector<1xi32>
        %dma_start3A_484 = arith.constant 0 : i32
        %dma_start3A_485 = tpu.memref_slice %arg12[%add3A_467, %dma_start3A_484] : memref<128x64xf32, #tpu.memory_space<vmem>> -> memref<1x64xf32, #tpu.memory_space<vmem>>
        %dma_start3A_486 = tpu.memref_squeeze %dma_start3A_485 : memref<1x64xf32, #tpu.memory_space<vmem>> -> memref<64xf32, #tpu.memory_space<vmem>>
        %dma_start3A_487 = arith.constant 0 : i32
        %dma_start3A_488 = tpu.memref_slice %arg5[%squeeze3A_483, %dma_start3A_487] : memref<1000000x64xf32, #tpu.memory_space<hbm>> -> memref<1x64xf32, #tpu.memory_space<hbm>>
        %dma_start3A_489 = tpu.memref_squeeze %dma_start3A_488 : memref<1x64xf32, #tpu.memory_space<hbm>> -> memref<64xf32, #tpu.memory_space<hbm>>
        %dma_start3A_490 = arith.constant 0 : i32
        %dma_start3A_491 = tpu.memref_slice %arg12[%add3A_467, %dma_start3A_490] : memref<128x64xf32, #tpu.memory_space<vmem>> -> memref<1x64xf32, #tpu.memory_space<vmem>>
        %dma_start3A_492 = tpu.memref_squeeze %dma_start3A_491 : memref<1x64xf32, #tpu.memory_space<vmem>> -> memref<64xf32, #tpu.memory_space<vmem>>
        %dma_start3A_493 = arith.constant 0 : i32
        %dma_start3A_494 = tpu.memref_slice %arg5[%squeeze3A_483, %dma_start3A_493] : memref<1000000x64xf32, #tpu.memory_space<hbm>> -> memref<1x64xf32, #tpu.memory_space<hbm>>
        %dma_start3A_495 = tpu.memref_squeeze %dma_start3A_494 : memref<1x64xf32, #tpu.memory_space<hbm>> -> memref<64xf32, #tpu.memory_space<hbm>>
        tpu.enqueue_dma source(%dma_start3A_495 : memref<64xf32, #tpu.memory_space<hbm>>) target(%dma_start3A_492 : memref<64xf32, #tpu.memory_space<vmem>>) target_semaphore(%arg16 : memref<!tpu.dma_semaphore, #tpu.memory_space<semaphore_mem>>)
        %mul3A_496 = arith.constant 16 : i32
        %mul3A_497 = arith.muli %scan3A_71, %mul3A_496 : i32
        %add3A_498 = arith.constant 13 : i32
        %add3A_499 = arith.addi %mul3A_497, %add3A_498 : i32
        %slice3A_500 = vector.extract_strided_slice %get3A_76 {offsets = [13], sizes = [1], strides = [1]} : vector<16xi32> to vector<1xi32>
        %squeeze3A_501 = vector.extract %slice3A_500[0] : i32 from vector<1xi32>
        %dma_start3A_502 = arith.constant 0 : i32
        %dma_start3A_503 = tpu.memref_slice %arg11[%add3A_499, %dma_start3A_502] : memref<128x64xf32, #tpu.memory_space<vmem>> -> memref<1x64xf32, #tpu.memory_space<vmem>>
        %dma_start3A_504 = tpu.memref_squeeze %dma_start3A_503 : memref<1x64xf32, #tpu.memory_space<vmem>> -> memref<64xf32, #tpu.memory_space<vmem>>
        %dma_start3A_505 = arith.constant 0 : i32
        %dma_start3A_506 = tpu.memref_slice %arg5[%squeeze3A_501, %dma_start3A_505] : memref<1000000x64xf32, #tpu.memory_space<hbm>> -> memref<1x64xf32, #tpu.memory_space<hbm>>
        %dma_start3A_507 = tpu.memref_squeeze %dma_start3A_506 : memref<1x64xf32, #tpu.memory_space<hbm>> -> memref<64xf32, #tpu.memory_space<hbm>>
        %dma_start3A_508 = arith.constant 0 : i32
        %dma_start3A_509 = tpu.memref_slice %arg11[%add3A_499, %dma_start3A_508] : memref<128x64xf32, #tpu.memory_space<vmem>> -> memref<1x64xf32, #tpu.memory_space<vmem>>
        %dma_start3A_510 = tpu.memref_squeeze %dma_start3A_509 : memref<1x64xf32, #tpu.memory_space<vmem>> -> memref<64xf32, #tpu.memory_space<vmem>>
        %dma_start3A_511 = arith.constant 0 : i32
        %dma_start3A_512 = tpu.memref_slice %arg5[%squeeze3A_501, %dma_start3A_511] : memref<1000000x64xf32, #tpu.memory_space<hbm>> -> memref<1x64xf32, #tpu.memory_space<hbm>>
        %dma_start3A_513 = tpu.memref_squeeze %dma_start3A_512 : memref<1x64xf32, #tpu.memory_space<hbm>> -> memref<64xf32, #tpu.memory_space<hbm>>
        tpu.enqueue_dma source(%dma_start3A_513 : memref<64xf32, #tpu.memory_space<hbm>>) target(%dma_start3A_510 : memref<64xf32, #tpu.memory_space<vmem>>) target_semaphore(%arg15 : memref<!tpu.dma_semaphore, #tpu.memory_space<semaphore_mem>>)
        %slice3A_514 = vector.extract_strided_slice %get3A_81 {offsets = [13], sizes = [1], strides = [1]} : vector<16xi32> to vector<1xi32>
        %squeeze3A_515 = vector.extract %slice3A_514[0] : i32 from vector<1xi32>
        %dma_start3A_516 = arith.constant 0 : i32
        %dma_start3A_517 = tpu.memref_slice %arg12[%add3A_499, %dma_start3A_516] : memref<128x64xf32, #tpu.memory_space<vmem>> -> memref<1x64xf32, #tpu.memory_space<vmem>>
        %dma_start3A_518 = tpu.memref_squeeze %dma_start3A_517 : memref<1x64xf32, #tpu.memory_space<vmem>> -> memref<64xf32, #tpu.memory_space<vmem>>
        %dma_start3A_519 = arith.constant 0 : i32
        %dma_start3A_520 = tpu.memref_slice %arg5[%squeeze3A_515, %dma_start3A_519] : memref<1000000x64xf32, #tpu.memory_space<hbm>> -> memref<1x64xf32, #tpu.memory_space<hbm>>
        %dma_start3A_521 = tpu.memref_squeeze %dma_start3A_520 : memref<1x64xf32, #tpu.memory_space<hbm>> -> memref<64xf32, #tpu.memory_space<hbm>>
        %dma_start3A_522 = arith.constant 0 : i32
        %dma_start3A_523 = tpu.memref_slice %arg12[%add3A_499, %dma_start3A_522] : memref<128x64xf32, #tpu.memory_space<vmem>> -> memref<1x64xf32, #tpu.memory_space<vmem>>
        %dma_start3A_524 = tpu.memref_squeeze %dma_start3A_523 : memref<1x64xf32, #tpu.memory_space<vmem>> -> memref<64xf32, #tpu.memory_space<vmem>>
        %dma_start3A_525 = arith.constant 0 : i32
        %dma_start3A_526 = tpu.memref_slice %arg5[%squeeze3A_515, %dma_start3A_525] : memref<1000000x64xf32, #tpu.memory_space<hbm>> -> memref<1x64xf32, #tpu.memory_space<hbm>>
        %dma_start3A_527 = tpu.memref_squeeze %dma_start3A_526 : memref<1x64xf32, #tpu.memory_space<hbm>> -> memref<64xf32, #tpu.memory_space<hbm>>
        tpu.enqueue_dma source(%dma_start3A_527 : memref<64xf32, #tpu.memory_space<hbm>>) target(%dma_start3A_524 : memref<64xf32, #tpu.memory_space<vmem>>) target_semaphore(%arg16 : memref<!tpu.dma_semaphore, #tpu.memory_space<semaphore_mem>>)
        %mul3A_528 = arith.constant 16 : i32
        %mul3A_529 = arith.muli %scan3A_71, %mul3A_528 : i32
        %add3A_530 = arith.constant 14 : i32
        %add3A_531 = arith.addi %mul3A_529, %add3A_530 : i32
        %slice3A_532 = vector.extract_strided_slice %get3A_76 {offsets = [14], sizes = [1], strides = [1]} : vector<16xi32> to vector<1xi32>
        %squeeze3A_533 = vector.extract %slice3A_532[0] : i32 from vector<1xi32>
        %dma_start3A_534 = arith.constant 0 : i32
        %dma_start3A_535 = tpu.memref_slice %arg11[%add3A_531, %dma_start3A_534] : memref<128x64xf32, #tpu.memory_space<vmem>> -> memref<1x64xf32, #tpu.memory_space<vmem>>
        %dma_start3A_536 = tpu.memref_squeeze %dma_start3A_535 : memref<1x64xf32, #tpu.memory_space<vmem>> -> memref<64xf32, #tpu.memory_space<vmem>>
        %dma_start3A_537 = arith.constant 0 : i32
        %dma_start3A_538 = tpu.memref_slice %arg5[%squeeze3A_533, %dma_start3A_537] : memref<1000000x64xf32, #tpu.memory_space<hbm>> -> memref<1x64xf32, #tpu.memory_space<hbm>>
        %dma_start3A_539 = tpu.memref_squeeze %dma_start3A_538 : memref<1x64xf32, #tpu.memory_space<hbm>> -> memref<64xf32, #tpu.memory_space<hbm>>
        %dma_start3A_540 = arith.constant 0 : i32
        %dma_start3A_541 = tpu.memref_slice %arg11[%add3A_531, %dma_start3A_540] : memref<128x64xf32, #tpu.memory_space<vmem>> -> memref<1x64xf32, #tpu.memory_space<vmem>>
        %dma_start3A_542 = tpu.memref_squeeze %dma_start3A_541 : memref<1x64xf32, #tpu.memory_space<vmem>> -> memref<64xf32, #tpu.memory_space<vmem>>
        %dma_start3A_543 = arith.constant 0 : i32
        %dma_start3A_544 = tpu.memref_slice %arg5[%squeeze3A_533, %dma_start3A_543] : memref<1000000x64xf32, #tpu.memory_space<hbm>> -> memref<1x64xf32, #tpu.memory_space<hbm>>
        %dma_start3A_545 = tpu.memref_squeeze %dma_start3A_544 : memref<1x64xf32, #tpu.memory_space<hbm>> -> memref<64xf32, #tpu.memory_space<hbm>>
        tpu.enqueue_dma source(%dma_start3A_545 : memref<64xf32, #tpu.memory_space<hbm>>) target(%dma_start3A_542 : memref<64xf32, #tpu.memory_space<vmem>>) target_semaphore(%arg15 : memref<!tpu.dma_semaphore, #tpu.memory_space<semaphore_mem>>)
        %slice3A_546 = vector.extract_strided_slice %get3A_81 {offsets = [14], sizes = [1], strides = [1]} : vector<16xi32> to vector<1xi32>
        %squeeze3A_547 = vector.extract %slice3A_546[0] : i32 from vector<1xi32>
        %dma_start3A_548 = arith.constant 0 : i32
        %dma_start3A_549 = tpu.memref_slice %arg12[%add3A_531, %dma_start3A_548] : memref<128x64xf32, #tpu.memory_space<vmem>> -> memref<1x64xf32, #tpu.memory_space<vmem>>
        %dma_start3A_550 = tpu.memref_squeeze %dma_start3A_549 : memref<1x64xf32, #tpu.memory_space<vmem>> -> memref<64xf32, #tpu.memory_space<vmem>>
        %dma_start3A_551 = arith.constant 0 : i32
        %dma_start3A_552 = tpu.memref_slice %arg5[%squeeze3A_547, %dma_start3A_551] : memref<1000000x64xf32, #tpu.memory_space<hbm>> -> memref<1x64xf32, #tpu.memory_space<hbm>>
        %dma_start3A_553 = tpu.memref_squeeze %dma_start3A_552 : memref<1x64xf32, #tpu.memory_space<hbm>> -> memref<64xf32, #tpu.memory_space<hbm>>
        %dma_start3A_554 = arith.constant 0 : i32
        %dma_start3A_555 = tpu.memref_slice %arg12[%add3A_531, %dma_start3A_554] : memref<128x64xf32, #tpu.memory_space<vmem>> -> memref<1x64xf32, #tpu.memory_space<vmem>>
        %dma_start3A_556 = tpu.memref_squeeze %dma_start3A_555 : memref<1x64xf32, #tpu.memory_space<vmem>> -> memref<64xf32, #tpu.memory_space<vmem>>
        %dma_start3A_557 = arith.constant 0 : i32
        %dma_start3A_558 = tpu.memref_slice %arg5[%squeeze3A_547, %dma_start3A_557] : memref<1000000x64xf32, #tpu.memory_space<hbm>> -> memref<1x64xf32, #tpu.memory_space<hbm>>
        %dma_start3A_559 = tpu.memref_squeeze %dma_start3A_558 : memref<1x64xf32, #tpu.memory_space<hbm>> -> memref<64xf32, #tpu.memory_space<hbm>>
        tpu.enqueue_dma source(%dma_start3A_559 : memref<64xf32, #tpu.memory_space<hbm>>) target(%dma_start3A_556 : memref<64xf32, #tpu.memory_space<vmem>>) target_semaphore(%arg16 : memref<!tpu.dma_semaphore, #tpu.memory_space<semaphore_mem>>)
        %mul3A_560 = arith.constant 16 : i32
        %mul3A_561 = arith.muli %scan3A_71, %mul3A_560 : i32
        %add3A_562 = arith.constant 15 : i32
        %add3A_563 = arith.addi %mul3A_561, %add3A_562 : i32
        %slice3A_564 = vector.extract_strided_slice %get3A_76 {offsets = [15], sizes = [1], strides = [1]} : vector<16xi32> to vector<1xi32>
        %squeeze3A_565 = vector.extract %slice3A_564[0] : i32 from vector<1xi32>
        %dma_start3A_566 = arith.constant 0 : i32
        %dma_start3A_567 = tpu.memref_slice %arg11[%add3A_563, %dma_start3A_566] : memref<128x64xf32, #tpu.memory_space<vmem>> -> memref<1x64xf32, #tpu.memory_space<vmem>>
        %dma_start3A_568 = tpu.memref_squeeze %dma_start3A_567 : memref<1x64xf32, #tpu.memory_space<vmem>> -> memref<64xf32, #tpu.memory_space<vmem>>
        %dma_start3A_569 = arith.constant 0 : i32
        %dma_start3A_570 = tpu.memref_slice %arg5[%squeeze3A_565, %dma_start3A_569] : memref<1000000x64xf32, #tpu.memory_space<hbm>> -> memref<1x64xf32, #tpu.memory_space<hbm>>
        %dma_start3A_571 = tpu.memref_squeeze %dma_start3A_570 : memref<1x64xf32, #tpu.memory_space<hbm>> -> memref<64xf32, #tpu.memory_space<hbm>>
        %dma_start3A_572 = arith.constant 0 : i32
        %dma_start3A_573 = tpu.memref_slice %arg11[%add3A_563, %dma_start3A_572] : memref<128x64xf32, #tpu.memory_space<vmem>> -> memref<1x64xf32, #tpu.memory_space<vmem>>
        %dma_start3A_574 = tpu.memref_squeeze %dma_start3A_573 : memref<1x64xf32, #tpu.memory_space<vmem>> -> memref<64xf32, #tpu.memory_space<vmem>>
        %dma_start3A_575 = arith.constant 0 : i32
        %dma_start3A_576 = tpu.memref_slice %arg5[%squeeze3A_565, %dma_start3A_575] : memref<1000000x64xf32, #tpu.memory_space<hbm>> -> memref<1x64xf32, #tpu.memory_space<hbm>>
        %dma_start3A_577 = tpu.memref_squeeze %dma_start3A_576 : memref<1x64xf32, #tpu.memory_space<hbm>> -> memref<64xf32, #tpu.memory_space<hbm>>
        tpu.enqueue_dma source(%dma_start3A_577 : memref<64xf32, #tpu.memory_space<hbm>>) target(%dma_start3A_574 : memref<64xf32, #tpu.memory_space<vmem>>) target_semaphore(%arg15 : memref<!tpu.dma_semaphore, #tpu.memory_space<semaphore_mem>>)
        %slice3A_578 = vector.extract_strided_slice %get3A_81 {offsets = [15], sizes = [1], strides = [1]} : vector<16xi32> to vector<1xi32>
        %squeeze3A_579 = vector.extract %slice3A_578[0] : i32 from vector<1xi32>
        %dma_start3A_580 = arith.constant 0 : i32
        %dma_start3A_581 = tpu.memref_slice %arg12[%add3A_563, %dma_start3A_580] : memref<128x64xf32, #tpu.memory_space<vmem>> -> memref<1x64xf32, #tpu.memory_space<vmem>>
        %dma_start3A_582 = tpu.memref_squeeze %dma_start3A_581 : memref<1x64xf32, #tpu.memory_space<vmem>> -> memref<64xf32, #tpu.memory_space<vmem>>
        %dma_start3A_583 = arith.constant 0 : i32
        %dma_start3A_584 = tpu.memref_slice %arg5[%squeeze3A_579, %dma_start3A_583] : memref<1000000x64xf32, #tpu.memory_space<hbm>> -> memref<1x64xf32, #tpu.memory_space<hbm>>
        %dma_start3A_585 = tpu.memref_squeeze %dma_start3A_584 : memref<1x64xf32, #tpu.memory_space<hbm>> -> memref<64xf32, #tpu.memory_space<hbm>>
        %dma_start3A_586 = arith.constant 0 : i32
        %dma_start3A_587 = tpu.memref_slice %arg12[%add3A_563, %dma_start3A_586] : memref<128x64xf32, #tpu.memory_space<vmem>> -> memref<1x64xf32, #tpu.memory_space<vmem>>
        %dma_start3A_588 = tpu.memref_squeeze %dma_start3A_587 : memref<1x64xf32, #tpu.memory_space<vmem>> -> memref<64xf32, #tpu.memory_space<vmem>>
        %dma_start3A_589 = arith.constant 0 : i32
        %dma_start3A_590 = tpu.memref_slice %arg5[%squeeze3A_579, %dma_start3A_589] : memref<1000000x64xf32, #tpu.memory_space<hbm>> -> memref<1x64xf32, #tpu.memory_space<hbm>>
        %dma_start3A_591 = tpu.memref_squeeze %dma_start3A_590 : memref<1x64xf32, #tpu.memory_space<hbm>> -> memref<64xf32, #tpu.memory_space<hbm>>
        tpu.enqueue_dma source(%dma_start3A_591 : memref<64xf32, #tpu.memory_space<hbm>>) target(%dma_start3A_588 : memref<64xf32, #tpu.memory_space<vmem>>) target_semaphore(%arg16 : memref<!tpu.dma_semaphore, #tpu.memory_space<semaphore_mem>>)
        %scan3A_592 = arith.constant 0 : i32
        scf.yield %scan3A_592 : i32
      }
      %scan3A_55 = arith.constant 8 : i32
      %scan3A_56 = arith.constant 0 : i32
      %scan3A_57 = arith.constant 0 : i32
      %scan3A_58 = arith.constant 128 : i32
      %scan3A_59 = arith.addi %scan3A_57, %scan3A_58 : i32
      %scan3A_60 = arith.constant 1 : i32
      %scan3A_61 = scf.for %scan3A_71 = %scan3A_57 to %scan3A_59 step %scan3A_60 iter_args(%scan3A_72 = %scan3A_56) -> (i32)  : i32 {
        %dma_wait3A_73 = arith.constant 0 : i32
        %dma_wait3A_74 = arith.constant 0 : i32
        %dma_wait3A_75 = arith.constant 0 : i32
        %dma_wait3A_76 = tpu.memref_slice %arg11[%dma_wait3A_74, %dma_wait3A_75] : memref<128x64xf32, #tpu.memory_space<vmem>> -> memref<1x64xf32, #tpu.memory_space<vmem>>
        %dma_wait3A_77 = tpu.memref_squeeze %dma_wait3A_76 : memref<1x64xf32, #tpu.memory_space<vmem>> -> memref<64xf32, #tpu.memory_space<vmem>>
        %dma_wait3A_78 = arith.constant 0 : i32
        %dma_wait3A_79 = tpu.memref_slice %arg5[%dma_wait3A_73, %dma_wait3A_78] : memref<1000000x64xf32, #tpu.memory_space<hbm>> -> memref<1x64xf32, #tpu.memory_space<hbm>>
        %dma_wait3A_80 = tpu.memref_squeeze %dma_wait3A_79 : memref<1x64xf32, #tpu.memory_space<hbm>> -> memref<64xf32, #tpu.memory_space<hbm>>
        %dma_wait3A_81 = arith.constant 0 : i32
        %dma_wait3A_82 = tpu.memref_slice %arg11[%dma_wait3A_74, %dma_wait3A_81] : memref<128x64xf32, #tpu.memory_space<vmem>> -> memref<1x64xf32, #tpu.memory_space<vmem>>
        %dma_wait3A_83 = tpu.memref_squeeze %dma_wait3A_82 : memref<1x64xf32, #tpu.memory_space<vmem>> -> memref<64xf32, #tpu.memory_space<vmem>>
        %dma_wait3A_84 = arith.constant 0 : i32
        %dma_wait3A_85 = tpu.memref_slice %arg5[%dma_wait3A_73, %dma_wait3A_84] : memref<1000000x64xf32, #tpu.memory_space<hbm>> -> memref<1x64xf32, #tpu.memory_space<hbm>>
        %dma_wait3A_86 = tpu.memref_squeeze %dma_wait3A_85 : memref<1x64xf32, #tpu.memory_space<hbm>> -> memref<64xf32, #tpu.memory_space<hbm>>
        tpu.wait_dma2 semaphore(%arg15 : memref<!tpu.dma_semaphore, #tpu.memory_space<semaphore_mem>>) src(%dma_wait3A_86 : memref<64xf32, #tpu.memory_space<hbm>>) dst(%dma_wait3A_83 : memref<64xf32, #tpu.memory_space<vmem>>)
        %dma_wait3A_87 = arith.constant 0 : i32
        %dma_wait3A_88 = arith.constant 0 : i32
        %dma_wait3A_89 = arith.constant 0 : i32
        %dma_wait3A_90 = tpu.memref_slice %arg12[%dma_wait3A_88, %dma_wait3A_89] : memref<128x64xf32, #tpu.memory_space<vmem>> -> memref<1x64xf32, #tpu.memory_space<vmem>>
        %dma_wait3A_91 = tpu.memref_squeeze %dma_wait3A_90 : memref<1x64xf32, #tpu.memory_space<vmem>> -> memref<64xf32, #tpu.memory_space<vmem>>
        %dma_wait3A_92 = arith.constant 0 : i32
        %dma_wait3A_93 = tpu.memref_slice %arg5[%dma_wait3A_87, %dma_wait3A_92] : memref<1000000x64xf32, #tpu.memory_space<hbm>> -> memref<1x64xf32, #tpu.memory_space<hbm>>
        %dma_wait3A_94 = tpu.memref_squeeze %dma_wait3A_93 : memref<1x64xf32, #tpu.memory_space<hbm>> -> memref<64xf32, #tpu.memory_space<hbm>>
        %dma_wait3A_95 = arith.constant 0 : i32
        %dma_wait3A_96 = tpu.memref_slice %arg12[%dma_wait3A_88, %dma_wait3A_95] : memref<128x64xf32, #tpu.memory_space<vmem>> -> memref<1x64xf32, #tpu.memory_space<vmem>>
        %dma_wait3A_97 = tpu.memref_squeeze %dma_wait3A_96 : memref<1x64xf32, #tpu.memory_space<vmem>> -> memref<64xf32, #tpu.memory_space<vmem>>
        %dma_wait3A_98 = arith.constant 0 : i32
        %dma_wait3A_99 = tpu.memref_slice %arg5[%dma_wait3A_87, %dma_wait3A_98] : memref<1000000x64xf32, #tpu.memory_space<hbm>> -> memref<1x64xf32, #tpu.memory_space<hbm>>
        %dma_wait3A_100 = tpu.memref_squeeze %dma_wait3A_99 : memref<1x64xf32, #tpu.memory_space<hbm>> -> memref<64xf32, #tpu.memory_space<hbm>>
        tpu.wait_dma2 semaphore(%arg16 : memref<!tpu.dma_semaphore, #tpu.memory_space<semaphore_mem>>) src(%dma_wait3A_100 : memref<64xf32, #tpu.memory_space<hbm>>) dst(%dma_wait3A_97 : memref<64xf32, #tpu.memory_space<vmem>>)
        %scan3A_101 = arith.constant 0 : i32
        scf.yield %scan3A_101 : i32
      }
      %scan3A_62 = arith.constant 128 : i32
      %scan3A_63 = arith.constant 0 : i32
      %scan3A_64 = arith.constant 0 : i32
      %scan3A_65 = arith.constant 8 : i32
      %scan3A_66 = arith.addi %scan3A_64, %scan3A_65 : i32
      %scan3A_67 = arith.constant 1 : i32
      %scan3A_68 = scf.for %scan3A_71 = %scan3A_64 to %scan3A_66 step %scan3A_67 iter_args(%scan3A_72 = %scan3A_63) -> (i32)  : i32 {
        %mul3A_73 = arith.constant 16 : i32
        %mul3A_74 = arith.muli %scan3A_71, %mul3A_73 : i32
        %add3A_75 = vector.broadcast %mul3A_74 : i32 to vector<16xi32>
        %add3A_76 = arith.addi %iota3A, %add3A_75 : vector<16xi32>
        %mul3A_77 = arith.constant 16 : i32
        %mul3A_78 = arith.muli %scan3A_71, %mul3A_77 : i32
        %add3A_79 = arith.addi %mul3A_48, %mul3A_78 : i32
        %get3A = arith.index_cast %add3A_79 : i32 to index
        %get3A_80 = tpu.vector_load %arg9[%get3A] {strides = array<i32>} : memref<512xi32, #tpu.memory_space<vmem>>, vector<16xi32>,
        %shift_right_logical3A = arith.constant 1 : i32
        %shift_right_logical3A_81 = vector.broadcast %shift_right_logical3A : i32 to vector<16xi32>
        %shift_right_logical3A_82 = arith.shrui %get3A_80, %shift_right_logical3A_81 : vector<16xi32>
        %and3A = arith.constant 1 : i32
        %and3A_83 = vector.broadcast %and3A : i32 to vector<16xi32>
        %and3A_84 = arith.andi %get3A_80, %and3A_83 : vector<16xi32>
        %mul3A_85 = arith.constant 64 : i32
        %mul3A_86 = vector.broadcast %mul3A_85 : i32 to vector<16xi32>
        %mul3A_87 = arith.muli %and3A_84, %mul3A_86 : vector<16xi32>
        %broadcast_in_dim3A = arith.constant 0.000000e+00 : f32
        %broadcast_in_dim3A_88 = vector.broadcast %broadcast_in_dim3A : f32 to vector<16xf32>
        %broadcast_in_dim3A_89 = arith.constant 0 : i32
        %broadcast_in_dim3A_90 = vector.broadcast %broadcast_in_dim3A_89 : i32 to vector<16xi32>
        %gather3A = tpu.vector_load_idx %arg11[%add3A_76, %broadcast_in_dim3A_90] : memref<128x64xf32, #tpu.memory_space<vmem>>[vector<16xi32>, vector<16xi32>], vector<16xf32>,
        %gather3A_91 = tpu.vector_load_idx %arg12[%add3A_76, %broadcast_in_dim3A_90] : memref<128x64xf32, #tpu.memory_space<vmem>>[vector<16xi32>, vector<16xi32>], vector<16xf32>,
        %add3A_92 = arith.addi %broadcast_in_dim3A_90, %mul3A_87 : vector<16xi32>
        %gather3A_93 = tpu.vector_load_idx %arg13[%shift_right_logical3A_82, %add3A_92] : memref<500x128xf32, #tpu.memory_space<vmem>>[vector<16xi32>, vector<16xi32>], vector<16xf32>,
        %add3A_94 = arith.addf %gather3A, %gather3A_93 : vector<16xf32>
        %sub3A = arith.subf %add3A_94, %gather3A_91 : vector<16xf32>
        %abs3A = math.absf %sub3A : vector<16xf32>
        %add3A_95 = arith.addf %broadcast_in_dim3A_88, %abs3A : vector<16xf32>
        %broadcast_in_dim3A_96 = arith.constant 1 : i32
        %broadcast_in_dim3A_97 = vector.broadcast %broadcast_in_dim3A_96 : i32 to vector<16xi32>
        %gather3A_98 = tpu.vector_load_idx %arg11[%add3A_76, %broadcast_in_dim3A_97] : memref<128x64xf32, #tpu.memory_space<vmem>>[vector<16xi32>, vector<16xi32>], vector<16xf32>,
        %gather3A_99 = tpu.vector_load_idx %arg12[%add3A_76, %broadcast_in_dim3A_97] : memref<128x64xf32, #tpu.memory_space<vmem>>[vector<16xi32>, vector<16xi32>], vector<16xf32>,
        %add3A_100 = arith.addi %broadcast_in_dim3A_97, %mul3A_87 : vector<16xi32>
        %gather3A_101 = tpu.vector_load_idx %arg13[%shift_right_logical3A_82, %add3A_100] : memref<500x128xf32, #tpu.memory_space<vmem>>[vector<16xi32>, vector<16xi32>], vector<16xf32>,
        %add3A_102 = arith.addf %gather3A_98, %gather3A_101 : vector<16xf32>
        %sub3A_103 = arith.subf %add3A_102, %gather3A_99 : vector<16xf32>
        %abs3A_104 = math.absf %sub3A_103 : vector<16xf32>
        %add3A_105 = arith.addf %add3A_95, %abs3A_104 : vector<16xf32>
        %broadcast_in_dim3A_106 = arith.constant 2 : i32
        %broadcast_in_dim3A_107 = vector.broadcast %broadcast_in_dim3A_106 : i32 to vector<16xi32>
        %gather3A_108 = tpu.vector_load_idx %arg11[%add3A_76, %broadcast_in_dim3A_107] : memref<128x64xf32, #tpu.memory_space<vmem>>[vector<16xi32>, vector<16xi32>], vector<16xf32>,
        %gather3A_109 = tpu.vector_load_idx %arg12[%add3A_76, %broadcast_in_dim3A_107] : memref<128x64xf32, #tpu.memory_space<vmem>>[vector<16xi32>, vector<16xi32>], vector<16xf32>,
        %add3A_110 = arith.addi %broadcast_in_dim3A_107, %mul3A_87 : vector<16xi32>
        %gather3A_111 = tpu.vector_load_idx %arg13[%shift_right_logical3A_82, %add3A_110] : memref<500x128xf32, #tpu.memory_space<vmem>>[vector<16xi32>, vector<16xi32>], vector<16xf32>,
        %add3A_112 = arith.addf %gather3A_108, %gather3A_111 : vector<16xf32>
        %sub3A_113 = arith.subf %add3A_112, %gather3A_109 : vector<16xf32>
        %abs3A_114 = math.absf %sub3A_113 : vector<16xf32>
        %add3A_115 = arith.addf %add3A_105, %abs3A_114 : vector<16xf32>
        %broadcast_in_dim3A_116 = arith.constant 3 : i32
        %broadcast_in_dim3A_117 = vector.broadcast %broadcast_in_dim3A_116 : i32 to vector<16xi32>
        %gather3A_118 = tpu.vector_load_idx %arg11[%add3A_76, %broadcast_in_dim3A_117] : memref<128x64xf32, #tpu.memory_space<vmem>>[vector<16xi32>, vector<16xi32>], vector<16xf32>,
        %gather3A_119 = tpu.vector_load_idx %arg12[%add3A_76, %broadcast_in_dim3A_117] : memref<128x64xf32, #tpu.memory_space<vmem>>[vector<16xi32>, vector<16xi32>], vector<16xf32>,
        %add3A_120 = arith.addi %broadcast_in_dim3A_117, %mul3A_87 : vector<16xi32>
        %gather3A_121 = tpu.vector_load_idx %arg13[%shift_right_logical3A_82, %add3A_120] : memref<500x128xf32, #tpu.memory_space<vmem>>[vector<16xi32>, vector<16xi32>], vector<16xf32>,
        %add3A_122 = arith.addf %gather3A_118, %gather3A_121 : vector<16xf32>
        %sub3A_123 = arith.subf %add3A_122, %gather3A_119 : vector<16xf32>
        %abs3A_124 = math.absf %sub3A_123 : vector<16xf32>
        %add3A_125 = arith.addf %add3A_115, %abs3A_124 : vector<16xf32>
        %broadcast_in_dim3A_126 = arith.constant 4 : i32
        %broadcast_in_dim3A_127 = vector.broadcast %broadcast_in_dim3A_126 : i32 to vector<16xi32>
        %gather3A_128 = tpu.vector_load_idx %arg11[%add3A_76, %broadcast_in_dim3A_127] : memref<128x64xf32, #tpu.memory_space<vmem>>[vector<16xi32>, vector<16xi32>], vector<16xf32>,
        %gather3A_129 = tpu.vector_load_idx %arg12[%add3A_76, %broadcast_in_dim3A_127] : memref<128x64xf32, #tpu.memory_space<vmem>>[vector<16xi32>, vector<16xi32>], vector<16xf32>,
        %add3A_130 = arith.addi %broadcast_in_dim3A_127, %mul3A_87 : vector<16xi32>
        %gather3A_131 = tpu.vector_load_idx %arg13[%shift_right_logical3A_82, %add3A_130] : memref<500x128xf32, #tpu.memory_space<vmem>>[vector<16xi32>, vector<16xi32>], vector<16xf32>,
        %add3A_132 = arith.addf %gather3A_128, %gather3A_131 : vector<16xf32>
        %sub3A_133 = arith.subf %add3A_132, %gather3A_129 : vector<16xf32>
        %abs3A_134 = math.absf %sub3A_133 : vector<16xf32>
        %add3A_135 = arith.addf %add3A_125, %abs3A_134 : vector<16xf32>
        %broadcast_in_dim3A_136 = arith.constant 5 : i32
        %broadcast_in_dim3A_137 = vector.broadcast %broadcast_in_dim3A_136 : i32 to vector<16xi32>
        %gather3A_138 = tpu.vector_load_idx %arg11[%add3A_76, %broadcast_in_dim3A_137] : memref<128x64xf32, #tpu.memory_space<vmem>>[vector<16xi32>, vector<16xi32>], vector<16xf32>,
        %gather3A_139 = tpu.vector_load_idx %arg12[%add3A_76, %broadcast_in_dim3A_137] : memref<128x64xf32, #tpu.memory_space<vmem>>[vector<16xi32>, vector<16xi32>], vector<16xf32>,
        %add3A_140 = arith.addi %broadcast_in_dim3A_137, %mul3A_87 : vector<16xi32>
        %gather3A_141 = tpu.vector_load_idx %arg13[%shift_right_logical3A_82, %add3A_140] : memref<500x128xf32, #tpu.memory_space<vmem>>[vector<16xi32>, vector<16xi32>], vector<16xf32>,
        %add3A_142 = arith.addf %gather3A_138, %gather3A_141 : vector<16xf32>
        %sub3A_143 = arith.subf %add3A_142, %gather3A_139 : vector<16xf32>
        %abs3A_144 = math.absf %sub3A_143 : vector<16xf32>
        %add3A_145 = arith.addf %add3A_135, %abs3A_144 : vector<16xf32>
        %broadcast_in_dim3A_146 = arith.constant 6 : i32
        %broadcast_in_dim3A_147 = vector.broadcast %broadcast_in_dim3A_146 : i32 to vector<16xi32>
        %gather3A_148 = tpu.vector_load_idx %arg11[%add3A_76, %broadcast_in_dim3A_147] : memref<128x64xf32, #tpu.memory_space<vmem>>[vector<16xi32>, vector<16xi32>], vector<16xf32>,
        %gather3A_149 = tpu.vector_load_idx %arg12[%add3A_76, %broadcast_in_dim3A_147] : memref<128x64xf32, #tpu.memory_space<vmem>>[vector<16xi32>, vector<16xi32>], vector<16xf32>,
        %add3A_150 = arith.addi %broadcast_in_dim3A_147, %mul3A_87 : vector<16xi32>
        %gather3A_151 = tpu.vector_load_idx %arg13[%shift_right_logical3A_82, %add3A_150] : memref<500x128xf32, #tpu.memory_space<vmem>>[vector<16xi32>, vector<16xi32>], vector<16xf32>,
        %add3A_152 = arith.addf %gather3A_148, %gather3A_151 : vector<16xf32>
        %sub3A_153 = arith.subf %add3A_152, %gather3A_149 : vector<16xf32>
        %abs3A_154 = math.absf %sub3A_153 : vector<16xf32>
        %add3A_155 = arith.addf %add3A_145, %abs3A_154 : vector<16xf32>
        %broadcast_in_dim3A_156 = arith.constant 7 : i32
        %broadcast_in_dim3A_157 = vector.broadcast %broadcast_in_dim3A_156 : i32 to vector<16xi32>
        %gather3A_158 = tpu.vector_load_idx %arg11[%add3A_76, %broadcast_in_dim3A_157] : memref<128x64xf32, #tpu.memory_space<vmem>>[vector<16xi32>, vector<16xi32>], vector<16xf32>,
        %gather3A_159 = tpu.vector_load_idx %arg12[%add3A_76, %broadcast_in_dim3A_157] : memref<128x64xf32, #tpu.memory_space<vmem>>[vector<16xi32>, vector<16xi32>], vector<16xf32>,
        %add3A_160 = arith.addi %broadcast_in_dim3A_157, %mul3A_87 : vector<16xi32>
        %gather3A_161 = tpu.vector_load_idx %arg13[%shift_right_logical3A_82, %add3A_160] : memref<500x128xf32, #tpu.memory_space<vmem>>[vector<16xi32>, vector<16xi32>], vector<16xf32>,
        %add3A_162 = arith.addf %gather3A_158, %gather3A_161 : vector<16xf32>
        %sub3A_163 = arith.subf %add3A_162, %gather3A_159 : vector<16xf32>
        %abs3A_164 = math.absf %sub3A_163 : vector<16xf32>
        %add3A_165 = arith.addf %add3A_155, %abs3A_164 : vector<16xf32>
        %broadcast_in_dim3A_166 = arith.constant 8 : i32
        %broadcast_in_dim3A_167 = vector.broadcast %broadcast_in_dim3A_166 : i32 to vector<16xi32>
        %gather3A_168 = tpu.vector_load_idx %arg11[%add3A_76, %broadcast_in_dim3A_167] : memref<128x64xf32, #tpu.memory_space<vmem>>[vector<16xi32>, vector<16xi32>], vector<16xf32>,
        %gather3A_169 = tpu.vector_load_idx %arg12[%add3A_76, %broadcast_in_dim3A_167] : memref<128x64xf32, #tpu.memory_space<vmem>>[vector<16xi32>, vector<16xi32>], vector<16xf32>,
        %add3A_170 = arith.addi %broadcast_in_dim3A_167, %mul3A_87 : vector<16xi32>
        %gather3A_171 = tpu.vector_load_idx %arg13[%shift_right_logical3A_82, %add3A_170] : memref<500x128xf32, #tpu.memory_space<vmem>>[vector<16xi32>, vector<16xi32>], vector<16xf32>,
        %add3A_172 = arith.addf %gather3A_168, %gather3A_171 : vector<16xf32>
        %sub3A_173 = arith.subf %add3A_172, %gather3A_169 : vector<16xf32>
        %abs3A_174 = math.absf %sub3A_173 : vector<16xf32>
        %add3A_175 = arith.addf %add3A_165, %abs3A_174 : vector<16xf32>
        %broadcast_in_dim3A_176 = arith.constant 9 : i32
        %broadcast_in_dim3A_177 = vector.broadcast %broadcast_in_dim3A_176 : i32 to vector<16xi32>
        %gather3A_178 = tpu.vector_load_idx %arg11[%add3A_76, %broadcast_in_dim3A_177] : memref<128x64xf32, #tpu.memory_space<vmem>>[vector<16xi32>, vector<16xi32>], vector<16xf32>,
        %gather3A_179 = tpu.vector_load_idx %arg12[%add3A_76, %broadcast_in_dim3A_177] : memref<128x64xf32, #tpu.memory_space<vmem>>[vector<16xi32>, vector<16xi32>], vector<16xf32>,
        %add3A_180 = arith.addi %broadcast_in_dim3A_177, %mul3A_87 : vector<16xi32>
        %gather3A_181 = tpu.vector_load_idx %arg13[%shift_right_logical3A_82, %add3A_180] : memref<500x128xf32, #tpu.memory_space<vmem>>[vector<16xi32>, vector<16xi32>], vector<16xf32>,
        %add3A_182 = arith.addf %gather3A_178, %gather3A_181 : vector<16xf32>
        %sub3A_183 = arith.subf %add3A_182, %gather3A_179 : vector<16xf32>
        %abs3A_184 = math.absf %sub3A_183 : vector<16xf32>
        %add3A_185 = arith.addf %add3A_175, %abs3A_184 : vector<16xf32>
        %broadcast_in_dim3A_186 = arith.constant 10 : i32
        %broadcast_in_dim3A_187 = vector.broadcast %broadcast_in_dim3A_186 : i32 to vector<16xi32>
        %gather3A_188 = tpu.vector_load_idx %arg11[%add3A_76, %broadcast_in_dim3A_187] : memref<128x64xf32, #tpu.memory_space<vmem>>[vector<16xi32>, vector<16xi32>], vector<16xf32>,
        %gather3A_189 = tpu.vector_load_idx %arg12[%add3A_76, %broadcast_in_dim3A_187] : memref<128x64xf32, #tpu.memory_space<vmem>>[vector<16xi32>, vector<16xi32>], vector<16xf32>,
        %add3A_190 = arith.addi %broadcast_in_dim3A_187, %mul3A_87 : vector<16xi32>
        %gather3A_191 = tpu.vector_load_idx %arg13[%shift_right_logical3A_82, %add3A_190] : memref<500x128xf32, #tpu.memory_space<vmem>>[vector<16xi32>, vector<16xi32>], vector<16xf32>,
        %add3A_192 = arith.addf %gather3A_188, %gather3A_191 : vector<16xf32>
        %sub3A_193 = arith.subf %add3A_192, %gather3A_189 : vector<16xf32>
        %abs3A_194 = math.absf %sub3A_193 : vector<16xf32>
        %add3A_195 = arith.addf %add3A_185, %abs3A_194 : vector<16xf32>
        %broadcast_in_dim3A_196 = arith.constant 11 : i32
        %broadcast_in_dim3A_197 = vector.broadcast %broadcast_in_dim3A_196 : i32 to vector<16xi32>
        %gather3A_198 = tpu.vector_load_idx %arg11[%add3A_76, %broadcast_in_dim3A_197] : memref<128x64xf32, #tpu.memory_space<vmem>>[vector<16xi32>, vector<16xi32>], vector<16xf32>,
        %gather3A_199 = tpu.vector_load_idx %arg12[%add3A_76, %broadcast_in_dim3A_197] : memref<128x64xf32, #tpu.memory_space<vmem>>[vector<16xi32>, vector<16xi32>], vector<16xf32>,
        %add3A_200 = arith.addi %broadcast_in_dim3A_197, %mul3A_87 : vector<16xi32>
        %gather3A_201 = tpu.vector_load_idx %arg13[%shift_right_logical3A_82, %add3A_200] : memref<500x128xf32, #tpu.memory_space<vmem>>[vector<16xi32>, vector<16xi32>], vector<16xf32>,
        %add3A_202 = arith.addf %gather3A_198, %gather3A_201 : vector<16xf32>
        %sub3A_203 = arith.subf %add3A_202, %gather3A_199 : vector<16xf32>
        %abs3A_204 = math.absf %sub3A_203 : vector<16xf32>
        %add3A_205 = arith.addf %add3A_195, %abs3A_204 : vector<16xf32>
        %broadcast_in_dim3A_206 = arith.constant 12 : i32
        %broadcast_in_dim3A_207 = vector.broadcast %broadcast_in_dim3A_206 : i32 to vector<16xi32>
        %gather3A_208 = tpu.vector_load_idx %arg11[%add3A_76, %broadcast_in_dim3A_207] : memref<128x64xf32, #tpu.memory_space<vmem>>[vector<16xi32>, vector<16xi32>], vector<16xf32>,
        %gather3A_209 = tpu.vector_load_idx %arg12[%add3A_76, %broadcast_in_dim3A_207] : memref<128x64xf32, #tpu.memory_space<vmem>>[vector<16xi32>, vector<16xi32>], vector<16xf32>,
        %add3A_210 = arith.addi %broadcast_in_dim3A_207, %mul3A_87 : vector<16xi32>
        %gather3A_211 = tpu.vector_load_idx %arg13[%shift_right_logical3A_82, %add3A_210] : memref<500x128xf32, #tpu.memory_space<vmem>>[vector<16xi32>, vector<16xi32>], vector<16xf32>,
        %add3A_212 = arith.addf %gather3A_208, %gather3A_211 : vector<16xf32>
        %sub3A_213 = arith.subf %add3A_212, %gather3A_209 : vector<16xf32>
        %abs3A_214 = math.absf %sub3A_213 : vector<16xf32>
        %add3A_215 = arith.addf %add3A_205, %abs3A_214 : vector<16xf32>
        %broadcast_in_dim3A_216 = arith.constant 13 : i32
        %broadcast_in_dim3A_217 = vector.broadcast %broadcast_in_dim3A_216 : i32 to vector<16xi32>
        %gather3A_218 = tpu.vector_load_idx %arg11[%add3A_76, %broadcast_in_dim3A_217] : memref<128x64xf32, #tpu.memory_space<vmem>>[vector<16xi32>, vector<16xi32>], vector<16xf32>,
        %gather3A_219 = tpu.vector_load_idx %arg12[%add3A_76, %broadcast_in_dim3A_217] : memref<128x64xf32, #tpu.memory_space<vmem>>[vector<16xi32>, vector<16xi32>], vector<16xf32>,
        %add3A_220 = arith.addi %broadcast_in_dim3A_217, %mul3A_87 : vector<16xi32>
        %gather3A_221 = tpu.vector_load_idx %arg13[%shift_right_logical3A_82, %add3A_220] : memref<500x128xf32, #tpu.memory_space<vmem>>[vector<16xi32>, vector<16xi32>], vector<16xf32>,
        %add3A_222 = arith.addf %gather3A_218, %gather3A_221 : vector<16xf32>
        %sub3A_223 = arith.subf %add3A_222, %gather3A_219 : vector<16xf32>
        %abs3A_224 = math.absf %sub3A_223 : vector<16xf32>
        %add3A_225 = arith.addf %add3A_215, %abs3A_224 : vector<16xf32>
        %broadcast_in_dim3A_226 = arith.constant 14 : i32
        %broadcast_in_dim3A_227 = vector.broadcast %broadcast_in_dim3A_226 : i32 to vector<16xi32>
        %gather3A_228 = tpu.vector_load_idx %arg11[%add3A_76, %broadcast_in_dim3A_227] : memref<128x64xf32, #tpu.memory_space<vmem>>[vector<16xi32>, vector<16xi32>], vector<16xf32>,
        %gather3A_229 = tpu.vector_load_idx %arg12[%add3A_76, %broadcast_in_dim3A_227] : memref<128x64xf32, #tpu.memory_space<vmem>>[vector<16xi32>, vector<16xi32>], vector<16xf32>,
        %add3A_230 = arith.addi %broadcast_in_dim3A_227, %mul3A_87 : vector<16xi32>
        %gather3A_231 = tpu.vector_load_idx %arg13[%shift_right_logical3A_82, %add3A_230] : memref<500x128xf32, #tpu.memory_space<vmem>>[vector<16xi32>, vector<16xi32>], vector<16xf32>,
        %add3A_232 = arith.addf %gather3A_228, %gather3A_231 : vector<16xf32>
        %sub3A_233 = arith.subf %add3A_232, %gather3A_229 : vector<16xf32>
        %abs3A_234 = math.absf %sub3A_233 : vector<16xf32>
        %add3A_235 = arith.addf %add3A_225, %abs3A_234 : vector<16xf32>
        %broadcast_in_dim3A_236 = arith.constant 15 : i32
        %broadcast_in_dim3A_237 = vector.broadcast %broadcast_in_dim3A_236 : i32 to vector<16xi32>
        %gather3A_238 = tpu.vector_load_idx %arg11[%add3A_76, %broadcast_in_dim3A_237] : memref<128x64xf32, #tpu.memory_space<vmem>>[vector<16xi32>, vector<16xi32>], vector<16xf32>,
        %gather3A_239 = tpu.vector_load_idx %arg12[%add3A_76, %broadcast_in_dim3A_237] : memref<128x64xf32, #tpu.memory_space<vmem>>[vector<16xi32>, vector<16xi32>], vector<16xf32>,
        %add3A_240 = arith.addi %broadcast_in_dim3A_237, %mul3A_87 : vector<16xi32>
        %gather3A_241 = tpu.vector_load_idx %arg13[%shift_right_logical3A_82, %add3A_240] : memref<500x128xf32, #tpu.memory_space<vmem>>[vector<16xi32>, vector<16xi32>], vector<16xf32>,
        %add3A_242 = arith.addf %gather3A_238, %gather3A_241 : vector<16xf32>
        %sub3A_243 = arith.subf %add3A_242, %gather3A_239 : vector<16xf32>
        %abs3A_244 = math.absf %sub3A_243 : vector<16xf32>
        %add3A_245 = arith.addf %add3A_235, %abs3A_244 : vector<16xf32>
        %broadcast_in_dim3A_246 = arith.constant 16 : i32
        %broadcast_in_dim3A_247 = vector.broadcast %broadcast_in_dim3A_246 : i32 to vector<16xi32>
        %gather3A_248 = tpu.vector_load_idx %arg11[%add3A_76, %broadcast_in_dim3A_247] : memref<128x64xf32, #tpu.memory_space<vmem>>[vector<16xi32>, vector<16xi32>], vector<16xf32>,
        %gather3A_249 = tpu.vector_load_idx %arg12[%add3A_76, %broadcast_in_dim3A_247] : memref<128x64xf32, #tpu.memory_space<vmem>>[vector<16xi32>, vector<16xi32>], vector<16xf32>,
        %add3A_250 = arith.addi %broadcast_in_dim3A_247, %mul3A_87 : vector<16xi32>
        %gather3A_251 = tpu.vector_load_idx %arg13[%shift_right_logical3A_82, %add3A_250] : memref<500x128xf32, #tpu.memory_space<vmem>>[vector<16xi32>, vector<16xi32>], vector<16xf32>,
        %add3A_252 = arith.addf %gather3A_248, %gather3A_251 : vector<16xf32>
        %sub3A_253 = arith.subf %add3A_252, %gather3A_249 : vector<16xf32>
        %abs3A_254 = math.absf %sub3A_253 : vector<16xf32>
        %add3A_255 = arith.addf %add3A_245, %abs3A_254 : vector<16xf32>
        %broadcast_in_dim3A_256 = arith.constant 17 : i32
        %broadcast_in_dim3A_257 = vector.broadcast %broadcast_in_dim3A_256 : i32 to vector<16xi32>
        %gather3A_258 = tpu.vector_load_idx %arg11[%add3A_76, %broadcast_in_dim3A_257] : memref<128x64xf32, #tpu.memory_space<vmem>>[vector<16xi32>, vector<16xi32>], vector<16xf32>,
        %gather3A_259 = tpu.vector_load_idx %arg12[%add3A_76, %broadcast_in_dim3A_257] : memref<128x64xf32, #tpu.memory_space<vmem>>[vector<16xi32>, vector<16xi32>], vector<16xf32>,
        %add3A_260 = arith.addi %broadcast_in_dim3A_257, %mul3A_87 : vector<16xi32>
        %gather3A_261 = tpu.vector_load_idx %arg13[%shift_right_logical3A_82, %add3A_260] : memref<500x128xf32, #tpu.memory_space<vmem>>[vector<16xi32>, vector<16xi32>], vector<16xf32>,
        %add3A_262 = arith.addf %gather3A_258, %gather3A_261 : vector<16xf32>
        %sub3A_263 = arith.subf %add3A_262, %gather3A_259 : vector<16xf32>
        %abs3A_264 = math.absf %sub3A_263 : vector<16xf32>
        %add3A_265 = arith.addf %add3A_255, %abs3A_264 : vector<16xf32>
        %broadcast_in_dim3A_266 = arith.constant 18 : i32
        %broadcast_in_dim3A_267 = vector.broadcast %broadcast_in_dim3A_266 : i32 to vector<16xi32>
        %gather3A_268 = tpu.vector_load_idx %arg11[%add3A_76, %broadcast_in_dim3A_267] : memref<128x64xf32, #tpu.memory_space<vmem>>[vector<16xi32>, vector<16xi32>], vector<16xf32>,
        %gather3A_269 = tpu.vector_load_idx %arg12[%add3A_76, %broadcast_in_dim3A_267] : memref<128x64xf32, #tpu.memory_space<vmem>>[vector<16xi32>, vector<16xi32>], vector<16xf32>,
        %add3A_270 = arith.addi %broadcast_in_dim3A_267, %mul3A_87 : vector<16xi32>
        %gather3A_271 = tpu.vector_load_idx %arg13[%shift_right_logical3A_82, %add3A_270] : memref<500x128xf32, #tpu.memory_space<vmem>>[vector<16xi32>, vector<16xi32>], vector<16xf32>,
        %add3A_272 = arith.addf %gather3A_268, %gather3A_271 : vector<16xf32>
        %sub3A_273 = arith.subf %add3A_272, %gather3A_269 : vector<16xf32>
        %abs3A_274 = math.absf %sub3A_273 : vector<16xf32>
        %add3A_275 = arith.addf %add3A_265, %abs3A_274 : vector<16xf32>
        %broadcast_in_dim3A_276 = arith.constant 19 : i32
        %broadcast_in_dim3A_277 = vector.broadcast %broadcast_in_dim3A_276 : i32 to vector<16xi32>
        %gather3A_278 = tpu.vector_load_idx %arg11[%add3A_76, %broadcast_in_dim3A_277] : memref<128x64xf32, #tpu.memory_space<vmem>>[vector<16xi32>, vector<16xi32>], vector<16xf32>,
        %gather3A_279 = tpu.vector_load_idx %arg12[%add3A_76, %broadcast_in_dim3A_277] : memref<128x64xf32, #tpu.memory_space<vmem>>[vector<16xi32>, vector<16xi32>], vector<16xf32>,
        %add3A_280 = arith.addi %broadcast_in_dim3A_277, %mul3A_87 : vector<16xi32>
        %gather3A_281 = tpu.vector_load_idx %arg13[%shift_right_logical3A_82, %add3A_280] : memref<500x128xf32, #tpu.memory_space<vmem>>[vector<16xi32>, vector<16xi32>], vector<16xf32>,
        %add3A_282 = arith.addf %gather3A_278, %gather3A_281 : vector<16xf32>
        %sub3A_283 = arith.subf %add3A_282, %gather3A_279 : vector<16xf32>
        %abs3A_284 = math.absf %sub3A_283 : vector<16xf32>
        %add3A_285 = arith.addf %add3A_275, %abs3A_284 : vector<16xf32>
        %broadcast_in_dim3A_286 = arith.constant 20 : i32
        %broadcast_in_dim3A_287 = vector.broadcast %broadcast_in_dim3A_286 : i32 to vector<16xi32>
        %gather3A_288 = tpu.vector_load_idx %arg11[%add3A_76, %broadcast_in_dim3A_287] : memref<128x64xf32, #tpu.memory_space<vmem>>[vector<16xi32>, vector<16xi32>], vector<16xf32>,
        %gather3A_289 = tpu.vector_load_idx %arg12[%add3A_76, %broadcast_in_dim3A_287] : memref<128x64xf32, #tpu.memory_space<vmem>>[vector<16xi32>, vector<16xi32>], vector<16xf32>,
        %add3A_290 = arith.addi %broadcast_in_dim3A_287, %mul3A_87 : vector<16xi32>
        %gather3A_291 = tpu.vector_load_idx %arg13[%shift_right_logical3A_82, %add3A_290] : memref<500x128xf32, #tpu.memory_space<vmem>>[vector<16xi32>, vector<16xi32>], vector<16xf32>,
        %add3A_292 = arith.addf %gather3A_288, %gather3A_291 : vector<16xf32>
        %sub3A_293 = arith.subf %add3A_292, %gather3A_289 : vector<16xf32>
        %abs3A_294 = math.absf %sub3A_293 : vector<16xf32>
        %add3A_295 = arith.addf %add3A_285, %abs3A_294 : vector<16xf32>
        %broadcast_in_dim3A_296 = arith.constant 21 : i32
        %broadcast_in_dim3A_297 = vector.broadcast %broadcast_in_dim3A_296 : i32 to vector<16xi32>
        %gather3A_298 = tpu.vector_load_idx %arg11[%add3A_76, %broadcast_in_dim3A_297] : memref<128x64xf32, #tpu.memory_space<vmem>>[vector<16xi32>, vector<16xi32>], vector<16xf32>,
        %gather3A_299 = tpu.vector_load_idx %arg12[%add3A_76, %broadcast_in_dim3A_297] : memref<128x64xf32, #tpu.memory_space<vmem>>[vector<16xi32>, vector<16xi32>], vector<16xf32>,
        %add3A_300 = arith.addi %broadcast_in_dim3A_297, %mul3A_87 : vector<16xi32>
        %gather3A_301 = tpu.vector_load_idx %arg13[%shift_right_logical3A_82, %add3A_300] : memref<500x128xf32, #tpu.memory_space<vmem>>[vector<16xi32>, vector<16xi32>], vector<16xf32>,
        %add3A_302 = arith.addf %gather3A_298, %gather3A_301 : vector<16xf32>
        %sub3A_303 = arith.subf %add3A_302, %gather3A_299 : vector<16xf32>
        %abs3A_304 = math.absf %sub3A_303 : vector<16xf32>
        %add3A_305 = arith.addf %add3A_295, %abs3A_304 : vector<16xf32>
        %broadcast_in_dim3A_306 = arith.constant 22 : i32
        %broadcast_in_dim3A_307 = vector.broadcast %broadcast_in_dim3A_306 : i32 to vector<16xi32>
        %gather3A_308 = tpu.vector_load_idx %arg11[%add3A_76, %broadcast_in_dim3A_307] : memref<128x64xf32, #tpu.memory_space<vmem>>[vector<16xi32>, vector<16xi32>], vector<16xf32>,
        %gather3A_309 = tpu.vector_load_idx %arg12[%add3A_76, %broadcast_in_dim3A_307] : memref<128x64xf32, #tpu.memory_space<vmem>>[vector<16xi32>, vector<16xi32>], vector<16xf32>,
        %add3A_310 = arith.addi %broadcast_in_dim3A_307, %mul3A_87 : vector<16xi32>
        %gather3A_311 = tpu.vector_load_idx %arg13[%shift_right_logical3A_82, %add3A_310] : memref<500x128xf32, #tpu.memory_space<vmem>>[vector<16xi32>, vector<16xi32>], vector<16xf32>,
        %add3A_312 = arith.addf %gather3A_308, %gather3A_311 : vector<16xf32>
        %sub3A_313 = arith.subf %add3A_312, %gather3A_309 : vector<16xf32>
        %abs3A_314 = math.absf %sub3A_313 : vector<16xf32>
        %add3A_315 = arith.addf %add3A_305, %abs3A_314 : vector<16xf32>
        %broadcast_in_dim3A_316 = arith.constant 23 : i32
        %broadcast_in_dim3A_317 = vector.broadcast %broadcast_in_dim3A_316 : i32 to vector<16xi32>
        %gather3A_318 = tpu.vector_load_idx %arg11[%add3A_76, %broadcast_in_dim3A_317] : memref<128x64xf32, #tpu.memory_space<vmem>>[vector<16xi32>, vector<16xi32>], vector<16xf32>,
        %gather3A_319 = tpu.vector_load_idx %arg12[%add3A_76, %broadcast_in_dim3A_317] : memref<128x64xf32, #tpu.memory_space<vmem>>[vector<16xi32>, vector<16xi32>], vector<16xf32>,
        %add3A_320 = arith.addi %broadcast_in_dim3A_317, %mul3A_87 : vector<16xi32>
        %gather3A_321 = tpu.vector_load_idx %arg13[%shift_right_logical3A_82, %add3A_320] : memref<500x128xf32, #tpu.memory_space<vmem>>[vector<16xi32>, vector<16xi32>], vector<16xf32>,
        %add3A_322 = arith.addf %gather3A_318, %gather3A_321 : vector<16xf32>
        %sub3A_323 = arith.subf %add3A_322, %gather3A_319 : vector<16xf32>
        %abs3A_324 = math.absf %sub3A_323 : vector<16xf32>
        %add3A_325 = arith.addf %add3A_315, %abs3A_324 : vector<16xf32>
        %broadcast_in_dim3A_326 = arith.constant 24 : i32
        %broadcast_in_dim3A_327 = vector.broadcast %broadcast_in_dim3A_326 : i32 to vector<16xi32>
        %gather3A_328 = tpu.vector_load_idx %arg11[%add3A_76, %broadcast_in_dim3A_327] : memref<128x64xf32, #tpu.memory_space<vmem>>[vector<16xi32>, vector<16xi32>], vector<16xf32>,
        %gather3A_329 = tpu.vector_load_idx %arg12[%add3A_76, %broadcast_in_dim3A_327] : memref<128x64xf32, #tpu.memory_space<vmem>>[vector<16xi32>, vector<16xi32>], vector<16xf32>,
        %add3A_330 = arith.addi %broadcast_in_dim3A_327, %mul3A_87 : vector<16xi32>
        %gather3A_331 = tpu.vector_load_idx %arg13[%shift_right_logical3A_82, %add3A_330] : memref<500x128xf32, #tpu.memory_space<vmem>>[vector<16xi32>, vector<16xi32>], vector<16xf32>,
        %add3A_332 = arith.addf %gather3A_328, %gather3A_331 : vector<16xf32>
        %sub3A_333 = arith.subf %add3A_332, %gather3A_329 : vector<16xf32>
        %abs3A_334 = math.absf %sub3A_333 : vector<16xf32>
        %add3A_335 = arith.addf %add3A_325, %abs3A_334 : vector<16xf32>
        %broadcast_in_dim3A_336 = arith.constant 25 : i32
        %broadcast_in_dim3A_337 = vector.broadcast %broadcast_in_dim3A_336 : i32 to vector<16xi32>
        %gather3A_338 = tpu.vector_load_idx %arg11[%add3A_76, %broadcast_in_dim3A_337] : memref<128x64xf32, #tpu.memory_space<vmem>>[vector<16xi32>, vector<16xi32>], vector<16xf32>,
        %gather3A_339 = tpu.vector_load_idx %arg12[%add3A_76, %broadcast_in_dim3A_337] : memref<128x64xf32, #tpu.memory_space<vmem>>[vector<16xi32>, vector<16xi32>], vector<16xf32>,
        %add3A_340 = arith.addi %broadcast_in_dim3A_337, %mul3A_87 : vector<16xi32>
        %gather3A_341 = tpu.vector_load_idx %arg13[%shift_right_logical3A_82, %add3A_340] : memref<500x128xf32, #tpu.memory_space<vmem>>[vector<16xi32>, vector<16xi32>], vector<16xf32>,
        %add3A_342 = arith.addf %gather3A_338, %gather3A_341 : vector<16xf32>
        %sub3A_343 = arith.subf %add3A_342, %gather3A_339 : vector<16xf32>
        %abs3A_344 = math.absf %sub3A_343 : vector<16xf32>
        %add3A_345 = arith.addf %add3A_335, %abs3A_344 : vector<16xf32>
        %broadcast_in_dim3A_346 = arith.constant 26 : i32
        %broadcast_in_dim3A_347 = vector.broadcast %broadcast_in_dim3A_346 : i32 to vector<16xi32>
        %gather3A_348 = tpu.vector_load_idx %arg11[%add3A_76, %broadcast_in_dim3A_347] : memref<128x64xf32, #tpu.memory_space<vmem>>[vector<16xi32>, vector<16xi32>], vector<16xf32>,
        %gather3A_349 = tpu.vector_load_idx %arg12[%add3A_76, %broadcast_in_dim3A_347] : memref<128x64xf32, #tpu.memory_space<vmem>>[vector<16xi32>, vector<16xi32>], vector<16xf32>,
        %add3A_350 = arith.addi %broadcast_in_dim3A_347, %mul3A_87 : vector<16xi32>
        %gather3A_351 = tpu.vector_load_idx %arg13[%shift_right_logical3A_82, %add3A_350] : memref<500x128xf32, #tpu.memory_space<vmem>>[vector<16xi32>, vector<16xi32>], vector<16xf32>,
        %add3A_352 = arith.addf %gather3A_348, %gather3A_351 : vector<16xf32>
        %sub3A_353 = arith.subf %add3A_352, %gather3A_349 : vector<16xf32>
        %abs3A_354 = math.absf %sub3A_353 : vector<16xf32>
        %add3A_355 = arith.addf %add3A_345, %abs3A_354 : vector<16xf32>
        %broadcast_in_dim3A_356 = arith.constant 27 : i32
        %broadcast_in_dim3A_357 = vector.broadcast %broadcast_in_dim3A_356 : i32 to vector<16xi32>
        %gather3A_358 = tpu.vector_load_idx %arg11[%add3A_76, %broadcast_in_dim3A_357] : memref<128x64xf32, #tpu.memory_space<vmem>>[vector<16xi32>, vector<16xi32>], vector<16xf32>,
        %gather3A_359 = tpu.vector_load_idx %arg12[%add3A_76, %broadcast_in_dim3A_357] : memref<128x64xf32, #tpu.memory_space<vmem>>[vector<16xi32>, vector<16xi32>], vector<16xf32>,
        %add3A_360 = arith.addi %broadcast_in_dim3A_357, %mul3A_87 : vector<16xi32>
        %gather3A_361 = tpu.vector_load_idx %arg13[%shift_right_logical3A_82, %add3A_360] : memref<500x128xf32, #tpu.memory_space<vmem>>[vector<16xi32>, vector<16xi32>], vector<16xf32>,
        %add3A_362 = arith.addf %gather3A_358, %gather3A_361 : vector<16xf32>
        %sub3A_363 = arith.subf %add3A_362, %gather3A_359 : vector<16xf32>
        %abs3A_364 = math.absf %sub3A_363 : vector<16xf32>
        %add3A_365 = arith.addf %add3A_355, %abs3A_364 : vector<16xf32>
        %broadcast_in_dim3A_366 = arith.constant 28 : i32
        %broadcast_in_dim3A_367 = vector.broadcast %broadcast_in_dim3A_366 : i32 to vector<16xi32>
        %gather3A_368 = tpu.vector_load_idx %arg11[%add3A_76, %broadcast_in_dim3A_367] : memref<128x64xf32, #tpu.memory_space<vmem>>[vector<16xi32>, vector<16xi32>], vector<16xf32>,
        %gather3A_369 = tpu.vector_load_idx %arg12[%add3A_76, %broadcast_in_dim3A_367] : memref<128x64xf32, #tpu.memory_space<vmem>>[vector<16xi32>, vector<16xi32>], vector<16xf32>,
        %add3A_370 = arith.addi %broadcast_in_dim3A_367, %mul3A_87 : vector<16xi32>
        %gather3A_371 = tpu.vector_load_idx %arg13[%shift_right_logical3A_82, %add3A_370] : memref<500x128xf32, #tpu.memory_space<vmem>>[vector<16xi32>, vector<16xi32>], vector<16xf32>,
        %add3A_372 = arith.addf %gather3A_368, %gather3A_371 : vector<16xf32>
        %sub3A_373 = arith.subf %add3A_372, %gather3A_369 : vector<16xf32>
        %abs3A_374 = math.absf %sub3A_373 : vector<16xf32>
        %add3A_375 = arith.addf %add3A_365, %abs3A_374 : vector<16xf32>
        %broadcast_in_dim3A_376 = arith.constant 29 : i32
        %broadcast_in_dim3A_377 = vector.broadcast %broadcast_in_dim3A_376 : i32 to vector<16xi32>
        %gather3A_378 = tpu.vector_load_idx %arg11[%add3A_76, %broadcast_in_dim3A_377] : memref<128x64xf32, #tpu.memory_space<vmem>>[vector<16xi32>, vector<16xi32>], vector<16xf32>,
        %gather3A_379 = tpu.vector_load_idx %arg12[%add3A_76, %broadcast_in_dim3A_377] : memref<128x64xf32, #tpu.memory_space<vmem>>[vector<16xi32>, vector<16xi32>], vector<16xf32>,
        %add3A_380 = arith.addi %broadcast_in_dim3A_377, %mul3A_87 : vector<16xi32>
        %gather3A_381 = tpu.vector_load_idx %arg13[%shift_right_logical3A_82, %add3A_380] : memref<500x128xf32, #tpu.memory_space<vmem>>[vector<16xi32>, vector<16xi32>], vector<16xf32>,
        %add3A_382 = arith.addf %gather3A_378, %gather3A_381 : vector<16xf32>
        %sub3A_383 = arith.subf %add3A_382, %gather3A_379 : vector<16xf32>
        %abs3A_384 = math.absf %sub3A_383 : vector<16xf32>
        %add3A_385 = arith.addf %add3A_375, %abs3A_384 : vector<16xf32>
        %broadcast_in_dim3A_386 = arith.constant 30 : i32
        %broadcast_in_dim3A_387 = vector.broadcast %broadcast_in_dim3A_386 : i32 to vector<16xi32>
        %gather3A_388 = tpu.vector_load_idx %arg11[%add3A_76, %broadcast_in_dim3A_387] : memref<128x64xf32, #tpu.memory_space<vmem>>[vector<16xi32>, vector<16xi32>], vector<16xf32>,
        %gather3A_389 = tpu.vector_load_idx %arg12[%add3A_76, %broadcast_in_dim3A_387] : memref<128x64xf32, #tpu.memory_space<vmem>>[vector<16xi32>, vector<16xi32>], vector<16xf32>,
        %add3A_390 = arith.addi %broadcast_in_dim3A_387, %mul3A_87 : vector<16xi32>
        %gather3A_391 = tpu.vector_load_idx %arg13[%shift_right_logical3A_82, %add3A_390] : memref<500x128xf32, #tpu.memory_space<vmem>>[vector<16xi32>, vector<16xi32>], vector<16xf32>,
        %add3A_392 = arith.addf %gather3A_388, %gather3A_391 : vector<16xf32>
        %sub3A_393 = arith.subf %add3A_392, %gather3A_389 : vector<16xf32>
        %abs3A_394 = math.absf %sub3A_393 : vector<16xf32>
        %add3A_395 = arith.addf %add3A_385, %abs3A_394 : vector<16xf32>
        %broadcast_in_dim3A_396 = arith.constant 31 : i32
        %broadcast_in_dim3A_397 = vector.broadcast %broadcast_in_dim3A_396 : i32 to vector<16xi32>
        %gather3A_398 = tpu.vector_load_idx %arg11[%add3A_76, %broadcast_in_dim3A_397] : memref<128x64xf32, #tpu.memory_space<vmem>>[vector<16xi32>, vector<16xi32>], vector<16xf32>,
        %gather3A_399 = tpu.vector_load_idx %arg12[%add3A_76, %broadcast_in_dim3A_397] : memref<128x64xf32, #tpu.memory_space<vmem>>[vector<16xi32>, vector<16xi32>], vector<16xf32>,
        %add3A_400 = arith.addi %broadcast_in_dim3A_397, %mul3A_87 : vector<16xi32>
        %gather3A_401 = tpu.vector_load_idx %arg13[%shift_right_logical3A_82, %add3A_400] : memref<500x128xf32, #tpu.memory_space<vmem>>[vector<16xi32>, vector<16xi32>], vector<16xf32>,
        %add3A_402 = arith.addf %gather3A_398, %gather3A_401 : vector<16xf32>
        %sub3A_403 = arith.subf %add3A_402, %gather3A_399 : vector<16xf32>
        %abs3A_404 = math.absf %sub3A_403 : vector<16xf32>
        %add3A_405 = arith.addf %add3A_395, %abs3A_404 : vector<16xf32>
        %broadcast_in_dim3A_406 = arith.constant 32 : i32
        %broadcast_in_dim3A_407 = vector.broadcast %broadcast_in_dim3A_406 : i32 to vector<16xi32>
        %gather3A_408 = tpu.vector_load_idx %arg11[%add3A_76, %broadcast_in_dim3A_407] : memref<128x64xf32, #tpu.memory_space<vmem>>[vector<16xi32>, vector<16xi32>], vector<16xf32>,
        %gather3A_409 = tpu.vector_load_idx %arg12[%add3A_76, %broadcast_in_dim3A_407] : memref<128x64xf32, #tpu.memory_space<vmem>>[vector<16xi32>, vector<16xi32>], vector<16xf32>,
        %add3A_410 = arith.addi %broadcast_in_dim3A_407, %mul3A_87 : vector<16xi32>
        %gather3A_411 = tpu.vector_load_idx %arg13[%shift_right_logical3A_82, %add3A_410] : memref<500x128xf32, #tpu.memory_space<vmem>>[vector<16xi32>, vector<16xi32>], vector<16xf32>,
        %add3A_412 = arith.addf %gather3A_408, %gather3A_411 : vector<16xf32>
        %sub3A_413 = arith.subf %add3A_412, %gather3A_409 : vector<16xf32>
        %abs3A_414 = math.absf %sub3A_413 : vector<16xf32>
        %add3A_415 = arith.addf %add3A_405, %abs3A_414 : vector<16xf32>
        %broadcast_in_dim3A_416 = arith.constant 33 : i32
        %broadcast_in_dim3A_417 = vector.broadcast %broadcast_in_dim3A_416 : i32 to vector<16xi32>
        %gather3A_418 = tpu.vector_load_idx %arg11[%add3A_76, %broadcast_in_dim3A_417] : memref<128x64xf32, #tpu.memory_space<vmem>>[vector<16xi32>, vector<16xi32>], vector<16xf32>,
        %gather3A_419 = tpu.vector_load_idx %arg12[%add3A_76, %broadcast_in_dim3A_417] : memref<128x64xf32, #tpu.memory_space<vmem>>[vector<16xi32>, vector<16xi32>], vector<16xf32>,
        %add3A_420 = arith.addi %broadcast_in_dim3A_417, %mul3A_87 : vector<16xi32>
        %gather3A_421 = tpu.vector_load_idx %arg13[%shift_right_logical3A_82, %add3A_420] : memref<500x128xf32, #tpu.memory_space<vmem>>[vector<16xi32>, vector<16xi32>], vector<16xf32>,
        %add3A_422 = arith.addf %gather3A_418, %gather3A_421 : vector<16xf32>
        %sub3A_423 = arith.subf %add3A_422, %gather3A_419 : vector<16xf32>
        %abs3A_424 = math.absf %sub3A_423 : vector<16xf32>
        %add3A_425 = arith.addf %add3A_415, %abs3A_424 : vector<16xf32>
        %broadcast_in_dim3A_426 = arith.constant 34 : i32
        %broadcast_in_dim3A_427 = vector.broadcast %broadcast_in_dim3A_426 : i32 to vector<16xi32>
        %gather3A_428 = tpu.vector_load_idx %arg11[%add3A_76, %broadcast_in_dim3A_427] : memref<128x64xf32, #tpu.memory_space<vmem>>[vector<16xi32>, vector<16xi32>], vector<16xf32>,
        %gather3A_429 = tpu.vector_load_idx %arg12[%add3A_76, %broadcast_in_dim3A_427] : memref<128x64xf32, #tpu.memory_space<vmem>>[vector<16xi32>, vector<16xi32>], vector<16xf32>,
        %add3A_430 = arith.addi %broadcast_in_dim3A_427, %mul3A_87 : vector<16xi32>
        %gather3A_431 = tpu.vector_load_idx %arg13[%shift_right_logical3A_82, %add3A_430] : memref<500x128xf32, #tpu.memory_space<vmem>>[vector<16xi32>, vector<16xi32>], vector<16xf32>,
        %add3A_432 = arith.addf %gather3A_428, %gather3A_431 : vector<16xf32>
        %sub3A_433 = arith.subf %add3A_432, %gather3A_429 : vector<16xf32>
        %abs3A_434 = math.absf %sub3A_433 : vector<16xf32>
        %add3A_435 = arith.addf %add3A_425, %abs3A_434 : vector<16xf32>
        %broadcast_in_dim3A_436 = arith.constant 35 : i32
        %broadcast_in_dim3A_437 = vector.broadcast %broadcast_in_dim3A_436 : i32 to vector<16xi32>
        %gather3A_438 = tpu.vector_load_idx %arg11[%add3A_76, %broadcast_in_dim3A_437] : memref<128x64xf32, #tpu.memory_space<vmem>>[vector<16xi32>, vector<16xi32>], vector<16xf32>,
        %gather3A_439 = tpu.vector_load_idx %arg12[%add3A_76, %broadcast_in_dim3A_437] : memref<128x64xf32, #tpu.memory_space<vmem>>[vector<16xi32>, vector<16xi32>], vector<16xf32>,
        %add3A_440 = arith.addi %broadcast_in_dim3A_437, %mul3A_87 : vector<16xi32>
        %gather3A_441 = tpu.vector_load_idx %arg13[%shift_right_logical3A_82, %add3A_440] : memref<500x128xf32, #tpu.memory_space<vmem>>[vector<16xi32>, vector<16xi32>], vector<16xf32>,
        %add3A_442 = arith.addf %gather3A_438, %gather3A_441 : vector<16xf32>
        %sub3A_443 = arith.subf %add3A_442, %gather3A_439 : vector<16xf32>
        %abs3A_444 = math.absf %sub3A_443 : vector<16xf32>
        %add3A_445 = arith.addf %add3A_435, %abs3A_444 : vector<16xf32>
        %broadcast_in_dim3A_446 = arith.constant 36 : i32
        %broadcast_in_dim3A_447 = vector.broadcast %broadcast_in_dim3A_446 : i32 to vector<16xi32>
        %gather3A_448 = tpu.vector_load_idx %arg11[%add3A_76, %broadcast_in_dim3A_447] : memref<128x64xf32, #tpu.memory_space<vmem>>[vector<16xi32>, vector<16xi32>], vector<16xf32>,
        %gather3A_449 = tpu.vector_load_idx %arg12[%add3A_76, %broadcast_in_dim3A_447] : memref<128x64xf32, #tpu.memory_space<vmem>>[vector<16xi32>, vector<16xi32>], vector<16xf32>,
        %add3A_450 = arith.addi %broadcast_in_dim3A_447, %mul3A_87 : vector<16xi32>
        %gather3A_451 = tpu.vector_load_idx %arg13[%shift_right_logical3A_82, %add3A_450] : memref<500x128xf32, #tpu.memory_space<vmem>>[vector<16xi32>, vector<16xi32>], vector<16xf32>,
        %add3A_452 = arith.addf %gather3A_448, %gather3A_451 : vector<16xf32>
        %sub3A_453 = arith.subf %add3A_452, %gather3A_449 : vector<16xf32>
        %abs3A_454 = math.absf %sub3A_453 : vector<16xf32>
        %add3A_455 = arith.addf %add3A_445, %abs3A_454 : vector<16xf32>
        %broadcast_in_dim3A_456 = arith.constant 37 : i32
        %broadcast_in_dim3A_457 = vector.broadcast %broadcast_in_dim3A_456 : i32 to vector<16xi32>
        %gather3A_458 = tpu.vector_load_idx %arg11[%add3A_76, %broadcast_in_dim3A_457] : memref<128x64xf32, #tpu.memory_space<vmem>>[vector<16xi32>, vector<16xi32>], vector<16xf32>,
        %gather3A_459 = tpu.vector_load_idx %arg12[%add3A_76, %broadcast_in_dim3A_457] : memref<128x64xf32, #tpu.memory_space<vmem>>[vector<16xi32>, vector<16xi32>], vector<16xf32>,
        %add3A_460 = arith.addi %broadcast_in_dim3A_457, %mul3A_87 : vector<16xi32>
        %gather3A_461 = tpu.vector_load_idx %arg13[%shift_right_logical3A_82, %add3A_460] : memref<500x128xf32, #tpu.memory_space<vmem>>[vector<16xi32>, vector<16xi32>], vector<16xf32>,
        %add3A_462 = arith.addf %gather3A_458, %gather3A_461 : vector<16xf32>
        %sub3A_463 = arith.subf %add3A_462, %gather3A_459 : vector<16xf32>
        %abs3A_464 = math.absf %sub3A_463 : vector<16xf32>
        %add3A_465 = arith.addf %add3A_455, %abs3A_464 : vector<16xf32>
        %broadcast_in_dim3A_466 = arith.constant 38 : i32
        %broadcast_in_dim3A_467 = vector.broadcast %broadcast_in_dim3A_466 : i32 to vector<16xi32>
        %gather3A_468 = tpu.vector_load_idx %arg11[%add3A_76, %broadcast_in_dim3A_467] : memref<128x64xf32, #tpu.memory_space<vmem>>[vector<16xi32>, vector<16xi32>], vector<16xf32>,
        %gather3A_469 = tpu.vector_load_idx %arg12[%add3A_76, %broadcast_in_dim3A_467] : memref<128x64xf32, #tpu.memory_space<vmem>>[vector<16xi32>, vector<16xi32>], vector<16xf32>,
        %add3A_470 = arith.addi %broadcast_in_dim3A_467, %mul3A_87 : vector<16xi32>
        %gather3A_471 = tpu.vector_load_idx %arg13[%shift_right_logical3A_82, %add3A_470] : memref<500x128xf32, #tpu.memory_space<vmem>>[vector<16xi32>, vector<16xi32>], vector<16xf32>,
        %add3A_472 = arith.addf %gather3A_468, %gather3A_471 : vector<16xf32>
        %sub3A_473 = arith.subf %add3A_472, %gather3A_469 : vector<16xf32>
        %abs3A_474 = math.absf %sub3A_473 : vector<16xf32>
        %add3A_475 = arith.addf %add3A_465, %abs3A_474 : vector<16xf32>
        %broadcast_in_dim3A_476 = arith.constant 39 : i32
        %broadcast_in_dim3A_477 = vector.broadcast %broadcast_in_dim3A_476 : i32 to vector<16xi32>
        %gather3A_478 = tpu.vector_load_idx %arg11[%add3A_76, %broadcast_in_dim3A_477] : memref<128x64xf32, #tpu.memory_space<vmem>>[vector<16xi32>, vector<16xi32>], vector<16xf32>,
        %gather3A_479 = tpu.vector_load_idx %arg12[%add3A_76, %broadcast_in_dim3A_477] : memref<128x64xf32, #tpu.memory_space<vmem>>[vector<16xi32>, vector<16xi32>], vector<16xf32>,
        %add3A_480 = arith.addi %broadcast_in_dim3A_477, %mul3A_87 : vector<16xi32>
        %gather3A_481 = tpu.vector_load_idx %arg13[%shift_right_logical3A_82, %add3A_480] : memref<500x128xf32, #tpu.memory_space<vmem>>[vector<16xi32>, vector<16xi32>], vector<16xf32>,
        %add3A_482 = arith.addf %gather3A_478, %gather3A_481 : vector<16xf32>
        %sub3A_483 = arith.subf %add3A_482, %gather3A_479 : vector<16xf32>
        %abs3A_484 = math.absf %sub3A_483 : vector<16xf32>
        %add3A_485 = arith.addf %add3A_475, %abs3A_484 : vector<16xf32>
        %broadcast_in_dim3A_486 = arith.constant 40 : i32
        %broadcast_in_dim3A_487 = vector.broadcast %broadcast_in_dim3A_486 : i32 to vector<16xi32>
        %gather3A_488 = tpu.vector_load_idx %arg11[%add3A_76, %broadcast_in_dim3A_487] : memref<128x64xf32, #tpu.memory_space<vmem>>[vector<16xi32>, vector<16xi32>], vector<16xf32>,
        %gather3A_489 = tpu.vector_load_idx %arg12[%add3A_76, %broadcast_in_dim3A_487] : memref<128x64xf32, #tpu.memory_space<vmem>>[vector<16xi32>, vector<16xi32>], vector<16xf32>,
        %add3A_490 = arith.addi %broadcast_in_dim3A_487, %mul3A_87 : vector<16xi32>
        %gather3A_491 = tpu.vector_load_idx %arg13[%shift_right_logical3A_82, %add3A_490] : memref<500x128xf32, #tpu.memory_space<vmem>>[vector<16xi32>, vector<16xi32>], vector<16xf32>,
        %add3A_492 = arith.addf %gather3A_488, %gather3A_491 : vector<16xf32>
        %sub3A_493 = arith.subf %add3A_492, %gather3A_489 : vector<16xf32>
        %abs3A_494 = math.absf %sub3A_493 : vector<16xf32>
        %add3A_495 = arith.addf %add3A_485, %abs3A_494 : vector<16xf32>
        %broadcast_in_dim3A_496 = arith.constant 41 : i32
        %broadcast_in_dim3A_497 = vector.broadcast %broadcast_in_dim3A_496 : i32 to vector<16xi32>
        %gather3A_498 = tpu.vector_load_idx %arg11[%add3A_76, %broadcast_in_dim3A_497] : memref<128x64xf32, #tpu.memory_space<vmem>>[vector<16xi32>, vector<16xi32>], vector<16xf32>,
        %gather3A_499 = tpu.vector_load_idx %arg12[%add3A_76, %broadcast_in_dim3A_497] : memref<128x64xf32, #tpu.memory_space<vmem>>[vector<16xi32>, vector<16xi32>], vector<16xf32>,
        %add3A_500 = arith.addi %broadcast_in_dim3A_497, %mul3A_87 : vector<16xi32>
        %gather3A_501 = tpu.vector_load_idx %arg13[%shift_right_logical3A_82, %add3A_500] : memref<500x128xf32, #tpu.memory_space<vmem>>[vector<16xi32>, vector<16xi32>], vector<16xf32>,
        %add3A_502 = arith.addf %gather3A_498, %gather3A_501 : vector<16xf32>
        %sub3A_503 = arith.subf %add3A_502, %gather3A_499 : vector<16xf32>
        %abs3A_504 = math.absf %sub3A_503 : vector<16xf32>
        %add3A_505 = arith.addf %add3A_495, %abs3A_504 : vector<16xf32>
        %broadcast_in_dim3A_506 = arith.constant 42 : i32
        %broadcast_in_dim3A_507 = vector.broadcast %broadcast_in_dim3A_506 : i32 to vector<16xi32>
        %gather3A_508 = tpu.vector_load_idx %arg11[%add3A_76, %broadcast_in_dim3A_507] : memref<128x64xf32, #tpu.memory_space<vmem>>[vector<16xi32>, vector<16xi32>], vector<16xf32>,
        %gather3A_509 = tpu.vector_load_idx %arg12[%add3A_76, %broadcast_in_dim3A_507] : memref<128x64xf32, #tpu.memory_space<vmem>>[vector<16xi32>, vector<16xi32>], vector<16xf32>,
        %add3A_510 = arith.addi %broadcast_in_dim3A_507, %mul3A_87 : vector<16xi32>
        %gather3A_511 = tpu.vector_load_idx %arg13[%shift_right_logical3A_82, %add3A_510] : memref<500x128xf32, #tpu.memory_space<vmem>>[vector<16xi32>, vector<16xi32>], vector<16xf32>,
        %add3A_512 = arith.addf %gather3A_508, %gather3A_511 : vector<16xf32>
        %sub3A_513 = arith.subf %add3A_512, %gather3A_509 : vector<16xf32>
        %abs3A_514 = math.absf %sub3A_513 : vector<16xf32>
        %add3A_515 = arith.addf %add3A_505, %abs3A_514 : vector<16xf32>
        %broadcast_in_dim3A_516 = arith.constant 43 : i32
        %broadcast_in_dim3A_517 = vector.broadcast %broadcast_in_dim3A_516 : i32 to vector<16xi32>
        %gather3A_518 = tpu.vector_load_idx %arg11[%add3A_76, %broadcast_in_dim3A_517] : memref<128x64xf32, #tpu.memory_space<vmem>>[vector<16xi32>, vector<16xi32>], vector<16xf32>,
        %gather3A_519 = tpu.vector_load_idx %arg12[%add3A_76, %broadcast_in_dim3A_517] : memref<128x64xf32, #tpu.memory_space<vmem>>[vector<16xi32>, vector<16xi32>], vector<16xf32>,
        %add3A_520 = arith.addi %broadcast_in_dim3A_517, %mul3A_87 : vector<16xi32>
        %gather3A_521 = tpu.vector_load_idx %arg13[%shift_right_logical3A_82, %add3A_520] : memref<500x128xf32, #tpu.memory_space<vmem>>[vector<16xi32>, vector<16xi32>], vector<16xf32>,
        %add3A_522 = arith.addf %gather3A_518, %gather3A_521 : vector<16xf32>
        %sub3A_523 = arith.subf %add3A_522, %gather3A_519 : vector<16xf32>
        %abs3A_524 = math.absf %sub3A_523 : vector<16xf32>
        %add3A_525 = arith.addf %add3A_515, %abs3A_524 : vector<16xf32>
        %broadcast_in_dim3A_526 = arith.constant 44 : i32
        %broadcast_in_dim3A_527 = vector.broadcast %broadcast_in_dim3A_526 : i32 to vector<16xi32>
        %gather3A_528 = tpu.vector_load_idx %arg11[%add3A_76, %broadcast_in_dim3A_527] : memref<128x64xf32, #tpu.memory_space<vmem>>[vector<16xi32>, vector<16xi32>], vector<16xf32>,
        %gather3A_529 = tpu.vector_load_idx %arg12[%add3A_76, %broadcast_in_dim3A_527] : memref<128x64xf32, #tpu.memory_space<vmem>>[vector<16xi32>, vector<16xi32>], vector<16xf32>,
        %add3A_530 = arith.addi %broadcast_in_dim3A_527, %mul3A_87 : vector<16xi32>
        %gather3A_531 = tpu.vector_load_idx %arg13[%shift_right_logical3A_82, %add3A_530] : memref<500x128xf32, #tpu.memory_space<vmem>>[vector<16xi32>, vector<16xi32>], vector<16xf32>,
        %add3A_532 = arith.addf %gather3A_528, %gather3A_531 : vector<16xf32>
        %sub3A_533 = arith.subf %add3A_532, %gather3A_529 : vector<16xf32>
        %abs3A_534 = math.absf %sub3A_533 : vector<16xf32>
        %add3A_535 = arith.addf %add3A_525, %abs3A_534 : vector<16xf32>
        %broadcast_in_dim3A_536 = arith.constant 45 : i32
        %broadcast_in_dim3A_537 = vector.broadcast %broadcast_in_dim3A_536 : i32 to vector<16xi32>
        %gather3A_538 = tpu.vector_load_idx %arg11[%add3A_76, %broadcast_in_dim3A_537] : memref<128x64xf32, #tpu.memory_space<vmem>>[vector<16xi32>, vector<16xi32>], vector<16xf32>,
        %gather3A_539 = tpu.vector_load_idx %arg12[%add3A_76, %broadcast_in_dim3A_537] : memref<128x64xf32, #tpu.memory_space<vmem>>[vector<16xi32>, vector<16xi32>], vector<16xf32>,
        %add3A_540 = arith.addi %broadcast_in_dim3A_537, %mul3A_87 : vector<16xi32>
        %gather3A_541 = tpu.vector_load_idx %arg13[%shift_right_logical3A_82, %add3A_540] : memref<500x128xf32, #tpu.memory_space<vmem>>[vector<16xi32>, vector<16xi32>], vector<16xf32>,
        %add3A_542 = arith.addf %gather3A_538, %gather3A_541 : vector<16xf32>
        %sub3A_543 = arith.subf %add3A_542, %gather3A_539 : vector<16xf32>
        %abs3A_544 = math.absf %sub3A_543 : vector<16xf32>
        %add3A_545 = arith.addf %add3A_535, %abs3A_544 : vector<16xf32>
        %broadcast_in_dim3A_546 = arith.constant 46 : i32
        %broadcast_in_dim3A_547 = vector.broadcast %broadcast_in_dim3A_546 : i32 to vector<16xi32>
        %gather3A_548 = tpu.vector_load_idx %arg11[%add3A_76, %broadcast_in_dim3A_547] : memref<128x64xf32, #tpu.memory_space<vmem>>[vector<16xi32>, vector<16xi32>], vector<16xf32>,
        %gather3A_549 = tpu.vector_load_idx %arg12[%add3A_76, %broadcast_in_dim3A_547] : memref<128x64xf32, #tpu.memory_space<vmem>>[vector<16xi32>, vector<16xi32>], vector<16xf32>,
        %add3A_550 = arith.addi %broadcast_in_dim3A_547, %mul3A_87 : vector<16xi32>
        %gather3A_551 = tpu.vector_load_idx %arg13[%shift_right_logical3A_82, %add3A_550] : memref<500x128xf32, #tpu.memory_space<vmem>>[vector<16xi32>, vector<16xi32>], vector<16xf32>,
        %add3A_552 = arith.addf %gather3A_548, %gather3A_551 : vector<16xf32>
        %sub3A_553 = arith.subf %add3A_552, %gather3A_549 : vector<16xf32>
        %abs3A_554 = math.absf %sub3A_553 : vector<16xf32>
        %add3A_555 = arith.addf %add3A_545, %abs3A_554 : vector<16xf32>
        %broadcast_in_dim3A_556 = arith.constant 47 : i32
        %broadcast_in_dim3A_557 = vector.broadcast %broadcast_in_dim3A_556 : i32 to vector<16xi32>
        %gather3A_558 = tpu.vector_load_idx %arg11[%add3A_76, %broadcast_in_dim3A_557] : memref<128x64xf32, #tpu.memory_space<vmem>>[vector<16xi32>, vector<16xi32>], vector<16xf32>,
        %gather3A_559 = tpu.vector_load_idx %arg12[%add3A_76, %broadcast_in_dim3A_557] : memref<128x64xf32, #tpu.memory_space<vmem>>[vector<16xi32>, vector<16xi32>], vector<16xf32>,
        %add3A_560 = arith.addi %broadcast_in_dim3A_557, %mul3A_87 : vector<16xi32>
        %gather3A_561 = tpu.vector_load_idx %arg13[%shift_right_logical3A_82, %add3A_560] : memref<500x128xf32, #tpu.memory_space<vmem>>[vector<16xi32>, vector<16xi32>], vector<16xf32>,
        %add3A_562 = arith.addf %gather3A_558, %gather3A_561 : vector<16xf32>
        %sub3A_563 = arith.subf %add3A_562, %gather3A_559 : vector<16xf32>
        %abs3A_564 = math.absf %sub3A_563 : vector<16xf32>
        %add3A_565 = arith.addf %add3A_555, %abs3A_564 : vector<16xf32>
        %broadcast_in_dim3A_566 = arith.constant 48 : i32
        %broadcast_in_dim3A_567 = vector.broadcast %broadcast_in_dim3A_566 : i32 to vector<16xi32>
        %gather3A_568 = tpu.vector_load_idx %arg11[%add3A_76, %broadcast_in_dim3A_567] : memref<128x64xf32, #tpu.memory_space<vmem>>[vector<16xi32>, vector<16xi32>], vector<16xf32>,
        %gather3A_569 = tpu.vector_load_idx %arg12[%add3A_76, %broadcast_in_dim3A_567] : memref<128x64xf32, #tpu.memory_space<vmem>>[vector<16xi32>, vector<16xi32>], vector<16xf32>,
        %add3A_570 = arith.addi %broadcast_in_dim3A_567, %mul3A_87 : vector<16xi32>
        %gather3A_571 = tpu.vector_load_idx %arg13[%shift_right_logical3A_82, %add3A_570] : memref<500x128xf32, #tpu.memory_space<vmem>>[vector<16xi32>, vector<16xi32>], vector<16xf32>,
        %add3A_572 = arith.addf %gather3A_568, %gather3A_571 : vector<16xf32>
        %sub3A_573 = arith.subf %add3A_572, %gather3A_569 : vector<16xf32>
        %abs3A_574 = math.absf %sub3A_573 : vector<16xf32>
        %add3A_575 = arith.addf %add3A_565, %abs3A_574 : vector<16xf32>
        %broadcast_in_dim3A_576 = arith.constant 49 : i32
        %broadcast_in_dim3A_577 = vector.broadcast %broadcast_in_dim3A_576 : i32 to vector<16xi32>
        %gather3A_578 = tpu.vector_load_idx %arg11[%add3A_76, %broadcast_in_dim3A_577] : memref<128x64xf32, #tpu.memory_space<vmem>>[vector<16xi32>, vector<16xi32>], vector<16xf32>,
        %gather3A_579 = tpu.vector_load_idx %arg12[%add3A_76, %broadcast_in_dim3A_577] : memref<128x64xf32, #tpu.memory_space<vmem>>[vector<16xi32>, vector<16xi32>], vector<16xf32>,
        %add3A_580 = arith.addi %broadcast_in_dim3A_577, %mul3A_87 : vector<16xi32>
        %gather3A_581 = tpu.vector_load_idx %arg13[%shift_right_logical3A_82, %add3A_580] : memref<500x128xf32, #tpu.memory_space<vmem>>[vector<16xi32>, vector<16xi32>], vector<16xf32>,
        %add3A_582 = arith.addf %gather3A_578, %gather3A_581 : vector<16xf32>
        %sub3A_583 = arith.subf %add3A_582, %gather3A_579 : vector<16xf32>
        %abs3A_584 = math.absf %sub3A_583 : vector<16xf32>
        %add3A_585 = arith.addf %add3A_575, %abs3A_584 : vector<16xf32>
        %broadcast_in_dim3A_586 = arith.constant 50 : i32
        %broadcast_in_dim3A_587 = vector.broadcast %broadcast_in_dim3A_586 : i32 to vector<16xi32>
        %gather3A_588 = tpu.vector_load_idx %arg11[%add3A_76, %broadcast_in_dim3A_587] : memref<128x64xf32, #tpu.memory_space<vmem>>[vector<16xi32>, vector<16xi32>], vector<16xf32>,
        %gather3A_589 = tpu.vector_load_idx %arg12[%add3A_76, %broadcast_in_dim3A_587] : memref<128x64xf32, #tpu.memory_space<vmem>>[vector<16xi32>, vector<16xi32>], vector<16xf32>,
        %add3A_590 = arith.addi %broadcast_in_dim3A_587, %mul3A_87 : vector<16xi32>
        %gather3A_591 = tpu.vector_load_idx %arg13[%shift_right_logical3A_82, %add3A_590] : memref<500x128xf32, #tpu.memory_space<vmem>>[vector<16xi32>, vector<16xi32>], vector<16xf32>,
        %add3A_592 = arith.addf %gather3A_588, %gather3A_591 : vector<16xf32>
        %sub3A_593 = arith.subf %add3A_592, %gather3A_589 : vector<16xf32>
        %abs3A_594 = math.absf %sub3A_593 : vector<16xf32>
        %add3A_595 = arith.addf %add3A_585, %abs3A_594 : vector<16xf32>
        %broadcast_in_dim3A_596 = arith.constant 51 : i32
        %broadcast_in_dim3A_597 = vector.broadcast %broadcast_in_dim3A_596 : i32 to vector<16xi32>
        %gather3A_598 = tpu.vector_load_idx %arg11[%add3A_76, %broadcast_in_dim3A_597] : memref<128x64xf32, #tpu.memory_space<vmem>>[vector<16xi32>, vector<16xi32>], vector<16xf32>,
        %gather3A_599 = tpu.vector_load_idx %arg12[%add3A_76, %broadcast_in_dim3A_597] : memref<128x64xf32, #tpu.memory_space<vmem>>[vector<16xi32>, vector<16xi32>], vector<16xf32>,
        %add3A_600 = arith.addi %broadcast_in_dim3A_597, %mul3A_87 : vector<16xi32>
        %gather3A_601 = tpu.vector_load_idx %arg13[%shift_right_logical3A_82, %add3A_600] : memref<500x128xf32, #tpu.memory_space<vmem>>[vector<16xi32>, vector<16xi32>], vector<16xf32>,
        %add3A_602 = arith.addf %gather3A_598, %gather3A_601 : vector<16xf32>
        %sub3A_603 = arith.subf %add3A_602, %gather3A_599 : vector<16xf32>
        %abs3A_604 = math.absf %sub3A_603 : vector<16xf32>
        %add3A_605 = arith.addf %add3A_595, %abs3A_604 : vector<16xf32>
        %broadcast_in_dim3A_606 = arith.constant 52 : i32
        %broadcast_in_dim3A_607 = vector.broadcast %broadcast_in_dim3A_606 : i32 to vector<16xi32>
        %gather3A_608 = tpu.vector_load_idx %arg11[%add3A_76, %broadcast_in_dim3A_607] : memref<128x64xf32, #tpu.memory_space<vmem>>[vector<16xi32>, vector<16xi32>], vector<16xf32>,
        %gather3A_609 = tpu.vector_load_idx %arg12[%add3A_76, %broadcast_in_dim3A_607] : memref<128x64xf32, #tpu.memory_space<vmem>>[vector<16xi32>, vector<16xi32>], vector<16xf32>,
        %add3A_610 = arith.addi %broadcast_in_dim3A_607, %mul3A_87 : vector<16xi32>
        %gather3A_611 = tpu.vector_load_idx %arg13[%shift_right_logical3A_82, %add3A_610] : memref<500x128xf32, #tpu.memory_space<vmem>>[vector<16xi32>, vector<16xi32>], vector<16xf32>,
        %add3A_612 = arith.addf %gather3A_608, %gather3A_611 : vector<16xf32>
        %sub3A_613 = arith.subf %add3A_612, %gather3A_609 : vector<16xf32>
        %abs3A_614 = math.absf %sub3A_613 : vector<16xf32>
        %add3A_615 = arith.addf %add3A_605, %abs3A_614 : vector<16xf32>
        %broadcast_in_dim3A_616 = arith.constant 53 : i32
        %broadcast_in_dim3A_617 = vector.broadcast %broadcast_in_dim3A_616 : i32 to vector<16xi32>
        %gather3A_618 = tpu.vector_load_idx %arg11[%add3A_76, %broadcast_in_dim3A_617] : memref<128x64xf32, #tpu.memory_space<vmem>>[vector<16xi32>, vector<16xi32>], vector<16xf32>,
        %gather3A_619 = tpu.vector_load_idx %arg12[%add3A_76, %broadcast_in_dim3A_617] : memref<128x64xf32, #tpu.memory_space<vmem>>[vector<16xi32>, vector<16xi32>], vector<16xf32>,
        %add3A_620 = arith.addi %broadcast_in_dim3A_617, %mul3A_87 : vector<16xi32>
        %gather3A_621 = tpu.vector_load_idx %arg13[%shift_right_logical3A_82, %add3A_620] : memref<500x128xf32, #tpu.memory_space<vmem>>[vector<16xi32>, vector<16xi32>], vector<16xf32>,
        %add3A_622 = arith.addf %gather3A_618, %gather3A_621 : vector<16xf32>
        %sub3A_623 = arith.subf %add3A_622, %gather3A_619 : vector<16xf32>
        %abs3A_624 = math.absf %sub3A_623 : vector<16xf32>
        %add3A_625 = arith.addf %add3A_615, %abs3A_624 : vector<16xf32>
        %broadcast_in_dim3A_626 = arith.constant 54 : i32
        %broadcast_in_dim3A_627 = vector.broadcast %broadcast_in_dim3A_626 : i32 to vector<16xi32>
        %gather3A_628 = tpu.vector_load_idx %arg11[%add3A_76, %broadcast_in_dim3A_627] : memref<128x64xf32, #tpu.memory_space<vmem>>[vector<16xi32>, vector<16xi32>], vector<16xf32>,
        %gather3A_629 = tpu.vector_load_idx %arg12[%add3A_76, %broadcast_in_dim3A_627] : memref<128x64xf32, #tpu.memory_space<vmem>>[vector<16xi32>, vector<16xi32>], vector<16xf32>,
        %add3A_630 = arith.addi %broadcast_in_dim3A_627, %mul3A_87 : vector<16xi32>
        %gather3A_631 = tpu.vector_load_idx %arg13[%shift_right_logical3A_82, %add3A_630] : memref<500x128xf32, #tpu.memory_space<vmem>>[vector<16xi32>, vector<16xi32>], vector<16xf32>,
        %add3A_632 = arith.addf %gather3A_628, %gather3A_631 : vector<16xf32>
        %sub3A_633 = arith.subf %add3A_632, %gather3A_629 : vector<16xf32>
        %abs3A_634 = math.absf %sub3A_633 : vector<16xf32>
        %add3A_635 = arith.addf %add3A_625, %abs3A_634 : vector<16xf32>
        %broadcast_in_dim3A_636 = arith.constant 55 : i32
        %broadcast_in_dim3A_637 = vector.broadcast %broadcast_in_dim3A_636 : i32 to vector<16xi32>
        %gather3A_638 = tpu.vector_load_idx %arg11[%add3A_76, %broadcast_in_dim3A_637] : memref<128x64xf32, #tpu.memory_space<vmem>>[vector<16xi32>, vector<16xi32>], vector<16xf32>,
        %gather3A_639 = tpu.vector_load_idx %arg12[%add3A_76, %broadcast_in_dim3A_637] : memref<128x64xf32, #tpu.memory_space<vmem>>[vector<16xi32>, vector<16xi32>], vector<16xf32>,
        %add3A_640 = arith.addi %broadcast_in_dim3A_637, %mul3A_87 : vector<16xi32>
        %gather3A_641 = tpu.vector_load_idx %arg13[%shift_right_logical3A_82, %add3A_640] : memref<500x128xf32, #tpu.memory_space<vmem>>[vector<16xi32>, vector<16xi32>], vector<16xf32>,
        %add3A_642 = arith.addf %gather3A_638, %gather3A_641 : vector<16xf32>
        %sub3A_643 = arith.subf %add3A_642, %gather3A_639 : vector<16xf32>
        %abs3A_644 = math.absf %sub3A_643 : vector<16xf32>
        %add3A_645 = arith.addf %add3A_635, %abs3A_644 : vector<16xf32>
        %broadcast_in_dim3A_646 = arith.constant 56 : i32
        %broadcast_in_dim3A_647 = vector.broadcast %broadcast_in_dim3A_646 : i32 to vector<16xi32>
        %gather3A_648 = tpu.vector_load_idx %arg11[%add3A_76, %broadcast_in_dim3A_647] : memref<128x64xf32, #tpu.memory_space<vmem>>[vector<16xi32>, vector<16xi32>], vector<16xf32>,
        %gather3A_649 = tpu.vector_load_idx %arg12[%add3A_76, %broadcast_in_dim3A_647] : memref<128x64xf32, #tpu.memory_space<vmem>>[vector<16xi32>, vector<16xi32>], vector<16xf32>,
        %add3A_650 = arith.addi %broadcast_in_dim3A_647, %mul3A_87 : vector<16xi32>
        %gather3A_651 = tpu.vector_load_idx %arg13[%shift_right_logical3A_82, %add3A_650] : memref<500x128xf32, #tpu.memory_space<vmem>>[vector<16xi32>, vector<16xi32>], vector<16xf32>,
        %add3A_652 = arith.addf %gather3A_648, %gather3A_651 : vector<16xf32>
        %sub3A_653 = arith.subf %add3A_652, %gather3A_649 : vector<16xf32>
        %abs3A_654 = math.absf %sub3A_653 : vector<16xf32>
        %add3A_655 = arith.addf %add3A_645, %abs3A_654 : vector<16xf32>
        %broadcast_in_dim3A_656 = arith.constant 57 : i32
        %broadcast_in_dim3A_657 = vector.broadcast %broadcast_in_dim3A_656 : i32 to vector<16xi32>
        %gather3A_658 = tpu.vector_load_idx %arg11[%add3A_76, %broadcast_in_dim3A_657] : memref<128x64xf32, #tpu.memory_space<vmem>>[vector<16xi32>, vector<16xi32>], vector<16xf32>,
        %gather3A_659 = tpu.vector_load_idx %arg12[%add3A_76, %broadcast_in_dim3A_657] : memref<128x64xf32, #tpu.memory_space<vmem>>[vector<16xi32>, vector<16xi32>], vector<16xf32>,
        %add3A_660 = arith.addi %broadcast_in_dim3A_657, %mul3A_87 : vector<16xi32>
        %gather3A_661 = tpu.vector_load_idx %arg13[%shift_right_logical3A_82, %add3A_660] : memref<500x128xf32, #tpu.memory_space<vmem>>[vector<16xi32>, vector<16xi32>], vector<16xf32>,
        %add3A_662 = arith.addf %gather3A_658, %gather3A_661 : vector<16xf32>
        %sub3A_663 = arith.subf %add3A_662, %gather3A_659 : vector<16xf32>
        %abs3A_664 = math.absf %sub3A_663 : vector<16xf32>
        %add3A_665 = arith.addf %add3A_655, %abs3A_664 : vector<16xf32>
        %broadcast_in_dim3A_666 = arith.constant 58 : i32
        %broadcast_in_dim3A_667 = vector.broadcast %broadcast_in_dim3A_666 : i32 to vector<16xi32>
        %gather3A_668 = tpu.vector_load_idx %arg11[%add3A_76, %broadcast_in_dim3A_667] : memref<128x64xf32, #tpu.memory_space<vmem>>[vector<16xi32>, vector<16xi32>], vector<16xf32>,
        %gather3A_669 = tpu.vector_load_idx %arg12[%add3A_76, %broadcast_in_dim3A_667] : memref<128x64xf32, #tpu.memory_space<vmem>>[vector<16xi32>, vector<16xi32>], vector<16xf32>,
        %add3A_670 = arith.addi %broadcast_in_dim3A_667, %mul3A_87 : vector<16xi32>
        %gather3A_671 = tpu.vector_load_idx %arg13[%shift_right_logical3A_82, %add3A_670] : memref<500x128xf32, #tpu.memory_space<vmem>>[vector<16xi32>, vector<16xi32>], vector<16xf32>,
        %add3A_672 = arith.addf %gather3A_668, %gather3A_671 : vector<16xf32>
        %sub3A_673 = arith.subf %add3A_672, %gather3A_669 : vector<16xf32>
        %abs3A_674 = math.absf %sub3A_673 : vector<16xf32>
        %add3A_675 = arith.addf %add3A_665, %abs3A_674 : vector<16xf32>
        %broadcast_in_dim3A_676 = arith.constant 59 : i32
        %broadcast_in_dim3A_677 = vector.broadcast %broadcast_in_dim3A_676 : i32 to vector<16xi32>
        %gather3A_678 = tpu.vector_load_idx %arg11[%add3A_76, %broadcast_in_dim3A_677] : memref<128x64xf32, #tpu.memory_space<vmem>>[vector<16xi32>, vector<16xi32>], vector<16xf32>,
        %gather3A_679 = tpu.vector_load_idx %arg12[%add3A_76, %broadcast_in_dim3A_677] : memref<128x64xf32, #tpu.memory_space<vmem>>[vector<16xi32>, vector<16xi32>], vector<16xf32>,
        %add3A_680 = arith.addi %broadcast_in_dim3A_677, %mul3A_87 : vector<16xi32>
        %gather3A_681 = tpu.vector_load_idx %arg13[%shift_right_logical3A_82, %add3A_680] : memref<500x128xf32, #tpu.memory_space<vmem>>[vector<16xi32>, vector<16xi32>], vector<16xf32>,
        %add3A_682 = arith.addf %gather3A_678, %gather3A_681 : vector<16xf32>
        %sub3A_683 = arith.subf %add3A_682, %gather3A_679 : vector<16xf32>
        %abs3A_684 = math.absf %sub3A_683 : vector<16xf32>
        %add3A_685 = arith.addf %add3A_675, %abs3A_684 : vector<16xf32>
        %broadcast_in_dim3A_686 = arith.constant 60 : i32
        %broadcast_in_dim3A_687 = vector.broadcast %broadcast_in_dim3A_686 : i32 to vector<16xi32>
        %gather3A_688 = tpu.vector_load_idx %arg11[%add3A_76, %broadcast_in_dim3A_687] : memref<128x64xf32, #tpu.memory_space<vmem>>[vector<16xi32>, vector<16xi32>], vector<16xf32>,
        %gather3A_689 = tpu.vector_load_idx %arg12[%add3A_76, %broadcast_in_dim3A_687] : memref<128x64xf32, #tpu.memory_space<vmem>>[vector<16xi32>, vector<16xi32>], vector<16xf32>,
        %add3A_690 = arith.addi %broadcast_in_dim3A_687, %mul3A_87 : vector<16xi32>
        %gather3A_691 = tpu.vector_load_idx %arg13[%shift_right_logical3A_82, %add3A_690] : memref<500x128xf32, #tpu.memory_space<vmem>>[vector<16xi32>, vector<16xi32>], vector<16xf32>,
        %add3A_692 = arith.addf %gather3A_688, %gather3A_691 : vector<16xf32>
        %sub3A_693 = arith.subf %add3A_692, %gather3A_689 : vector<16xf32>
        %abs3A_694 = math.absf %sub3A_693 : vector<16xf32>
        %add3A_695 = arith.addf %add3A_685, %abs3A_694 : vector<16xf32>
        %broadcast_in_dim3A_696 = arith.constant 61 : i32
        %broadcast_in_dim3A_697 = vector.broadcast %broadcast_in_dim3A_696 : i32 to vector<16xi32>
        %gather3A_698 = tpu.vector_load_idx %arg11[%add3A_76, %broadcast_in_dim3A_697] : memref<128x64xf32, #tpu.memory_space<vmem>>[vector<16xi32>, vector<16xi32>], vector<16xf32>,
        %gather3A_699 = tpu.vector_load_idx %arg12[%add3A_76, %broadcast_in_dim3A_697] : memref<128x64xf32, #tpu.memory_space<vmem>>[vector<16xi32>, vector<16xi32>], vector<16xf32>,
        %add3A_700 = arith.addi %broadcast_in_dim3A_697, %mul3A_87 : vector<16xi32>
        %gather3A_701 = tpu.vector_load_idx %arg13[%shift_right_logical3A_82, %add3A_700] : memref<500x128xf32, #tpu.memory_space<vmem>>[vector<16xi32>, vector<16xi32>], vector<16xf32>,
        %add3A_702 = arith.addf %gather3A_698, %gather3A_701 : vector<16xf32>
        %sub3A_703 = arith.subf %add3A_702, %gather3A_699 : vector<16xf32>
        %abs3A_704 = math.absf %sub3A_703 : vector<16xf32>
        %add3A_705 = arith.addf %add3A_695, %abs3A_704 : vector<16xf32>
        %broadcast_in_dim3A_706 = arith.constant 62 : i32
        %broadcast_in_dim3A_707 = vector.broadcast %broadcast_in_dim3A_706 : i32 to vector<16xi32>
        %gather3A_708 = tpu.vector_load_idx %arg11[%add3A_76, %broadcast_in_dim3A_707] : memref<128x64xf32, #tpu.memory_space<vmem>>[vector<16xi32>, vector<16xi32>], vector<16xf32>,
        %gather3A_709 = tpu.vector_load_idx %arg12[%add3A_76, %broadcast_in_dim3A_707] : memref<128x64xf32, #tpu.memory_space<vmem>>[vector<16xi32>, vector<16xi32>], vector<16xf32>,
        %add3A_710 = arith.addi %broadcast_in_dim3A_707, %mul3A_87 : vector<16xi32>
        %gather3A_711 = tpu.vector_load_idx %arg13[%shift_right_logical3A_82, %add3A_710] : memref<500x128xf32, #tpu.memory_space<vmem>>[vector<16xi32>, vector<16xi32>], vector<16xf32>,
        %add3A_712 = arith.addf %gather3A_708, %gather3A_711 : vector<16xf32>
        %sub3A_713 = arith.subf %add3A_712, %gather3A_709 : vector<16xf32>
        %abs3A_714 = math.absf %sub3A_713 : vector<16xf32>
        %add3A_715 = arith.addf %add3A_705, %abs3A_714 : vector<16xf32>
        %broadcast_in_dim3A_716 = arith.constant 63 : i32
        %broadcast_in_dim3A_717 = vector.broadcast %broadcast_in_dim3A_716 : i32 to vector<16xi32>
        %gather3A_718 = tpu.vector_load_idx %arg11[%add3A_76, %broadcast_in_dim3A_717] : memref<128x64xf32, #tpu.memory_space<vmem>>[vector<16xi32>, vector<16xi32>], vector<16xf32>,
        %gather3A_719 = tpu.vector_load_idx %arg12[%add3A_76, %broadcast_in_dim3A_717] : memref<128x64xf32, #tpu.memory_space<vmem>>[vector<16xi32>, vector<16xi32>], vector<16xf32>,
        %add3A_720 = arith.addi %broadcast_in_dim3A_717, %mul3A_87 : vector<16xi32>
        %gather3A_721 = tpu.vector_load_idx %arg13[%shift_right_logical3A_82, %add3A_720] : memref<500x128xf32, #tpu.memory_space<vmem>>[vector<16xi32>, vector<16xi32>], vector<16xf32>,
        %add3A_722 = arith.addf %gather3A_718, %gather3A_721 : vector<16xf32>
        %sub3A_723 = arith.subf %add3A_722, %gather3A_719 : vector<16xf32>
        %abs3A_724 = math.absf %sub3A_723 : vector<16xf32>
        %add3A_725 = arith.addf %add3A_715, %abs3A_724 : vector<16xf32>
        %mul3A_726 = arith.constant 16 : i32
        %mul3A_727 = arith.muli %scan3A_71, %mul3A_726 : i32
        %add3A_728 = arith.addi %mul3A_48, %mul3A_727 : i32
        %swap3A = arith.index_cast %add3A_728 : i32 to index
        %swap3A_729 = tpu.vector_load %arg14[%swap3A] {strides = array<i32>} : memref<512xf32, #tpu.memory_space<vmem>>, vector<16xf32>,
        tpu.vector_store %arg14[%swap3A], %add3A_725 {strides = array<i32>} : memref<512xf32, #tpu.memory_space<vmem>>, vector<16xf32>,
        %scan3A_730 = arith.constant 0 : i32
        scf.yield %scan3A_730 : i32
      }
      %scan3A_69 = arith.constant 8 : i32
      %scan3A_70 = arith.constant 0 : i32
      scf.yield %scan3A_70 : i32
    }
    %scan3A_42 = arith.constant 4 : i32
    %mul3A_43 = arith.constant 512 : i32
    %mul3A_44 = arith.muli %add3A, %mul3A_43 : i32
    "tpu.region"() ({
      %run_scoped3A = tpu.sem_alloc : memref<!tpu.dma_semaphore, #tpu.memory_space<semaphore_mem>>
      %dma_start3A_45 = tpu.memref_slice %arg7[%mul3A_44] : memref<16384xf32, #tpu.memory_space<hbm>> -> memref<512xf32, #tpu.memory_space<hbm>>
      %dma_start3A_46 = tpu.memref_slice %arg7[%mul3A_44] : memref<16384xf32, #tpu.memory_space<hbm>> -> memref<512xf32, #tpu.memory_space<hbm>>
      tpu.enqueue_dma source(%arg14 : memref<512xf32, #tpu.memory_space<vmem>>) target(%dma_start3A_46 : memref<512xf32, #tpu.memory_space<hbm>>) target_semaphore(%run_scoped3A : memref<!tpu.dma_semaphore, #tpu.memory_space<semaphore_mem>>)
      %dma_wait3A_47 = tpu.memref_slice %arg7[%mul3A_44] : memref<16384xf32, #tpu.memory_space<hbm>> -> memref<512xf32, #tpu.memory_space<hbm>>
      %dma_wait3A_48 = tpu.memref_slice %arg7[%mul3A_44] : memref<16384xf32, #tpu.memory_space<hbm>> -> memref<512xf32, #tpu.memory_space<hbm>>
      tpu.wait_dma2 semaphore(%run_scoped3A : memref<!tpu.dma_semaphore, #tpu.memory_space<semaphore_mem>>) src(%arg14 : memref<512xf32, #tpu.memory_space<vmem>>) dst(%dma_wait3A_48 : memref<512xf32, #tpu.memory_space<hbm>>)
      tpu.yield
    }) : () -> ()
    return
  }
}

</mosaic_0001>

<sc_bundles>
// kernel: _trans_e.3.cloned.1.call-start
scs
__scs_entry_jumppad:
0x0: {  	(pc) =	sbr.rel $0x88, $3  }
0x1: {  	(tag) =	ssettag $0x0;
	lr =	simm.s32 $0x1  }
0x2: {  	[smem:$0x3F9C] =	sst lr;
	_ =	strace $0xD0000000  }
0x3: {  	_ = 	snop  }
0x4: {  	_ = 	snop  }
0x5: {  	_ = 	snop  }
0x6: {  	_ = 	snop  }
0x7: {  	_ = 	snop  }
__scs_overlays_trampoline_lowered:
0x8: {  	[smem:$0x3FAB] =	sst s0  }
0x9: {  	[smem:$0x3FAC] =	sst s1  }
0xa: {  	[smem:$0x3FAD] =	sst s2  }
0xb: {  	[smem:$0x3FAE] =	sst s3  }
0xc: {  	[smem:$0x3FAF] =	sst s4  }
0xd: {  	[smem:$0x3FB0] =	sst s5  }
0xe: {  	[smem:$0x3FB1] =	sst s6  }
0xf: {  	[smem:$0x3FB2] =	sst s7  }
0x10: {  	[smem:$0x3FB3] =	sst s8  }
0x11: {  	[smem:$0x3FB4] =	sst s9;
	s0 =	simm.s32 @!p0 $0x0  }
0x12: {  	s1 =	sld [smem:$0x3F9A];
	s0 =	simm.s32 @p0 $0x1  }
0x13: {  	[smem:$0x3FB5] =	sst s0;
	s0 =	simm.s32 @!p1 $0x0  }
0x14: {  	s2 =	sld [smem:$0x3F99];
	s0 =	simm.s32 @p1 $0x1  }
0x15: {  	[smem:$0x3FB6] =	sst s0;
	s0 =	simm.s32 @!p2 $0x0  }
0x16: {  	s3 =	sld [smem:$0x3FDB];
	s0 =	simm.s32 @p2 $0x1  }
0x17: {  	s4 =	simm.s32 $0x1BF5;
	[smem:$0x3FB8] =	sst s0  }
0x18: {  	s0 =	sld [smem:$0x3F9B];
	_ =	swait.ge [sflag:s4], $0x0  }
0x19: {  	s7 =	sld [smem:$0x3F9C]  }
0x1a: {  	s8 =	sadd.s32 $0xFFFFE003, lr  }
0x1b: {  	s9 =	sadd.s32 $0xFFFFFEF7, lr;
	s5 =	simm.s32 $0xFFFFFFFF;
	p2 =	slt.u32 s8, $0xFFFFF086  }
0x1c: {  	p1 =	slt.u32 s9, $0xF7A;
	s5 =	simm.s32 @!p2 $0x0  }
0x1d: {  	s5 =	simm.s32 @p1 $0x1;
	p0 =	seq.s32 s7, s2  }
0x1e: {  	s7 =	smul.u32 @!p0 $0xF7A, s2;
	p2 =	seq.s32 @!p0 s5, $0x0  }
0x1f: {  	s9 =	smul.u32 $0xF7A, s1;
	s8 =	simm.s32 @!p0 $0x1BF5;
	p2 =	por !p2, p0  }
0x20: {  	[sflag:s8] =	ssyncset.s32 @!p0 $0xFFFFF086;
	s6 =	sadd.s32 @!p0 s3, s7;
	s7 =	simm.s32 @!p0 $0x108  }
0x21: {  	s3 =	sadd.s32 s3, s9;
	s6 =	sadd.s32 @!p0 $0x88, s6;
	s7 =	simm.s32 @p2 $0x1082  }
0x22: {  	[simem:s7], [sflag:s8] =	dma.local @!p0 [hbm:s6], $0xF7A  }
0x23: {  	s9 =	sor.u32 $0xD0000000, s2;
	s6 =	simm.s32 $0x108;
	_ =	swait.ge @!p0 [sflag:s8], $0x0  }
0x24: {  	s3 =	sadd.s32 $0x88, s3;
	s6 =	simm.s32 @!p1 $0x1082;
	[sflag:s4] =	ssyncset.s32 $0xFFFFF086  }
0x25: {  	[simem:s6], [sflag:s4] =	dma.local [hbm:s3], $0xF7A  }
0x26: {  	[smem:$0x3F9C] =	sst s1;
	(tag) =	ssettag s2;
	_ =	strace s9  }
0x27: {  	s1 =	sld [smem:$0x3FAC]  }
0x28: {  	s2 =	sld [smem:$0x3FAD]  }
0x29: {  	s4 =	sld [smem:$0x3FAF]  }
0x2a: {  	p0 =	seq.s32 s5, $0x0;
	s5 =	sld [smem:$0x3FB0]  }
0x2b: {  	s6 =	sld [smem:$0x3FB1]  }
0x2c: {  	s7 =	sld [smem:$0x3FB2]  }
0x2d: {  	s3 =	simm.s32 $0x108;
	s8 =	sld [smem:$0x3FB3]  }
0x2e: {  	s3 =	simm.s32 @!p0 $0x1082;
	s9 =	sld [smem:$0x3FB4]  }
0x2f: {  	lr =	sadd.s32 s0, s3;
	s0 =	sld [smem:$0x3FAB]  }
0x30: {  	s3 =	sld [smem:$0x3FAE]  }
0x31: {  	[smem:$0x3FB7] =	sst s10  }
0x32: {  	s10 =	sld [smem:$0x3FB5];
	_ =	sdelay $0x3  }
0x33: {  	p0 =	seq.s32 s10, $0x1;
	s10 =	sld [smem:$0x3FB7];
	_ =	sdelay $0x3  }
0x34: {  	[smem:$0x3FB7] =	sst s10  }
0x35: {  	s10 =	sld [smem:$0x3FB6];
	_ =	sdelay $0x3  }
0x36: {  	p1 =	seq.s32 s10, $0x1;
	s10 =	sld [smem:$0x3FB7];
	_ =	sdelay $0x3  }
0x37: {  	[smem:$0x3FB7] =	sst s10  }
0x38: {  	s10 =	sld [smem:$0x3FB8]  }
0x39: {  	_ = 	snop;
	(pc) =	sbr.ind lr, $3  }
0x3a: {  	_ = 	snop  }
0x3b: {  	_ = 	snop  }
0x3c: {  	p2 =	seq.s32 s10, $0x1;
	s10 =	sld [smem:$0x3FB7]  }
0x3d: {  	_ =	shalt  }
0x3e: {  	_ =	shalt  }
0x3f: {  	_ =	shalt  }
0x40: {  	_ =	shalt  }
0x41: {  	_ =	shalt  }
0x42: {  	_ =	shalt  }
0x43: {  	_ =	shalt  }
0x44: {  	_ =	shalt  }
0x45: {  	_ =	shalt  }
0x46: {  	_ =	shalt  }
0x47: {  	_ =	shalt  }
0x48: {  	_ =	shalt  }
0x49: {  	_ =	shalt  }
0x4a: {  	_ =	shalt  }
0x4b: {  	_ =	shalt  }
0x4c: {  	_ =	shalt  }
0x4d: {  	_ =	shalt  }
0x4e: {  	_ =	shalt  }
0x4f: {  	_ =	shalt  }
0x50: {  	_ =	shalt  }
0x51: {  	_ =	shalt  }
0x52: {  	_ =	shalt  }
0x53: {  	_ =	shalt  }
0x54: {  	_ =	shalt  }
0x55: {  	_ =	shalt  }
0x56: {  	_ =	shalt  }
0x57: {  	_ =	shalt  }
0x58: {  	_ =	shalt  }
0x59: {  	_ =	shalt  }
0x5a: {  	_ =	shalt  }
0x5b: {  	_ =	shalt  }
0x5c: {  	_ =	shalt  }
0x5d: {  	_ =	shalt  }
0x5e: {  	_ =	shalt  }
0x5f: {  	_ =	shalt  }
0x60: {  	_ =	shalt  }
0x61: {  	_ =	shalt  }
0x62: {  	_ =	shalt  }
0x63: {  	_ =	shalt  }
0x64: {  	_ =	shalt  }
0x65: {  	_ =	shalt  }
0x66: {  	_ =	shalt  }
0x67: {  	_ =	shalt  }
0x68: {  	_ =	shalt  }
0x69: {  	_ =	shalt  }
0x6a: {  	_ =	shalt  }
0x6b: {  	_ =	shalt  }
0x6c: {  	_ =	shalt  }
0x6d: {  	_ =	shalt  }
0x6e: {  	_ =	shalt  }
0x6f: {  	_ =	shalt  }
0x70: {  	_ =	shalt  }
0x71: {  	_ =	shalt  }
0x72: {  	_ =	shalt  }
0x73: {  	_ =	shalt  }
0x74: {  	_ =	shalt  }
0x75: {  	_ =	shalt  }
0x76: {  	_ =	shalt  }
0x77: {  	_ =	shalt  }
0x78: {  	_ =	shalt  }
0x79: {  	_ =	shalt  }
0x7a: {  	_ =	shalt  }
0x7b: {  	_ =	shalt  }
0x7c: {  	_ =	shalt  }
0x7d: {  	_ =	shalt  }
0x7e: {  	_ =	shalt  }
0x7f: {  	_ =	shalt  }
0x80: {  	_ =	shalt  }
0x81: {  	_ =	shalt  }
0x82: {  	_ =	shalt  }
0x83: {  	_ =	shalt  }
0x84: {  	_ =	shalt  }
0x85: {  	_ =	shalt  }
0x86: {  	_ =	shalt  }
0x87: {  	_ =	shalt  }
.Lfunc_end0:
.L_simem_size_0:
called_computation_lowered:
.L_overlay_start_0:
0x88: {  	s2 =	sld [smem:$0x3FD9]  }
0x89: {  	s3 =	sld [smem:$0x3FFE];
	_ =	sdelay $0x1  }
0x8a: {  	s1 =	srdreg.scid  }
0x8b: {  	s0 =	sand.u32 $0x1, s1  }
0x8c: {  	s17 =	sshll.u32 s0, $0xA;
	s2 =	sadd.s32 s3, s2  }
0x8d: {  	s2 =	sadd.s32 s2, s17  }
0x8e: {  	[smem:$0x3FC3] =	sst s2  }
0x8f: {  	_ = 	snop  }
0x90: {  	s2 =	sld [smem:$0x3FC9]  }
0x91: {  	s18 =	sld [smem:$0x3FC8]  }
0x92: {  	s4 =	sld [smem:$0x3FC7]  }
0x93: {  	s5 =	sld [smem:$0x3FC5]  }
0x94: {  	s6 =	sld [smem:$0x3FD0];
	(tm) =	ssettm $0x1  }
0x95: {  	s7 =	sld [smem:$0x3FFB];
	_ =	sdelay $0x3  }
0x96: {  	_ =	strace s7  }
0x97: {  	s7 =	sld [smem:$0x3FFC];
	_ =	sdelay $0x3  }
0x98: {  	_ =	strace s7  }
0x99: {  	s7 =	sld [smem:$0x3FFD];
	_ =	sdelay $0x3  }
0x9a: {  	_ =	strace s7  }
0x9b: {  	_ =	strace $0x8FFFFFFF  }
0x9c: {  	s19 =	sld [smem:$0x3FDB];
	_ =	sdelay $0x1  }
0x9d: {  	s8 =	simm.s32 $_scs_section_size  }
0x9e: {  	s9 =	simm.s32 $_size__tile_overlayer_lowered;
	s10 =	simm.s32 $_tile_overlayer_lowered  }
0x9f: {  	s22 =	simm.s32 $0x1BFF;
	s21 =	sshll.u32 s10, $0x1;
	s7 =	sadd.s32 s8, s19  }
0xa0: {  	s11 =	simm.s32 $0x0;
	s20 =	sshll.u32 s9, $0x1;
	s9 =	sadd.s32 s21, s7  }
0xa1: {  	[timem:s11], [sflag:s22] =	dma.local [hbm:s9], s20  }
0xa2: {  	_ =	swait.ge [sflag:s22], s20  }
0xa3: {  	s8 =	ssub.s32 $0x0, s20;
	[sflag:s22] =	ssyncset.done $0x0  }
0xa4: {  	[sflag:s22] =	ssyncadd.s32 s8;
	_ =	sdelay $0x1  }
0xa5: {  	s23 =	simm.s32 $0x1B8B  }
0xa6: {  	_ =	swait.ge [sflag:s23], $0x1  }
0xa7: {  	[sflag:s23] =	ssyncset.done $0x0  }
0xa8: {  	s25 =	simm.s32 $0x1B8E;
	s24 =	sld [smem:$0x3FFE];
	[sflag:s23] =	ssyncadd.s32 $0xFFFFFFFF  }
0xa9: {  	s26 =	simm.s32 $execute0_lowered;
	[smem:$0x3FD2] =	sst s25  }
0xaa: {  	s9 =	sshll.u32 s26, $0x1;
	_ =	strace $0x80000046;
	[dreg:$0x1] =	wrdreg $0xFFFFFFFF  }
0xab: {  	s28 =	simm.s32 $_size_execute0_lowered;
	s7 =	sadd.s32 s7, s9;
	[dreg:$0x0] =	wrdreg $0x0  }
0xac: {  	s9 =	sshll.u32 s28, $0x1;
	[dreg:$0x2] =	wrdreg s7  }
0xad: {  	[dreg:$0x3] =	wrdreg s9  }
0xae: {  	[dreg:$0x4] =	wrdreg $0xC0  }
0xaf: {  	_ =	task [dreg:s11], $0x5FFFF  }
0xb0: {  	[dreg:$0x1] =	wrdreg $0xFFFFFFFF  }
0xb1: {  	[dreg:$0x0] =	wrdreg $0x60  }
0xb2: {  	[dreg:$0x2] =	wrdreg s2  }
0xb3: {  	[dreg:$0x3] =	wrdreg s18  }
0xb4: {  	[dreg:$0x4] =	wrdreg s4  }
0xb5: {  	[dreg:$0x5] =	wrdreg s24  }
0xb6: {  	[dreg:$0x6] =	wrdreg s5  }
0xb7: {  	[dreg:$0x7] =	wrdreg s6  }
0xb8: {  	[dreg:$0x8] =	wrdreg $0x9  }
0xb9: {  	_ =	task.clear_ibuf [dreg:s11], $0x9FFFF;
	_ =	strace $0x90000046  }
0xba: {  	s29 =	simm.s32 $0x9;
	_ =	strace $0x80000048  }
0xbb: {  	_ =	swait.ge [sflag:s29], $0x1  }
0xbc: {  	[sflag:s29] =	ssyncadd.s32 $0xFFFFFFFF  }
0xbd: {  	_ =	strace $0x90000048  }
0xbe: {  	_ =	sfence  }
0xbf: {  	s30 =	sld [smem:$0x0];
	_ =	sdelay $0x2  }
0xc0: {  	s31 =	sshll.u32 s1, $0xD;
	s1 =	sshrl.u32 s1, $0x2  }
0xc1: {  	s3 =	sand.u32 $0x4000, s31;
	s1 =	sadd.s32 s1, s30  }
0xc2: {  	s0 =	sor.u32 s3, s0;
	s1 =	sshll.u32 s1, $0x11  }
0xc3: {  	s0 =	sor.u32 s1, s0  }
0xc4: {  	s0 =	sadd.s32 $0x8F2B, s0  }
0xc5: {  	[sflag:s0] =	ssyncadd.remote.s32 $0x1  }
0xc6: {  	_ =	sfence.sel $0xFFFF  }
0xc7: {  	[dreg:$0x0] =	wrdreg $0xFFFFFFFF;
	(pc) =	sbr.abs _section_cstart, $3  }
0xc8: {  	[dreg:$0x1] =	wrdreg $0xFFFFFFFF  }
0xc9: {  	_ =	task.clear_ibuf [dreg:s11], $0x2FFFF;
	_ =	strace $0x9FFFFFFF  }
0xca: {  	(tm) =	ssettm $0x7FFFFFFF  }
0xcb: {  	_ =	shalt  }
tec
execute0_lowered:
.L_overlay_start_1:
0x0: {  	(tag) =	ssettag $0x1  }
0x1: {  	s0 =	rddreg [dreg:$0x0]  }
0x2: {  	s1 =	rddreg [dreg:$0x1]  }
0x3: {  	s2 =	rddreg [dreg:$0x2]  }
0x4: {  	s4 =	rddreg [dreg:$0x3]  }
0x5: {  	s10 =	rddreg [dreg:$0x4];
	s3 =	srdreg.scid  }
0x6: {  	s8 =	stileid.u32;
	s5 =	rddreg [dreg:$0x5];
	s28 =	simm.s32 $0x0  }
0x7: {  	s6 =	sand.u32 $0x1, s3;
	s23 =	sshll.u32 s8, $0x1;
	s8 =	sshll.u32 s8, $0x7  }
0x8: {  	[smem:$0x7FF] =	sst s28;
	s7 =	sor.u32 s6, s23;
	s6 =	ssub.s32 $0x2, s6  }
0x9: {  	s30 =	sadd.s32 $0x1F00, s10;
	s9 =	sshll.u32 s7, $0x4;
	s24 =	sshrl.u32 s6, $0x1  }
0xa: {  	_ =	strace $0x80000047;
	s8 =	sor.u32 s8, s9;
	s6 =	ssub.s32 s6, s24  }
0xb: {  	[dreg:$0x12] =	wrdreg s30;
	s8 =	sand.u32 $0x670, s8;
	s31 =	smax.u32 s6, $0x1  }
0xc: {  	s0 =	sadd.s32 s0, s8;
	[dreg:$0x14] =	wrdreg s31  }
0xd: {  	v0 =	vlaneseq.u32;
	s4 =	sadd.s32 $0x400, s4;
	s25 =	sadd.s32 s1, s8;
	[dreg:$0xf] =	wrdreg s0  }
0xe: {  	v0 =	vmul.u32 $0x80, v0;
	s29 =	sshll.u32 s7, $0x6;
	s26 =	sadd.s32 s2, s8;
	[dreg:$0x10] =	wrdreg s25  }
0xf: {  	s7 =	simm.s32 $0x1;
	[dreg:$0x11] =	wrdreg s26;
	s0 =	sadd.s32 s5, s29  }
0x10: {  	[tilespmem:$0x1FFF0] =	vst v0;
	s1 =	simm.s32 $0x0;
	s5 =	simm.s32 $0x3;
	[dreg:$0x13] =	wrdreg s0  }
.LBB2_1:
0x11: {  	[dreg:$0x15] =	wrdreg s1  }
0x12: {  	s0 =	rddreg [dreg:$0xf];
	s29 =	simm.s32 $0x80;
	s2 =	simm.s32 $0x400  }
0x13: {  	[tilespmem:s28], [sflag:$0x3] =	stream.strided.gather [hbm4b:s0+s29], $0x200, s2, s29, $0x38;
	[tilespmem:$0x18400] =	vst v63  }
0x14: {  	_ =	swait.ge [sflag:s5], $0x200  }
0x15: {  	[sflag:s5] =	ssyncset.done $0x0  }
0x16: {  	s6 =	simm.s32 $0x200;
	s30 =	rddreg [dreg:$0x10];
	[sflag:s5] =	ssyncadd.s32 $0xFFFFFE00  }
0x17: {  	[tilespmem:s6], [sflag:$0x3] =	stream.strided.gather [hbm4b:s30+s29], $0x200, s2, s29, $0x38;
	[tilespmem:$0x18400] =	vst v63  }
0x18: {  	_ =	swait.ge [sflag:s5], $0x200  }
0x19: {  	[sflag:s5] =	ssyncset.done $0x0  }
0x1a: {  	s31 =	rddreg [dreg:$0x11];
	[sflag:s5] =	ssyncadd.s32 $0xFFFFFE00  }
0x1b: {  	[tilespmem:s2], [sflag:$0x3] =	stream.strided.gather [hbm4b:s31+s29], $0x200, s2, s29, $0x38;
	[tilespmem:$0x18400] =	vst v63  }
0x1c: {  	_ =	swait.ge [sflag:s5], $0x200  }
0x1d: {  	s1 =	simm.s32 $0x8A00;
	s0 =	simm.s32 $0x80;
	[sflag:s5] =	ssyncset.done $0x0  }
0x1e: {  	s2 =	simm.s32 $0x8600;
	[sflag:s5] =	ssyncadd.s32 $0xFFFFFE00;
	s5 =	sadd.s32 $0x0, s10  }
.LBB2_2:
0x1f: {  	[tilespmem:s2], [sflag:$0x1] =	stream.linear.gather [hbm4b:s5+s28], $0x400, $0x38;
	[tilespmem:$0x18400] =	vst v63  }
0x20: {  	s5 =	smov.u32 s0;
	s2 =	smov.u32 s1;
	p0 =	sne.s32 s0, $0x1E80  }
.Ltmp0:
0x21: {  	s0 =	sadd.s32 $0x80, s0;
	(pc) =	sbr.rel @p0 .LBB2_2-.Ltmp0, $2  }
0x22: {  	_ =	sdelay $0x2  }
0x23: {  	s1 =	sadd.s32 $0x400, s1;
	s5 =	sadd.s32 s5, s10  }
0x24: {  	[tilespmem:s2], [sflag:$0x1] =	stream.linear.gather [hbm4b:s5+s28], $0x400, $0x38;
	[tilespmem:$0x18400] =	vst v63  }
0x25: {  	s0 =	rddreg [dreg:$0x12];
	s1 =	simm.s32 $0x17E00  }
0x26: {  	[tilespmem:s1], [sflag:$0x1] =	stream.linear.gather [hbm4b:s0+s28], $0x200, $0x38;
	[tilespmem:$0x18400] =	vst v63  }
0x27: {  	_ =	swait.ge [sflag:s7], $0x400  }
0x28: {  	s0 =	simm.s32 $0x3D;
	[sflag:s7] =	ssyncset.done $0x0  }
.LBB2_4:
0x29: {  	p0 =	sne.s32 s0, $0x1;
	s0 =	sadd.s32 $0xFFFFFFFF, s0;
	[sflag:s7] =	ssyncadd.s32 $0xFFFFFC00  }
.Ltmp1:
0x2a: {  	(pc) =	sbr.rel @p0 .LBB2_4-.Ltmp1, $3  }
0x2b: {  	_ =	sdelay $0x1  }
0x2c: {  	_ =	swait.ge [sflag:s7], $0x400  }
0x2d: {  	[sflag:s7] =	ssyncset.done $0x0  }
0x2e: {  	[sflag:s7] =	ssyncadd.s32 $0xFFFFFC00  }
0x2f: {  	s12 =	simm.s32 $0x0;
	_ =	swait.ge [sflag:s7], $0x200  }
0x30: {  	s14 =	simm.s32 $0x400;
	s0 =	simm.s32 $0x200;
	[sflag:s7] =	ssyncset.done $0x0  }
0x31: {  	s1 =	simm.s32 $0x18200;
	s2 =	simm.s32 $0x0;
	[sflag:s7] =	ssyncadd.s32 $0xFFFFFE00  }
.LBB2_6:
0x32: {  	v1 =	vld [tilespmem:s12+$0x0]  }
0x33: {  	v3 =	vld [tilespmem:s14+$0x0];
	_ =	sdelay $0x3  }
0x34: {  	v2 =	vshll.u32 v1, $0x4  }
0x35: {  	v1 =	vshll.u32 v3, $0x4;
	(v2sf) =	vpush v2, $0x0  }
0x36: {  	(v2sf) =	vpush v1, $0x0  }
0x37: {  	(v2sf) =	vpush v2, $0x1;
	_ =	sdelay $0x1  }
0x38: {  	(v2sf) =	vpush v1, $0x1;
	_ =	sdelay $0x2  }
0x39: {  	(v2sf) =	vpush v2, $0x2  }
0x3a: {  	[dreg:$0x1a] =	wrdreg s2  }
0x3b: {  	[dreg:$0x19] =	wrdreg s1;
	(v2sf) =	vpush v1, $0x2  }
0x3c: {  	[dreg:$0x18] =	wrdreg s0  }
0x3d: {  	s30 =	simm.s32 $0x2000;
	s29 =	simm.s32 $0x0;
	s15 =	simm.s32 $0x4600;
	(v2sf) =	vpush v2, $0x3  }
0x3e: {  	s0 =	simm.s32 $0x880;
	s2 =	simm.s32 $0xA80;
	s6 =	simm.s32 $0x600  }
0x3f: {  	s8 =	simm.s32 $0x800;
	s5 =	simm.s32 $0x4B00;
	s10 =	simm.s32 $0x780  }
0x40: {  	s18 =	simm.s32 $0x680;
	s21 =	simm.s32 $0x4680;
	s23 =	simm.s32 $0x700  }
0x41: {  	s26 =	simm.s32 $0x4700;
	[dreg:$0x17] =	wrdreg s14;
	s7 =	spop (v2sf)  }
0x42: {  	s14 =	sadd.s32 $0x10, s14;
	s7 =	sand.u32 $0x1FFFFFF0, s7;
	s9 =	spop (v2sf)  }
0x43: {  	[dreg:$0x16] =	wrdreg s12;
	(v2sf) =	vpush v1, $0x3;
	s7 =	sadd.s32 s4, s7;
	s17 =	spop (v2sf)  }
0x44: {  	(v2sf) =	vpush v2, $0x4;
	[tilespmem:s6], [sflag:$0x1] =	stream.linear.gather [hbm4b:s7+s28], $0x80, $0x38;
	[tilespmem:$0x18400] =	vst v63  }
0x45: {  	(v2sf) =	vpush v1, $0x4;
	s16 =	sand.u32 $0x1FFFFFF0, s9;
	s6 =	simm.s32 $0x4780;
	s11 =	spop (v2sf)  }
0x46: {  	s7 =	sadd.s32 s4, s16;
	s9 =	sand.u32 $0x1FFFFFF0, s17;
	s20 =	sand.u32 $0x1FFFFFF0, s11  }
0x47: {  	(v2sf) =	vpush v2, $0x5;
	[tilespmem:s15], [sflag:$0x2] =	stream.linear.gather [hbm4b:s7+s28], $0x80, $0x38;
	[tilespmem:$0x18400] =	vst v63  }
0x48: {  	s19 =	sadd.s32 s4, s9;
	s22 =	spop (v2sf);
	(v2sf) =	vpush v1, $0x5;
	s9 =	sadd.s32 s4, s20  }
0x49: {  	[tilespmem:s18], [sflag:$0x1] =	stream.linear.gather [hbm4b:s19+s28], $0x80, $0x38;
	[tilespmem:$0x18400] =	vst v63  }
0x4a: {  	(v2sf) =	vpush v2, $0x6;
	s7 =	sand.u32 $0x1FFFFFF0, s22;
	s24 =	spop (v2sf);
	s22 =	simm.s32 $0x4C00  }
0x4b: {  	[tilespmem:s21], [sflag:$0x2] =	stream.linear.gather [hbm4b:s9+s28], $0x80, $0x38;
	[tilespmem:$0x18400] =	vst v63  }
0x4c: {  	s7 =	sadd.s32 s4, s7;
	s25 =	spop (v2sf);
	(v2sf) =	vpush v1, $0x6;
	s9 =	sand.u32 $0x1FFFFFF0, s24  }
0x4d: {  	[tilespmem:s23], [sflag:$0x1] =	stream.linear.gather [hbm4b:s7+s28], $0x80, $0x38;
	[tilespmem:$0x18400] =	vst v63  }
0x4e: {  	s15 =	simm.s32 $0x4800;
	s3 =	sand.u32 $0x1FFFFFF0, s25;
	s31 =	sadd.s32 s4, s9  }
0x4f: {  	[tilespmem:s26], [sflag:$0x2] =	stream.linear.gather [hbm4b:s31+s28], $0x80, $0x38;
	[tilespmem:$0x18400] =	vst v63  }
0x50: {  	s20 =	simm.s32 $0x4880;
	s13 =	sadd.s32 s4, s3;
	s3 =	simm.s32 $0x4C80  }
0x51: {  	[tilespmem:s10], [sflag:$0x1] =	stream.linear.gather [hbm4b:s13+s28], $0x80, $0x38;
	[tilespmem:$0x18400] =	vst v63  }
0x52: {  	s23 =	simm.s32 $0x900;
	s11 =	spop (v2sf);
	(v2sf) =	vpush v2, $0x7;
	s13 =	simm.s32 $0xC80  }
0x53: {  	s1 =	sand.u32 $0x1FFFFFF0, s11;
	s16 =	spop (v2sf);
	s11 =	simm.s32 $0x4900  }
0x54: {  	(v2sf) =	vpush v1, $0x7;
	s1 =	sadd.s32 s4, s1;
	s10 =	sand.u32 $0x1FFFFFF0, s16;
	s17 =	spop (v2sf)  }
0x55: {  	(v2sf) =	vpush v2, $0x8;
	[tilespmem:s6], [sflag:$0x2] =	stream.linear.gather [hbm4b:s1+s28], $0x80, $0x38;
	[tilespmem:$0x18400] =	vst v63  }
0x56: {  	s18 =	sadd.s32 s4, s10;
	s19 =	sand.u32 $0x1FFFFFF0, s17;
	s21 =	spop (v2sf)  }
0x57: {  	(v2sf) =	vpush v1, $0x8;
	s17 =	simm.s32 $0x980;
	s10 =	sadd.s32 s4, s19;
	s25 =	spop (v2sf)  }
0x58: {  	(v2sf) =	vpush v2, $0x9;
	[tilespmem:s8], [sflag:$0x1] =	stream.linear.gather [hbm4b:s18+s28], $0x80, $0x38;
	[tilespmem:$0x18400] =	vst v63  }
0x59: {  	s24 =	sand.u32 $0x1FFFFFF0, s21;
	s8 =	sand.u32 $0x1FFFFFF0, s25;
	s26 =	spop (v2sf)  }
0x5a: {  	[tilespmem:s15], [sflag:$0x2] =	stream.linear.gather [hbm4b:s10+s28], $0x80, $0x38;
	[tilespmem:$0x18400] =	vst v63  }
0x5b: {  	s7 =	sadd.s32 s4, s24;
	s31 =	sadd.s32 s4, s8;
	s9 =	spop (v2sf)  }
0x5c: {  	(v2sf) =	vpush v1, $0x9;
	[tilespmem:s0], [sflag:$0x1] =	stream.linear.gather [hbm4b:s7+s28], $0x80, $0x38;
	[tilespmem:$0x18400] =	vst v63  }
0x5d: {  	s1 =	sand.u32 $0x1FFFFFF0, s26;
	s26 =	simm.s32 $0x4A00;
	s6 =	sand.u32 $0x1FFFFFF0, s9  }
0x5e: {  	(v2sf) =	vpush v2, $0xA;
	[tilespmem:s20], [sflag:$0x2] =	stream.linear.gather [hbm4b:s31+s28], $0x80, $0x38;
	[tilespmem:$0x18400] =	vst v63  }
0x5f: {  	s8 =	sadd.s32 s4, s1;
	s1 =	simm.s32 $0x4A80;
	s6 =	sadd.s32 s4, s6  }
0x60: {  	(v2sf) =	vpush v1, $0xA;
	[tilespmem:s23], [sflag:$0x1] =	stream.linear.gather [hbm4b:s8+s28], $0x80, $0x38;
	[tilespmem:$0x18400] =	vst v63  }
0x61: {  	s7 =	simm.s32 $0x4B80;
	s20 =	simm.s32 $0x4980;
	s15 =	spop (v2sf)  }
0x62: {  	(v2sf) =	vpush v2, $0xB;
	[tilespmem:s11], [sflag:$0x2] =	stream.linear.gather [hbm4b:s6+s28], $0x80, $0x38;
	[tilespmem:$0x18400] =	vst v63  }
0x63: {  	s23 =	simm.s32 $0xA00;
	s10 =	sand.u32 $0x1FFFFFF0, s15;
	s16 =	spop (v2sf)  }
0x64: {  	s11 =	simm.s32 $0xB00;
	(v2sf) =	vpush v1, $0xB;
	s18 =	sadd.s32 s4, s10;
	s21 =	spop (v2sf)  }
0x65: {  	[tilespmem:s17], [sflag:$0x1] =	stream.linear.gather [hbm4b:s18+s28], $0x80, $0x38;
	[tilespmem:$0x18400] =	vst v63  }
0x66: {  	s6 =	simm.s32 $0xC00;
	s19 =	sand.u32 $0x1FFFFFF0, s16;
	s24 =	spop (v2sf)  }
0x67: {  	s10 =	sadd.s32 s4, s19;
	s8 =	sand.u32 $0x1FFFFFF0, s21;
	s25 =	spop (v2sf)  }
0x68: {  	(v2sf) =	vpush v2, $0xC;
	[tilespmem:s20], [sflag:$0x2] =	stream.linear.gather [hbm4b:s10+s28], $0x80, $0x38;
	[tilespmem:$0x18400] =	vst v63  }
0x69: {  	s8 =	sadd.s32 s4, s8;
	s10 =	sand.u32 $0x1FFFFFF0, s24;
	s0 =	sand.u32 $0x1FFFFFF0, s25  }
0x6a: {  	(v2sf) =	vpush v1, $0xC;
	[tilespmem:s23], [sflag:$0x1] =	stream.linear.gather [hbm4b:s8+s28], $0x80, $0x38;
	[tilespmem:$0x18400] =	vst v63  }
0x6b: {  	s9 =	spop (v2sf);
	s24 =	simm.s32 $0xB80;
	s31 =	sadd.s32 s4, s10  }
0x6c: {  	[tilespmem:s26], [sflag:$0x2] =	stream.linear.gather [hbm4b:s31+s28], $0x80, $0x38;
	[tilespmem:$0x18400] =	vst v63  }
0x6d: {  	s10 =	sadd.s32 s4, s0;
	s15 =	spop (v2sf);
	s8 =	sand.u32 $0x1FFFFFF0, s9  }
0x6e: {  	[tilespmem:s2], [sflag:$0x1] =	stream.linear.gather [hbm4b:s10+s28], $0x80, $0x38;
	[tilespmem:$0x18400] =	vst v63  }
0x6f: {  	s16 =	spop (v2sf);
	s8 =	sadd.s32 s4, s8;
	s10 =	sand.u32 $0x1FFFFFF0, s15  }
0x70: {  	[tilespmem:s1], [sflag:$0x2] =	stream.linear.gather [hbm4b:s8+s28], $0x80, $0x38;
	[tilespmem:$0x18400] =	vst v63  }
0x71: {  	s18 =	sand.u32 $0x1FFFFFF0, s16;
	s17 =	sadd.s32 s4, s10;
	s19 =	spop (v2sf)  }
0x72: {  	[tilespmem:s11], [sflag:$0x1] =	stream.linear.gather [hbm4b:s17+s28], $0x80, $0x38;
	[tilespmem:$0x18400] =	vst v63  }
0x73: {  	s20 =	sadd.s32 s4, s18;
	s21 =	sand.u32 $0x1FFFFFF0, s19;
	s23 =	spop (v2sf)  }
0x74: {  	(v2sf) =	vpush v2, $0xD;
	[tilespmem:s5], [sflag:$0x2] =	stream.linear.gather [hbm4b:s20+s28], $0x80, $0x38;
	[tilespmem:$0x18400] =	vst v63  }
0x75: {  	s15 =	sadd.s32 $0x10, s12;
	(v2sf) =	vpush v1, $0xD;
	s25 =	sadd.s32 s4, s21;
	s8 =	sand.u32 $0x1FFFFFF0, s23  }
0x76: {  	(v2sf) =	vpush v2, $0xE;
	[tilespmem:s24], [sflag:$0x1] =	stream.linear.gather [hbm4b:s25+s28], $0x80, $0x38;
	[tilespmem:$0x18400] =	vst v63  }
0x77: {  	s5 =	simm.s32 $0xD00;
	s26 =	sadd.s32 s4, s8;
	(v2sf) =	vpush v1, $0xE;
	s31 =	spop (v2sf)  }
0x78: {  	(v2sf) =	vpush v2, $0xF;
	[tilespmem:s7], [sflag:$0x2] =	stream.linear.gather [hbm4b:s26+s28], $0x80, $0x38;
	[tilespmem:$0x18400] =	vst v63  }
0x79: {  	s21 =	simm.s32 $0x4D00;
	s2 =	sand.u32 $0x1FFFFFF0, s31;
	(v2sf) =	vpush v1, $0xF;
	s7 =	spop (v2sf)  }
.LBB2_7:
0x7a: {  	_ =	sdelay $0x4  }
0x7b: {  	s2 =	sadd.s32 s4, s2;
	s7 =	sand.u32 $0x1FFFFFF0, s7  }
0x7c: {  	[tilespmem:s6], [sflag:$0x1] =	stream.linear.gather [hbm4b:s2+s28], $0x80, $0x38;
	[tilespmem:$0x18400] =	vst v63  }
0x7d: {  	s7 =	sadd.s32 s4, s7  }
0x7e: {  	[tilespmem:s22], [sflag:$0x2] =	stream.linear.gather [hbm4b:s7+s28], $0x80, $0x38;
	[tilespmem:$0x18400] =	vst v63  }
0x7f: {  	s8 =	spop (v2sf)  }
0x80: {  	s9 =	sand.u32 $0x1FFFFFF0, s8;
	s10 =	spop (v2sf)  }
0x81: {  	s11 =	sadd.s32 s4, s9;
	s12 =	sand.u32 $0x1FFFFFF0, s10;
	s16 =	spop (v2sf)  }
0x82: {  	[tilespmem:s13], [sflag:$0x1] =	stream.linear.gather [hbm4b:s11+s28], $0x80, $0x38;
	[tilespmem:$0x18400] =	vst v63  }
0x83: {  	s1 =	sadd.s32 s4, s12;
	s17 =	sand.u32 $0x1FFFFFF0, s16;
	s18 =	spop (v2sf)  }
0x84: {  	[tilespmem:s3], [sflag:$0x2] =	stream.linear.gather [hbm4b:s1+s28], $0x80, $0x38;
	[tilespmem:$0x18400] =	vst v63  }
0x85: {  	s0 =	sadd.s32 s4, s17;
	s19 =	sand.u32 $0x1FFFFFF0, s18;
	s20 =	spop (v2sf)  }
0x86: {  	[tilespmem:s5], [sflag:$0x1] =	stream.linear.gather [hbm4b:s0+s28], $0x80, $0x38;
	[tilespmem:$0x18400] =	vst v63  }
0x87: {  	s22 =	sadd.s32 s4, s19;
	s23 =	sand.u32 $0x1FFFFFF0, s20;
	s24 =	spop (v2sf)  }
0x88: {  	[tilespmem:s21], [sflag:$0x2] =	stream.linear.gather [hbm4b:s22+s28], $0x80, $0x38;
	[tilespmem:$0x18400] =	vst v63  }
0x89: {  	s25 =	sadd.s32 $0xD80, s29;
	s1 =	sadd.s32 s4, s23;
	s2 =	sand.u32 $0x1FFFFFF0, s24  }
0x8a: {  	[tilespmem:s25], [sflag:$0x1] =	stream.linear.gather [hbm4b:s1+s28], $0x80, $0x38;
	[tilespmem:$0x18400] =	vst v63  }
0x8b: {  	s26 =	sadd.s32 $0x4D80, s29;
	s31 =	sadd.s32 s4, s2  }
0x8c: {  	[tilespmem:s26], [sflag:$0x2] =	stream.linear.gather [hbm4b:s31+s28], $0x80, $0x38;
	[tilespmem:$0x18400] =	vst v63  }
0x8d: {  	v1 =	vld [tilespmem:s15+$0x0]  }
0x8e: {  	v3 =	vld [tilespmem:s14+$0x0];
	_ =	sdelay $0x3  }
0x8f: {  	v2 =	vshll.u32 v1, $0x4  }
0x90: {  	s2 =	smov.u32 s30;
	v1 =	vshll.u32 v3, $0x4;
	(v2sf) =	vpush v2, $0x0  }
0x91: {  	s29 =	sshra.s32 s2, $0x2;
	(v2sf) =	vpush v1, $0x0  }
0x92: {  	p0 =	sne.s32 s30, $0xE000;
	s30 =	sadd.s32 $0x2000, s30;
	s7 =	sadd.s32 $0x4600, s29;
	(v2sf) =	vpush v2, $0x1  }
0x93: {  	s0 =	sadd.s32 $0x880, s29;
	s3 =	sadd.s32 $0xA80, s29;
	s9 =	sadd.s32 $0x600, s29  }
0x94: {  	s18 =	sadd.s32 $0x800, s29;
	s5 =	sadd.s32 $0x4B00, s29;
	s17 =	sadd.s32 $0x780, s29;
	(v2sf) =	vpush v1, $0x1  }
0x95: {  	s20 =	sadd.s32 $0x4780, s29;
	s22 =	sadd.s32 $0x4C00, s29;
	s19 =	sadd.s32 $0x4800, s29  }
0x96: {  	s13 =	sadd.s32 $0xC80, s29;
	s8 =	sadd.s32 $0x4680, s29;
	[dreg:$0xe] =	wrdreg s0;
	(v2sf) =	vpush v2, $0x2  }
0x97: {  	s16 =	sadd.s32 $0x4700, s29;
	s2 =	sadd.s32 $0x4880, s29;
	[dreg:$0x9] =	wrdreg s3  }
0x98: {  	s24 =	sadd.s32 $0x900, s29;
	s6 =	sadd.s32 $0x4B80, s29;
	[dreg:$0x7] =	wrdreg s5;
	(v2sf) =	vpush v1, $0x2  }
0x99: {  	s23 =	sadd.s32 $0x4900, s29;
	s10 =	sadd.s32 $0x4A80, s29;
	[dreg:$0x8] =	wrdreg s6  }
0x9a: {  	s11 =	sadd.s32 $0xB00, s29;
	s12 =	sadd.s32 $0x4A00, s29;
	[dreg:$0xb] =	wrdreg s10;
	(v2sf) =	vpush v2, $0x3  }
0x9b: {  	s21 =	sadd.s32 $0xA00, s29;
	s3 =	sadd.s32 $0x4C80, s29;
	[dreg:$0xa] =	wrdreg s11  }
0x9c: {  	[dreg:$0xc] =	wrdreg s12;
	s6 =	sadd.s32 $0xC00, s29;
	s11 =	sadd.s32 $0x680, s29;
	(v2sf) =	vpush v1, $0x3  }
0x9d: {  	[dreg:$0xd] =	wrdreg s21;
	s5 =	sadd.s32 $0xD00, s29;
	s21 =	sadd.s32 $0x4D00, s29  }
0x9e: {  	s25 =	sadd.s32 $0x4980, s29;
	s31 =	sadd.s32 $0x700, s29;
	s26 =	sadd.s32 $0x980, s29;
	(v2sf) =	vpush v2, $0x4  }
0x9f: {  	s14 =	sadd.s32 $0x10, s14;
	s15 =	sadd.s32 $0x10, s15;
	s10 =	spop (v2sf)  }
0xa0: {  	s12 =	sand.u32 $0x1FFFFFF0, s10;
	s10 =	sadd.s32 $0xB80, s29;
	s0 =	spop (v2sf);
	(v2sf) =	vpush v1, $0x4  }
0xa1: {  	s12 =	sadd.s32 s4, s12;
	s1 =	sand.u32 $0x1FFFFFF0, s0;
	s0 =	spop (v2sf)  }
0xa2: {  	(v2sf) =	vpush v2, $0x5;
	[tilespmem:s9], [sflag:$0x1] =	stream.linear.gather [hbm4b:s12+s28], $0x80, $0x38;
	[tilespmem:$0x18400] =	vst v63  }
0xa3: {  	s1 =	sadd.s32 s4, s1;
	s0 =	sand.u32 $0x1FFFFFF0, s0;
	s12 =	spop (v2sf);
	(v2sf) =	vpush v1, $0x5  }
0xa4: {  	[tilespmem:s7], [sflag:$0x2] =	stream.linear.gather [hbm4b:s1+s28], $0x80, $0x38;
	[tilespmem:$0x18400] =	vst v63  }
0xa5: {  	s0 =	sadd.s32 s4, s0;
	s9 =	sand.u32 $0x1FFFFFF0, s12;
	s12 =	spop (v2sf);
	(v2sf) =	vpush v2, $0x6  }
0xa6: {  	[tilespmem:s11], [sflag:$0x1] =	stream.linear.gather [hbm4b:s0+s28], $0x80, $0x38;
	[tilespmem:$0x18400] =	vst v63  }
0xa7: {  	s9 =	sadd.s32 s4, s9;
	s11 =	sand.u32 $0x1FFFFFF0, s12;
	s12 =	spop (v2sf);
	(v2sf) =	vpush v1, $0x6  }
0xa8: {  	[tilespmem:s8], [sflag:$0x2] =	stream.linear.gather [hbm4b:s9+s28], $0x80, $0x38;
	[tilespmem:$0x18400] =	vst v63  }
0xa9: {  	s9 =	sadd.s32 s4, s11;
	s11 =	sand.u32 $0x1FFFFFF0, s12;
	s12 =	spop (v2sf);
	(v2sf) =	vpush v2, $0x7  }
0xaa: {  	[tilespmem:s31], [sflag:$0x1] =	stream.linear.gather [hbm4b:s9+s28], $0x80, $0x38;
	[tilespmem:$0x18400] =	vst v63  }
0xab: {  	s1 =	sadd.s32 s4, s11;
	s7 =	sand.u32 $0x1FFFFFF0, s12;
	s8 =	spop (v2sf)  }
0xac: {  	[tilespmem:s16], [sflag:$0x2] =	stream.linear.gather [hbm4b:s1+s28], $0x80, $0x38;
	[tilespmem:$0x18400] =	vst v63  }
0xad: {  	(v2sf) =	vpush v1, $0x7;
	s9 =	sadd.s32 s4, s7;
	s11 =	sand.u32 $0x1FFFFFF0, s8;
	s12 =	spop (v2sf)  }
0xae: {  	[tilespmem:s17], [sflag:$0x1] =	stream.linear.gather [hbm4b:s9+s28], $0x80, $0x38;
	[tilespmem:$0x18400] =	vst v63  }
0xaf: {  	(v2sf) =	vpush v2, $0x8;
	s16 =	sadd.s32 s4, s11;
	s17 =	sand.u32 $0x1FFFFFF0, s12;
	s31 =	spop (v2sf)  }
0xb0: {  	[tilespmem:s20], [sflag:$0x2] =	stream.linear.gather [hbm4b:s16+s28], $0x80, $0x38;
	[tilespmem:$0x18400] =	vst v63  }
0xb1: {  	(v2sf) =	vpush v1, $0x8;
	s8 =	sadd.s32 s4, s17;
	s9 =	sand.u32 $0x1FFFFFF0, s31;
	s11 =	spop (v2sf)  }
0xb2: {  	(v2sf) =	vpush v2, $0x9;
	s31 =	rddreg [dreg:$0xe];
	s16 =	sand.u32 $0x1FFFFFF0, s11;
	s17 =	spop (v2sf)  }
0xb3: {  	[tilespmem:s18], [sflag:$0x1] =	stream.linear.gather [hbm4b:s8+s28], $0x80, $0x38;
	[tilespmem:$0x18400] =	vst v63  }
0xb4: {  	s12 =	sadd.s32 s4, s9;
	s18 =	sadd.s32 s4, s16;
	s20 =	spop (v2sf)  }
0xb5: {  	[tilespmem:s19], [sflag:$0x2] =	stream.linear.gather [hbm4b:s12+s28], $0x80, $0x38;
	[tilespmem:$0x18400] =	vst v63  }
0xb6: {  	(v2sf) =	vpush v1, $0x9;
	s7 =	sand.u32 $0x1FFFFFF0, s20;
	s19 =	sand.u32 $0x1FFFFFF0, s17;
	s8 =	spop (v2sf)  }
0xb7: {  	[tilespmem:s31], [sflag:$0x1] =	stream.linear.gather [hbm4b:s18+s28], $0x80, $0x38;
	[tilespmem:$0x18400] =	vst v63  }
0xb8: {  	(v2sf) =	vpush v2, $0xA;
	s1 =	sadd.s32 s4, s19;
	s11 =	sand.u32 $0x1FFFFFF0, s8;
	s12 =	spop (v2sf)  }
0xb9: {  	[tilespmem:s2], [sflag:$0x2] =	stream.linear.gather [hbm4b:s1+s28], $0x80, $0x38;
	[tilespmem:$0x18400] =	vst v63  }
0xba: {  	s9 =	sadd.s32 s4, s7;
	(v2sf) =	vpush v1, $0xA;
	s16 =	sadd.s32 s4, s11;
	s17 =	sand.u32 $0x1FFFFFF0, s12  }
0xbb: {  	[tilespmem:s24], [sflag:$0x1] =	stream.linear.gather [hbm4b:s9+s28], $0x80, $0x38;
	[tilespmem:$0x18400] =	vst v63  }
0xbc: {  	s11 =	rddreg [dreg:$0xd];
	s18 =	spop (v2sf);
	s19 =	sadd.s32 s4, s17  }
0xbd: {  	[tilespmem:s23], [sflag:$0x2] =	stream.linear.gather [hbm4b:s16+s28], $0x80, $0x38;
	[tilespmem:$0x18400] =	vst v63  }
0xbe: {  	(v2sf) =	vpush v2, $0xB;
	s20 =	sand.u32 $0x1FFFFFF0, s18;
	s18 =	rddreg [dreg:$0xc];
	s23 =	spop (v2sf)  }
0xbf: {  	[tilespmem:s26], [sflag:$0x1] =	stream.linear.gather [hbm4b:s19+s28], $0x80, $0x38;
	[tilespmem:$0x18400] =	vst v63  }
0xc0: {  	(v2sf) =	vpush v1, $0xB;
	s24 =	sadd.s32 s4, s20;
	s26 =	sand.u32 $0x1FFFFFF0, s23;
	s31 =	spop (v2sf)  }
0xc1: {  	(v2sf) =	vpush v2, $0xC;
	s7 =	sadd.s32 s4, s26;
	s8 =	sand.u32 $0x1FFFFFF0, s31;
	s9 =	spop (v2sf)  }
0xc2: {  	[tilespmem:s25], [sflag:$0x2] =	stream.linear.gather [hbm4b:s24+s28], $0x80, $0x38;
	[tilespmem:$0x18400] =	vst v63  }
0xc3: {  	(v2sf) =	vpush v1, $0xC;
	s12 =	sadd.s32 s4, s8;
	s16 =	sand.u32 $0x1FFFFFF0, s9;
	s24 =	rddreg [dreg:$0x9]  }
0xc4: {  	[tilespmem:s11], [sflag:$0x1] =	stream.linear.gather [hbm4b:s7+s28], $0x80, $0x38;
	[tilespmem:$0x18400] =	vst v63  }
0xc5: {  	s17 =	spop (v2sf);
	s8 =	rddreg [dreg:$0xb];
	s19 =	sadd.s32 s4, s16  }
0xc6: {  	[tilespmem:s18], [sflag:$0x2] =	stream.linear.gather [hbm4b:s12+s28], $0x80, $0x38;
	[tilespmem:$0x18400] =	vst v63  }
0xc7: {  	s20 =	sand.u32 $0x1FFFFFF0, s17;
	s23 =	spop (v2sf);
	s16 =	rddreg [dreg:$0xa]  }
0xc8: {  	[tilespmem:s24], [sflag:$0x1] =	stream.linear.gather [hbm4b:s19+s28], $0x80, $0x38;
	[tilespmem:$0x18400] =	vst v63  }
0xc9: {  	s25 =	sadd.s32 s4, s20;
	s26 =	sand.u32 $0x1FFFFFF0, s23;
	s31 =	spop (v2sf)  }
0xca: {  	[tilespmem:s8], [sflag:$0x2] =	stream.linear.gather [hbm4b:s25+s28], $0x80, $0x38;
	[tilespmem:$0x18400] =	vst v63  }
0xcb: {  	s20 =	rddreg [dreg:$0x7];
	s9 =	sadd.s32 s4, s26;
	s11 =	sand.u32 $0x1FFFFFF0, s31  }
0xcc: {  	[tilespmem:s16], [sflag:$0x1] =	stream.linear.gather [hbm4b:s9+s28], $0x80, $0x38;
	[tilespmem:$0x18400] =	vst v63  }
0xcd: {  	s31 =	rddreg [dreg:$0x8];
	s12 =	spop (v2sf);
	s17 =	sadd.s32 s4, s11  }
0xce: {  	(v2sf) =	vpush v2, $0xD;
	[tilespmem:s20], [sflag:$0x2] =	stream.linear.gather [hbm4b:s17+s28], $0x80, $0x38;
	[tilespmem:$0x18400] =	vst v63  }
.Ltmp2:
0xcf: {  	(v2sf) =	vpush v1, $0xD;
	s18 =	sand.u32 $0x1FFFFFF0, s12;
	s19 =	spop (v2sf);
	(pc) =	sbr.rel @p0 .LBB2_7-.Ltmp2, $4  }
0xd0: {  	(v2sf) =	vpush v2, $0xE;
	s23 =	sadd.s32 s4, s18;
	s24 =	sand.u32 $0x1FFFFFF0, s19;
	s25 =	spop (v2sf)  }
0xd1: {  	(v2sf) =	vpush v1, $0xE;
	[tilespmem:s10], [sflag:$0x1] =	stream.linear.gather [hbm4b:s23+s28], $0x80, $0x38;
	[tilespmem:$0x18400] =	vst v63  }
0xd2: {  	(v2sf) =	vpush v2, $0xF;
	s26 =	sadd.s32 s4, s24;
	s2 =	sand.u32 $0x1FFFFFF0, s25;
	s7 =	spop (v2sf)  }
0xd3: {  	(v2sf) =	vpush v1, $0xF;
	[tilespmem:s31], [sflag:$0x2] =	stream.linear.gather [hbm4b:s26+s28], $0x80, $0x38;
	[tilespmem:$0x18400] =	vst v63  }
0xd4: {  	_ =	sdelay $0x4  }
0xd5: {  	s0 =	sadd.s32 s4, s2;
	s1 =	sand.u32 $0x1FFFFFF0, s7  }
0xd6: {  	[tilespmem:s6], [sflag:$0x1] =	stream.linear.gather [hbm4b:s0+s28], $0x80, $0x38;
	[tilespmem:$0x18400] =	vst v63  }
0xd7: {  	s9 =	sadd.s32 s4, s1  }
0xd8: {  	[tilespmem:s22], [sflag:$0x2] =	stream.linear.gather [hbm4b:s9+s28], $0x80, $0x38;
	[tilespmem:$0x18400] =	vst v63  }
0xd9: {  	s8 =	spop (v2sf)  }
0xda: {  	s10 =	sand.u32 $0x1FFFFFF0, s8;
	s11 =	spop (v2sf)  }
0xdb: {  	s12 =	sadd.s32 s4, s10;
	s14 =	sand.u32 $0x1FFFFFF0, s11;
	s15 =	spop (v2sf)  }
0xdc: {  	[tilespmem:s13], [sflag:$0x1] =	stream.linear.gather [hbm4b:s12+s28], $0x80, $0x38;
	[tilespmem:$0x18400] =	vst v63  }
0xdd: {  	s16 =	sadd.s32 s4, s14;
	s17 =	sand.u32 $0x1FFFFFF0, s15;
	s18 =	spop (v2sf)  }
0xde: {  	[tilespmem:s3], [sflag:$0x2] =	stream.linear.gather [hbm4b:s16+s28], $0x80, $0x38;
	[tilespmem:$0x18400] =	vst v63  }
0xdf: {  	s19 =	sadd.s32 s4, s17;
	s20 =	sand.u32 $0x1FFFFFF0, s18;
	s22 =	spop (v2sf)  }
0xe0: {  	[tilespmem:s5], [sflag:$0x1] =	stream.linear.gather [hbm4b:s19+s28], $0x80, $0x38;
	[tilespmem:$0x18400] =	vst v63  }
0xe1: {  	s23 =	sadd.s32 s4, s20;
	s24 =	sand.u32 $0x1FFFFFF0, s22;
	s25 =	spop (v2sf)  }
0xe2: {  	[tilespmem:s21], [sflag:$0x2] =	stream.linear.gather [hbm4b:s23+s28], $0x80, $0x38;
	[tilespmem:$0x18400] =	vst v63  }
0xe3: {  	s26 =	sadd.s32 $0xD80, s29;
	s1 =	sadd.s32 s4, s24;
	s2 =	sand.u32 $0x1FFFFFF0, s25  }
0xe4: {  	[tilespmem:s26], [sflag:$0x1] =	stream.linear.gather [hbm4b:s1+s28], $0x80, $0x38;
	[tilespmem:$0x18400] =	vst v63  }
0xe5: {  	s30 =	sadd.s32 $0x4D80, s29;
	s7 =	simm.s32 $0x1;
	s31 =	sadd.s32 s4, s2  }
0xe6: {  	[tilespmem:s30], [sflag:$0x2] =	stream.linear.gather [hbm4b:s31+s28], $0x80, $0x38;
	[tilespmem:$0x18400] =	vst v63  }
0xe7: {  	_ =	swait.ge [sflag:s7], $0x80  }
0xe8: {  	[sflag:s7] =	ssyncset.done $0x0  }
0xe9: {  	s1 =	simm.s32 $0x2;
	[sflag:s7] =	ssyncadd.s32 $0xFFFFFF80  }
0xea: {  	s0 =	simm.s32 $0x7F;
	s6 =	simm.s32 $0x8600;
	_ =	swait.ge [sflag:s1], $0x80  }
0xeb: {  	s2 =	simm.s32 $0x600;
	s5 =	simm.s32 $0x4600;
	[sflag:s1] =	ssyncset.done $0x0  }
.LBB2_9:
0xec: {  	p0 =	sne.s32 s0, $0x1;
	s0 =	sadd.s32 $0xFFFFFFFF, s0;
	[sflag:s1] =	ssyncadd.s32 $0xFFFFFF80  }
.Ltmp3:
0xed: {  	_ =	swait.ge [sflag:s7], $0x80;
	(pc) =	sbr.rel @p0 .LBB2_9-.Ltmp3, $4  }
0xee: {  	[sflag:s7] =	ssyncset.done $0x0  }
0xef: {  	[sflag:s7] =	ssyncadd.s32 $0xFFFFFF80  }
0xf0: {  	_ =	swait.ge [sflag:s1], $0x80  }
0xf1: {  	[sflag:s1] =	ssyncset.done $0x0  }
0xf2: {  	[sflag:s1] =	ssyncadd.s32 $0xFFFFFF80;
	s1 =	rddreg [dreg:$0x19]  }
0xf3: {  	s0 =	rddreg [dreg:$0x18]  }
0xf4: {  	s29 =	simm.s32 $0x0;
	s12 =	rddreg [dreg:$0x16]  }
0xf5: {  	s14 =	rddreg [dreg:$0x17];
	s30 =	smov.u32 s1;
	s31 =	smov.u32 s0  }
.LBB2_11:
0xf6: {  	_ =	sdelay $0x1  }
0xf7: {  	v2 =	vmov s29  }
0xf8: {  	v2 =	vshll.u32 v2, $0x7  }
0xf9: {  	v2 =	vor.u32 v0, v2  }
0xfa: {  	v3 =	vor.u32 $0x1, v2;
	_ =	sdelay $0x1  }
0xfb: {  	v5 =	vor.u32 $0x2, v2;
	_ =	sdelay $0x1  }
0xfc: {  	v1 =	vld [tilespmem:s31+$0x0];
	v19 =	vor.u32 $0x4, v2  }
0xfd: {  	v11 =	vld.idx.msk [tilespmem:v3+s2+$0x0], $0xffff  }
0xfe: {  	v25 =	vor.u32 $0x6, v2;
	v15 =	vld.idx.msk [tilespmem:v3+s5+$0x0], $0xffff  }
0xff: {  	v18 =	vld.idx.msk [tilespmem:v5+s2+$0x0], $0xffff  }
0x100: {  	v10 =	vor.u32 $0x7, v2;
	v22 =	vld.idx.msk [tilespmem:v5+s5+$0x0], $0xffff  }
0x101: {  	v37 =	vld.idx.msk [tilespmem:v19+s2+$0x0], $0xffff  }
0x102: {  	v33 =	vor.u32 $0x8, v2;
	v38 =	vld.idx.msk [tilespmem:v19+s5+$0x0], $0xffff  }
0x103: {  	v28 =	vld.idx.msk [tilespmem:v25+s2+$0x0], $0xffff  }
0x104: {  	v1 =	vshll.u32 v1, $0x6;
	v35 =	vor.u32 $0x9, v2;
	v45 =	vld.idx.msk [tilespmem:v25+s5+$0x0], $0xffff  }
0x105: {  	v21 =	vor.u32 $0x5, v1;
	v48 =	vld.idx.msk [tilespmem:v10+s2+$0x0], $0xffff  }
0x106: {  	v39 =	vld.idx.msk [tilespmem:v10+s5+$0x0], $0xffff  }
0x107: {  	v36 =	vor.u32 $0xA, v2;
	v56 =	vld.idx.msk [tilespmem:v33+s2+$0x0], $0xffff  }
0x108: {  	v40 =	vld.idx.msk [tilespmem:v33+s5+$0x0], $0xffff  }
0x109: {  	v42 =	vor.u32 $0xB, v2;
	v46 =	vld.idx.msk [tilespmem:v35+s2+$0x0], $0xffff  }
0x10a: {  	v12 =	vld.idx.msk [tilespmem:v21+s6+$0x0], $0xffff;
	v21 =	vor.u32 $0xF, v2  }
0x10b: {  	v53 =	vld.idx.msk [tilespmem:v35+s5+$0x0], $0xffff  }
0x10c: {  	v44 =	vor.u32 $0xC, v2;
	v57 =	vld.idx.msk [tilespmem:v36+s2+$0x0], $0xffff  }
0x10d: {  	v49 =	vld.idx.msk [tilespmem:v36+s5+$0x0], $0xffff  }
0x10e: {  	v60 =	vld.idx.msk [tilespmem:v42+s2+$0x0], $0xffff  }
0x10f: {  	v35 =	vor.u32 $0x11, v2;
	v0 =	vld.idx.msk [tilespmem:v21+s5+$0x0], $0xffff  }
0x110: {  	v50 =	vor.u32 $0xD, v2;
	v52 =	vld.idx.msk [tilespmem:v42+s5+$0x0], $0xffff  }
0x111: {  	v54 =	vld.idx.msk [tilespmem:v44+s2+$0x0], $0xffff  }
0x112: {  	v4 =	vor.u32 $0x1, v1;
	v42 =	vld.idx.msk [tilespmem:v44+s5+$0x0], $0xffff  }
0x113: {  	v20 =	vor.u32 $0x4, v1;
	v36 =	vld.idx.msk [tilespmem:v21+s2+$0x0], $0xffff  }
0x114: {  	v21 =	vor.u32 $0x12, v2;
	[tilespmem:$0x1FF20] =	vst v0;
	v0 =	vld.idx.msk [tilespmem:v35+s5+$0x0], $0xffff  }
0x115: {  	v7 =	vor.u32 $0x2, v1;
	v55 =	vld.idx.msk [tilespmem:v50+s2+$0x0], $0xffff  }
0x116: {  	v17 =	vor.u32 $0x3, v1;
	v44 =	vld.idx.msk [tilespmem:v50+s5+$0x0], $0xffff  }
0x117: {  	v51 =	vor.u32 $0xD, v1;
	v9 =	vld.idx.msk [tilespmem:v4+s6+$0x0], $0xffff  }
0x118: {  	v13 =	vld.idx.msk [tilespmem:v20+s6+$0x0], $0xffff;
	v20 =	vor.u32 $0xE, v1  }
0x119: {  	[tilespmem:$0x1FF30] =	vst v0;
	v0 =	vld.idx.msk [tilespmem:v21+s2+$0x0], $0xffff  }
0x11a: {  	v8 =	vor.u32 $0x6, v1;
	v23 =	vld.idx.msk [tilespmem:v7+s6+$0x0], $0xffff  }
0x11b: {  	v32 =	vor.u32 $0x7, v1;
	v26 =	vld.idx.msk [tilespmem:v17+s6+$0x0], $0xffff  }
0x11c: {  	v59 =	vld.idx.msk [tilespmem:v51+s6+$0x0], $0xffff  }
0x11d: {  	v51 =	vld.idx.msk [tilespmem:v20+s6+$0x0], $0xffff;
	v20 =	vor.u32 $0x11, v1  }
0x11e: {  	v7 =	vor.u32 $0x13, v2;
	[tilespmem:$0x1FF40] =	vst v0;
	v0 =	vld.idx.msk [tilespmem:v21+s5+$0x0], $0xffff  }
0x11f: {  	v3 =	vor.u32 $0x3, v2;
	v19 =	vld.idx.msk [tilespmem:v8+s6+$0x0], $0xffff  }
0x120: {  	v27 =	vld.idx.msk [tilespmem:v32+s6+$0x0], $0xffff  }
0x121: {  	v34 =	vor.u32 $0x8, v1;
	v8 =	vld.idx.msk [tilespmem:v35+s2+$0x0], $0xffff  }
0x122: {  	v14 =	vor.u32 $0x9, v1;
	v35 =	vld.idx.msk [tilespmem:v20+s6+$0x0], $0xffff  }
0x123: {  	v20 =	vor.u32 $0x14, v2;
	[tilespmem:$0x1FF60] =	vst v0;
	v0 =	vld.idx.msk [tilespmem:v7+s2+$0x0], $0xffff  }
0x124: {  	v41 =	vor.u32 $0xA, v1;
	v24 =	vld.idx.msk [tilespmem:v3+s2+$0x0], $0xffff  }
0x125: {  	v31 =	vld.idx.msk [tilespmem:v3+s5+$0x0], $0xffff;
	v3 =	vor.u32 $0x5, v2  }
0x126: {  	v25 =	vld.idx.msk [tilespmem:v34+s6+$0x0], $0xffff  }
0x127: {  	v63 =	vld.idx.msk [tilespmem:v14+s6+$0x0], $0xffff;
	v21 =	vor.u32 $0x15, v2  }
0x128: {  	[tilespmem:$0x1FF50] =	vst v0;
	v0 =	vld.idx.msk [tilespmem:v20+s2+$0x0], $0xffff  }
0x129: {  	v43 =	vor.u32 $0xB, v1;
	v61 =	vld.idx.msk [tilespmem:v41+s6+$0x0], $0xffff  }
0x12a: {  	v47 =	vor.u32 $0xC, v1;
	v16 =	vld.idx.msk [tilespmem:v3+s2+$0x0], $0xffff  }
0x12b: {  	v30 =	vor.u32 $0xF, v1;
	v29 =	vld.idx.msk [tilespmem:v3+s5+$0x0], $0xffff  }
0x12c: {  	v17 =	vor.u32 $0xE, v2;
	v3 =	vld.idx.msk [tilespmem:v21+s2+$0x0], $0xffff  }
0x12d: {  	[tilespmem:$0x1FF70] =	vst v0;
	v0 =	vld.idx.msk [tilespmem:v20+s5+$0x0], $0xffff  }
0x12e: {  	v62 =	vld.idx.msk [tilespmem:v43+s6+$0x0], $0xffff  }
0x12f: {  	v58 =	vld.idx.msk [tilespmem:v47+s6+$0x0], $0xffff;
	v32 =	vor.u32 $0x10, v2  }
0x130: {  	v47 =	vld.idx.msk [tilespmem:v30+s6+$0x0], $0xffff  }
0x131: {  	v34 =	vor.u32 $0x10, v1;
	v43 =	vld.idx.msk [tilespmem:v17+s2+$0x0], $0xffff;
	[tilespmem:$0x1FF90] =	vst v3  }
0x132: {  	v3 =	vld.idx.msk [tilespmem:v21+s5+$0x0], $0xffff;
	[tilespmem:$0x1FF80] =	vst v0;
	v0 =	vor.u32 $0x16, v2  }
0x133: {  	v33 =	vld.idx.msk [tilespmem:v17+s5+$0x0], $0xffff  }
0x134: {  	v41 =	vld.idx.msk [tilespmem:v32+s2+$0x0], $0xffff  }
0x135: {  	v4 =	vor.u32 $0x13, v1;
	v30 =	vld.idx.msk [tilespmem:v32+s5+$0x0], $0xffff  }
0x136: {  	v50 =	vld.idx.msk [tilespmem:v34+s6+$0x0], $0xffff  }
0x137: {  	v17 =	vor.u32 $0x12, v1;
	[tilespmem:$0x1FFB0] =	vst v3;
	v3 =	vld.idx.msk [tilespmem:v0+s2+$0x0], $0xffff  }
0x138: {  	v23 =	vadd.f32 v23, v18;
	v18 =	vor.u32 $0x19, v1;
	v0 =	vld.idx.msk [tilespmem:v0+s5+$0x0], $0xffff  }
0x139: {  	v10 =	vld.idx.msk [tilespmem:v7+s5+$0x0], $0xffff  }
0x13a: {  	v6 =	vor.u32 $0x14, v1;
	v34 =	vld.idx.msk [tilespmem:v4+s6+$0x0], $0xffff  }
0x13b: {  	v4 =	vld.idx.msk [tilespmem:v2+s2+$0x0], $0xffff  }
0x13c: {  	v32 =	vld.idx.msk [tilespmem:v17+s6+$0x0], $0xffff;
	v7 =	vor.u32 $0x15, v1  }
0x13d: {  	v13 =	vadd.f32 v13, v37;
	v37 =	vld.idx.msk [tilespmem:v18+s6+$0x0], $0xffff;
	[tilespmem:$0x1FFC0] =	vst v0;
	v0 =	vor.u32 $0x17, v2  }
0x13e: {  	[tilespmem:$0x1FFA0] =	vst v3;
	v3 =	vld.idx.msk [tilespmem:v1+s6+$0x0], $0xffff  }
0x13f: {  	v11 =	vadd.f32 v9, v11;
	v17 =	vor.u32 $0x18, v2;
	v20 =	vld.idx.msk [tilespmem:v6+s6+$0x0], $0xffff  }
0x140: {  	v6 =	vld.idx.msk [tilespmem:v2+s5+$0x0], $0xffff  }
0x141: {  	v56 =	vadd.f32 v25, v56;
	v25 =	vor.u32 $0x1D, v1;
	v11 =	vsub.f32 v11, v15;
	v14 =	vld.idx.msk [tilespmem:v7+s6+$0x0], $0xffff  }
0x142: {  	v5 =	vor.u32 $0x17, v1;
	v7 =	vld.idx.msk [tilespmem:v0+s2+$0x0], $0xffff  }
0x143: {  	v15 =	vand.u32 $0x7FFFFFFF, v11;
	v11 =	vor.u32 $0x1A, v1;
	v0 =	vld.idx.msk [tilespmem:v0+s5+$0x0], $0xffff;
	v4 =	vadd.f32 v3, v4  }
0x144: {  	v9 =	vld.idx.msk [tilespmem:v17+s2+$0x0], $0xffff;
	v21 =	vor.u32 $0x16, v1  }
0x145: {  	v4 =	vsub.f32 v4, v6;
	v6 =	vld.idx.msk [tilespmem:v17+s5+$0x0], $0xffff;
	v17 =	vor.u32 $0x1A, v2  }
0x146: {  	v61 =	vadd.f32 v61, v57;
	v57 =	vld.idx.msk [tilespmem:v25+s6+$0x0], $0xffff  }
0x147: {  	v3 =	vld.idx.msk [tilespmem:v5+s6+$0x0], $0xffff;
	v5 =	vsub.f32 v23, v22;
	v23 =	vadd.f32 v26, v24;
	[tilespmem:$0x1FFD0] =	vst v7;
	v7 =	vor.u32 $0x18, v1  }
0x148: {  	v13 =	vsub.f32 v13, v38;
	v38 =	vld.idx.msk [tilespmem:v11+s6+$0x0], $0xffff;
	[tilespmem:$0x1FFE0] =	vst v0;
	v0 =	vor.u32 $0x19, v2  }
0x149: {  	v21 =	vld.idx.msk [tilespmem:v21+s6+$0x0], $0xffff;
	v24 =	vsub.f32 v23, v31  }
0x14a: {  	v31 =	vadd.f32 v12, v16;
	v12 =	vor.u32 $0x1B, v1;
	v4 =	vand.u32 $0x7FFFFFFF, v4;
	v23 =	vld.idx.msk [tilespmem:v17+s2+$0x0], $0xffff  }
0x14b: {  	v25 =	vor.u32 $0x1F, v1;
	v4 =	vadd.f32 v15, v4;
	v18 =	vld.idx.msk [tilespmem:v17+s5+$0x0], $0xffff  }
0x14c: {  	v5 =	vand.u32 $0x7FFFFFFF, v5;
	v16 =	vor.u32 $0x1C, v2;
	v26 =	vld.idx.msk [tilespmem:v7+s6+$0x0], $0xffff  }
0x14d: {  	v19 =	vadd.f32 v19, v28;
	v4 =	vadd.f32 v5, v4;
	v22 =	vld.idx.msk [tilespmem:v0+s2+$0x0], $0xffff  }
0x14e: {  	v5 =	vsub.f32 v31, v29;
	v15 =	vld.idx.msk [tilespmem:v0+s5+$0x0], $0xffff;
	v0 =	vor.u32 $0x1B, v2;
	v7 =	vand.u32 $0x7FFFFFFF, v24  }
0x14f: {  	v28 =	vor.u32 $0x1C, v1;
	v29 =	vadd.f32 v27, v48;
	v48 =	vld.idx.msk [tilespmem:v12+s6+$0x0], $0xffff;
	v4 =	vadd.f32 v7, v4  }
0x150: {  	v12 =	vld.idx.msk [tilespmem:v25+s6+$0x0], $0xffff;
	v24 =	vand.u32 $0x7FFFFFFF, v13  }
0x151: {  	v11 =	vsub.f32 v29, v39;
	v39 =	vld.idx.msk [tilespmem:v16+s5+$0x0], $0xffff;
	v29 =	vor.u32 $0x1E, v1;
	v4 =	vadd.f32 v24, v4  }
0x152: {  	v27 =	vor.u32 $0x1E, v2;
	v5 =	vand.u32 $0x7FFFFFFF, v5;
	v7 =	vsub.f32 v19, v45;
	v45 =	vld.idx.msk [tilespmem:v16+s2+$0x0], $0xffff  }
0x153: {  	v31 =	vld.idx.msk [tilespmem:v0+s2+$0x0], $0xffff;
	v4 =	vadd.f32 v5, v4  }
0x154: {  	v7 =	vand.u32 $0x7FFFFFFF, v7;
	v5 =	vsub.f32 v56, v40;
	v56 =	vld.idx.msk [tilespmem:v28+s6+$0x0], $0xffff;
	v28 =	vadd.f32 v63, v46  }
0x155: {  	v24 =	vld.idx.msk [tilespmem:v0+s5+$0x0], $0xffff;
	v0 =	vor.u32 $0x1D, v2;
	v63 =	vadd.f32 v62, v60;
	v62 =	vadd.f32 v51, v43  }
0x156: {  	v11 =	vand.u32 $0x7FFFFFFF, v11;
	v60 =	vld.idx.msk [tilespmem:v29+s6+$0x0], $0xffff;
	v4 =	vadd.f32 v7, v4;
	v7 =	vsub.f32 v28, v53  }
0x157: {  	v51 =	vor.u32 $0x23, v1;
	v53 =	vld.idx.msk [tilespmem:v27+s2+$0x0], $0xffff;
	v28 =	vadd.f32 v58, v54;
	v58 =	vadd.f32 v59, v55  }
0x158: {  	v4 =	vadd.f32 v11, v4;
	v11 =	vsub.f32 v61, v49;
	v49 =	vld.idx.msk [tilespmem:v27+s5+$0x0], $0xffff  }
0x159: {  	v59 =	vsub.f32 v58, v44;
	v58 =	vld [tilespmem:$0x1FF30]  }
0x15a: {  	v5 =	vand.u32 $0x7FFFFFFF, v5;
	v27 =	vor.u32 $0x20, v2;
	v46 =	vld.idx.msk [tilespmem:v0+s2+$0x0], $0xffff  }
0x15b: {  	v40 =	vld.idx.msk [tilespmem:v0+s5+$0x0], $0xffff;
	v4 =	vadd.f32 v5, v4  }
0x15c: {  	v55 =	vor.u32 $0x24, v2;
	v7 =	vand.u32 $0x7FFFFFFF, v7;
	v25 =	vld.idx.msk [tilespmem:v51+s6+$0x0], $0xffff  }
0x15d: {  	v51 =	vld [tilespmem:$0x1FF90];
	v4 =	vadd.f32 v7, v4  }
0x15e: {  	v0 =	vor.u32 $0x1F, v2;
	v7 =	vsub.f32 v28, v42;
	v28 =	vsub.f32 v62, v33;
	v62 =	vld [tilespmem:$0x1FF50]  }
0x15f: {  	v44 =	vld.idx.msk [tilespmem:v27+s2+$0x0], $0xffff  }
0x160: {  	v8 =	vadd.f32 v35, v8;
	v61 =	vor.u32 $0x21, v1;
	v42 =	vld.idx.msk [tilespmem:v27+s5+$0x0], $0xffff  }
0x161: {  	v29 =	vor.u32 $0x20, v1;
	v5 =	vsub.f32 v63, v52;
	v11 =	vand.u32 $0x7FFFFFFF, v11;
	v27 =	vld.idx.msk [tilespmem:v55+s5+$0x0], $0xffff  }
0x162: {  	v8 =	vsub.f32 v8, v58;
	v58 =	vld [tilespmem:$0x1FFA0];
	v4 =	vadd.f32 v11, v4  }
0x163: {  	v5 =	vand.u32 $0x7FFFFFFF, v5;
	v54 =	vld.idx.msk [tilespmem:v0+s2+$0x0], $0xffff  }
0x164: {  	v63 =	vor.u32 $0x22, v2;
	v52 =	vld.idx.msk [tilespmem:v0+s5+$0x0], $0xffff;
	v4 =	vadd.f32 v5, v4  }
0x165: {  	v7 =	vand.u32 $0x7FFFFFFF, v7;
	v11 =	vld.idx.msk [tilespmem:v61+s6+$0x0], $0xffff  }
0x166: {  	v0 =	vor.u32 $0x21, v2;
	v4 =	vadd.f32 v7, v4;
	v7 =	vld.idx.msk [tilespmem:v29+s6+$0x0], $0xffff  }
0x167: {  	v29 =	vadd.f32 v47, v36;
	v47 =	vadd.f32 v50, v41;
	v50 =	vld [tilespmem:$0x1FF20]  }
0x168: {  	v14 =	vadd.f32 v14, v51;
	v51 =	vld [tilespmem:$0x1FFE0]  }
0x169: {  	v16 =	vld.idx.msk [tilespmem:v63+s5+$0x0], $0xffff  }
0x16a: {  	v5 =	vand.u32 $0x7FFFFFFF, v59;
	v59 =	vld [tilespmem:$0x1FF40]  }
0x16b: {  	v36 =	vld.idx.msk [tilespmem:v0+s2+$0x0], $0xffff;
	v4 =	vadd.f32 v5, v4  }
0x16c: {  	v13 =	vand.u32 $0x7FFFFFFF, v28;
	v33 =	vld.idx.msk [tilespmem:v0+s5+$0x0], $0xffff;
	v0 =	vor.u32 $0x23, v2;
	v17 =	vsub.f32 v29, v50  }
0x16d: {  	v41 =	vld [tilespmem:$0x1FF60];
	v4 =	vadd.f32 v13, v4  }
0x16e: {  	v5 =	vsub.f32 v47, v30;
	v47 =	vld [tilespmem:$0x1FF70];
	v17 =	vand.u32 $0x7FFFFFFF, v17  }
0x16f: {  	v43 =	vor.u32 $0x22, v1;
	v13 =	vld.idx.msk [tilespmem:v63+s2+$0x0], $0xffff;
	v4 =	vadd.f32 v17, v4  }
0x170: {  	v61 =	vor.u32 $0x24, v1;
	v19 =	vadd.f32 v32, v59;
	v5 =	vand.u32 $0x7FFFFFFF, v5;
	v50 =	vld [tilespmem:$0x1FF80]  }
0x171: {  	v28 =	vld.idx.msk [tilespmem:v0+s2+$0x0], $0xffff;
	v4 =	vadd.f32 v5, v4  }
0x172: {  	v8 =	vand.u32 $0x7FFFFFFF, v8;
	v59 =	vor.u32 $0x27, v2;
	v19 =	vsub.f32 v19, v41;
	v0 =	vld.idx.msk [tilespmem:v0+s5+$0x0], $0xffff  }
0x173: {  	v20 =	vadd.f32 v20, v47;
	v47 =	vld [tilespmem:$0x1FFD0];
	v4 =	vadd.f32 v8, v4  }
0x174: {  	v19 =	vand.u32 $0x7FFFFFFF, v19;
	v17 =	vld.idx.msk [tilespmem:v43+s6+$0x0], $0xffff;
	v43 =	vor.u32 $0x25, v1  }
0x175: {  	v63 =	vor.u32 $0x25, v2;
	v5 =	vadd.f32 v34, v62;
	v4 =	vadd.f32 v19, v4;
	v19 =	vld.idx.msk [tilespmem:v61+s6+$0x0], $0xffff  }
0x176: {  	v9 =	vadd.f32 v26, v9;
	v61 =	vld [tilespmem:$0x1FFB0]  }
0x177: {  	v26 =	vld.idx.msk [tilespmem:v59+s2+$0x0], $0xffff;
	v20 =	vsub.f32 v20, v50;
	v50 =	vor.u32 $0x28, v2;
	v5 =	vsub.f32 v5, v10  }
0x178: {  	v62 =	vld [tilespmem:$0x1FFC0]  }
0x179: {  	v3 =	vadd.f32 v3, v47;
	v10 =	vld.idx.msk [tilespmem:v43+s6+$0x0], $0xffff;
	v43 =	vadd.f32 v48, v31;
	v5 =	vand.u32 $0x7FFFFFFF, v5  }
0x17a: {  	v32 =	vor.u32 $0x26, v2;
	v29 =	vld.idx.msk [tilespmem:v63+s2+$0x0], $0xffff;
	v48 =	vadd.f32 v56, v45;
	v4 =	vadd.f32 v5, v4  }
0x17b: {  	v8 =	vld.idx.msk [tilespmem:v55+s2+$0x0], $0xffff;
	v20 =	vand.u32 $0x7FFFFFFF, v20;
	v5 =	vadd.f32 v21, v58;
	v14 =	vsub.f32 v14, v61  }
0x17c: {  	v56 =	vor.u32 $0x2C, v2;
	v3 =	vsub.f32 v3, v51;
	v35 =	vld.idx.msk [tilespmem:v50+s5+$0x0], $0xffff;
	v4 =	vadd.f32 v20, v4  }
0x17d: {  	v51 =	vor.u32 $0x2B, v1;
	v21 =	vld.idx.msk [tilespmem:v63+s5+$0x0], $0xffff;
	v5 =	vsub.f32 v5, v62;
	v14 =	vand.u32 $0x7FFFFFFF, v14  }
0x17e: {  	v63 =	vor.u32 $0x27, v1;
	v58 =	vadd.f32 v37, v22;
	v22 =	vld.idx.msk [tilespmem:v59+s5+$0x0], $0xffff;
	v4 =	vadd.f32 v14, v4  }
0x17f: {  	v23 =	vadd.f32 v38, v23;
	v55 =	vor.u32 $0x26, v1;
	v20 =	vld.idx.msk [tilespmem:v32+s2+$0x0], $0xffff;
	v5 =	vand.u32 $0x7FFFFFFF, v5  }
0x180: {  	v59 =	vor.u32 $0x29, v2;
	v32 =	vld.idx.msk [tilespmem:v32+s5+$0x0], $0xffff;
	v4 =	vadd.f32 v5, v4  }
0x181: {  	v18 =	vsub.f32 v23, v18;
	v6 =	vsub.f32 v9, v6;
	v3 =	vand.u32 $0x7FFFFFFF, v3;
	v41 =	vld.idx.msk [tilespmem:v56+s5+$0x0], $0xffff  }
0x182: {  	v23 =	vsub.f32 v43, v24;
	v24 =	vld.idx.msk [tilespmem:v51+s6+$0x0], $0xffff;
	v3 =	vadd.f32 v3, v4  }
0x183: {  	v6 =	vand.u32 $0x7FFFFFFF, v6;
	v62 =	vor.u32 $0x29, v1;
	v61 =	vsub.f32 v58, v15;
	v9 =	vld.idx.msk [tilespmem:v63+s6+$0x0], $0xffff  }
0x184: {  	v14 =	vld.idx.msk [tilespmem:v55+s6+$0x0], $0xffff;
	v55 =	vor.u32 $0x28, v1;
	v3 =	vadd.f32 v6, v3  }
0x185: {  	v63 =	vor.u32 $0x2A, v2;
	v31 =	vld.idx.msk [tilespmem:v59+s2+$0x0], $0xffff;
	v4 =	vand.u32 $0x7FFFFFFF, v61  }
0x186: {  	v18 =	vand.u32 $0x7FFFFFFF, v18;
	v5 =	vld.idx.msk [tilespmem:v50+s2+$0x0], $0xffff;
	v50 =	vor.u32 $0x2B, v2;
	v3 =	vadd.f32 v4, v3  }
0x187: {  	v7 =	vadd.f32 v7, v44;
	v11 =	vadd.f32 v11, v36;
	v23 =	vand.u32 $0x7FFFFFFF, v23;
	v30 =	vld.idx.msk [tilespmem:v59+s5+$0x0], $0xffff  }
0x188: {  	v58 =	vadd.f32 v60, v53;
	v15 =	vld.idx.msk [tilespmem:v62+s6+$0x0], $0xffff;
	v62 =	vor.u32 $0x2D, v1;
	v3 =	vadd.f32 v18, v3  }
0x189: {  	v61 =	vor.u32 $0x2D, v2;
	v6 =	vld.idx.msk [tilespmem:v55+s6+$0x0], $0xffff;
	v55 =	vadd.f32 v57, v46;
	v4 =	vsub.f32 v48, v39  }
0x18a: {  	v60 =	vadd.f32 v12, v54;
	v37 =	vld.idx.msk [tilespmem:v63+s5+$0x0], $0xffff;
	v3 =	vadd.f32 v23, v3  }
0x18b: {  	v46 =	vor.u32 $0x2E, v1;
	v12 =	vld.idx.msk [tilespmem:v50+s5+$0x0], $0xffff;
	v57 =	vsub.f32 v55, v40;
	v4 =	vand.u32 $0x7FFFFFFF, v4  }
0x18c: {  	v47 =	vor.u32 $0x2A, v1;
	v14 =	vadd.f32 v14, v20;
	v40 =	vld.idx.msk [tilespmem:v50+s2+$0x0], $0xffff;
	v3 =	vadd.f32 v4, v3  }
0x18d: {  	v7 =	vsub.f32 v7, v42;
	v39 =	vsub.f32 v58, v49;
	v49 =	vld.idx.msk [tilespmem:v62+s6+$0x0], $0xffff;
	v34 =	vand.u32 $0x7FFFFFFF, v57  }
0x18e: {  	v14 =	vsub.f32 v14, v32;
	v32 =	vor.u32 $0x34, v2;
	v36 =	vld.idx.msk [tilespmem:v61+s2+$0x0], $0xffff;
	v3 =	vadd.f32 v34, v3  }
0x18f: {  	v48 =	vor.u32 $0x2F, v2;
	v18 =	vld.idx.msk [tilespmem:v63+s2+$0x0], $0xffff;
	v39 =	vand.u32 $0x7FFFFFFF, v39;
	v4 =	vsub.f32 v60, v52  }
0x190: {  	v38 =	vor.u32 $0x35, v2;
	v11 =	vsub.f32 v11, v33;
	v53 =	vld.idx.msk [tilespmem:v46+s6+$0x0], $0xffff;
	v3 =	vadd.f32 v39, v3  }
0x191: {  	v8 =	vadd.f32 v19, v8;
	v58 =	vor.u32 $0x32, v2;
	v23 =	vld.idx.msk [tilespmem:v47+s6+$0x0], $0xffff;
	v4 =	vand.u32 $0x7FFFFFFF, v4  }
0x192: {  	v7 =	vand.u32 $0x7FFFFFFF, v7;
	v47 =	vadd.f32 v17, v13;
	v13 =	vld.idx.msk [tilespmem:v61+s5+$0x0], $0xffff;
	v3 =	vadd.f32 v4, v3  }
0x193: {  	v25 =	vadd.f32 v25, v28;
	v8 =	vsub.f32 v8, v27;
	v63 =	vor.u32 $0x2E, v2;
	v27 =	vld.idx.msk [tilespmem:v32+s5+$0x0], $0xffff  }
0x194: {  	v11 =	vand.u32 $0x7FFFFFFF, v11;
	v9 =	vadd.f32 v9, v26;
	v19 =	vld.idx.msk [tilespmem:v48+s2+$0x0], $0xffff;
	v3 =	vadd.f32 v7, v3  }
0x195: {  	v55 =	vadd.f32 v10, v29;
	v57 =	vor.u32 $0x31, v1;
	v10 =	vld.idx.msk [tilespmem:v48+s5+$0x0], $0xffff;
	v4 =	vsub.f32 v47, v16  }
0x196: {  	v9 =	vsub.f32 v9, v22;
	v22 =	vld.idx.msk [tilespmem:v58+s5+$0x0], $0xffff;
	v3 =	vadd.f32 v11, v3  }
0x197: {  	v0 =	vsub.f32 v25, v0;
	v61 =	vor.u32 $0x33, v2;
	v48 =	vld.idx.msk [tilespmem:v38+s2+$0x0], $0xffff;
	v4 =	vand.u32 $0x7FFFFFFF, v4  }
0x198: {  	v59 =	vor.u32 $0x2C, v1;
	v50 =	vld.idx.msk [tilespmem:v63+s2+$0x0], $0xffff;
	v3 =	vadd.f32 v4, v3  }
0x199: {  	v0 =	vand.u32 $0x7FFFFFFF, v0;
	v51 =	vor.u32 $0x2F, v1;
	v28 =	vld.idx.msk [tilespmem:v63+s5+$0x0], $0xffff  }
0x19a: {  	v54 =	vor.u32 $0x30, v1;
	v62 =	vld.idx.msk [tilespmem:v57+s6+$0x0], $0xffff;
	v0 =	vadd.f32 v0, v3  }
0x19b: {  	v8 =	vand.u32 $0x7FFFFFFF, v8;
	v52 =	vor.u32 $0x30, v2;
	v34 =	vld.idx.msk [tilespmem:v56+s2+$0x0], $0xffff;
	v3 =	vsub.f32 v55, v21  }
0x19c: {  	v56 =	vor.u32 $0x31, v2;
	v18 =	vadd.f32 v23, v18;
	v23 =	vld.idx.msk [tilespmem:v61+s2+$0x0], $0xffff;
	v0 =	vadd.f32 v8, v0  }
0x19d: {  	v39 =	vld.idx.msk [tilespmem:v59+s6+$0x0], $0xffff;
	v47 =	vadd.f32 v49, v36;
	v49 =	vor.u32 $0x36, v1;
	v3 =	vand.u32 $0x7FFFFFFF, v3  }
0x19e: {  	v14 =	vand.u32 $0x7FFFFFFF, v14;
	v16 =	vld.idx.msk [tilespmem:v51+s6+$0x0], $0xffff;
	v51 =	vor.u32 $0x37, v2;
	v0 =	vadd.f32 v3, v0  }
0x19f: {  	v59 =	vld.idx.msk [tilespmem:v54+s6+$0x0], $0xffff;
	v18 =	vsub.f32 v18, v37;
	v37 =	vor.u32 $0x3B, v2;
	v3 =	vadd.f32 v6, v5  }
0x1a0: {  	v15 =	vadd.f32 v15, v31;
	v20 =	vld.idx.msk [tilespmem:v52+s5+$0x0], $0xffff;
	v0 =	vadd.f32 v14, v0  }
0x1a1: {  	v9 =	vand.u32 $0x7FFFFFFF, v9;
	v63 =	vor.u32 $0x33, v1;
	v25 =	vld.idx.msk [tilespmem:v56+s2+$0x0], $0xffff;
	v3 =	vsub.f32 v3, v35  }
0x1a2: {  	v44 =	vor.u32 $0x36, v2;
	v43 =	vadd.f32 v39, v34;
	v57 =	vld.idx.msk [tilespmem:v49+s6+$0x0], $0xffff;
	v0 =	vadd.f32 v9, v0  }
0x1a3: {  	v15 =	vsub.f32 v15, v30;
	v39 =	vor.u32 $0x3B, v1;
	v11 =	vld.idx.msk [tilespmem:v51+s5+$0x0], $0xffff;
	v3 =	vand.u32 $0x7FFFFFFF, v3  }
0x1a4: {  	v46 =	vsub.f32 v43, v41;
	v41 =	vor.u32 $0x3C, v2;
	v43 =	vld.idx.msk [tilespmem:v37+s2+$0x0], $0xffff;
	v0 =	vadd.f32 v3, v0  }
0x1a5: {  	v15 =	vand.u32 $0x7FFFFFFF, v15;
	v4 =	vld.idx.msk [tilespmem:v52+s2+$0x0], $0xffff;
	v3 =	vadd.f32 v24, v40  }
0x1a6: {  	v16 =	vadd.f32 v16, v19;
	v21 =	vld.idx.msk [tilespmem:v63+s6+$0x0], $0xffff;
	v0 =	vadd.f32 v15, v0  }
0x1a7: {  	v18 =	vand.u32 $0x7FFFFFFF, v18;
	v55 =	vld.idx.msk [tilespmem:v44+s5+$0x0], $0xffff;
	v3 =	vsub.f32 v3, v12  }
0x1a8: {  	v10 =	vsub.f32 v16, v10;
	v16 =	vld.idx.msk [tilespmem:v39+s6+$0x0], $0xffff;
	v0 =	vadd.f32 v18, v0  }
0x1a9: {  	v60 =	vor.u32 $0x32, v1;
	v13 =	vsub.f32 v47, v13;
	v47 =	vld.idx.msk [tilespmem:v41+s2+$0x0], $0xffff;
	v3 =	vand.u32 $0x7FFFFFFF, v3  }
0x1aa: {  	v54 =	vor.u32 $0x37, v1;
	v49 =	vld.idx.msk [tilespmem:v41+s5+$0x0], $0xffff;
	v0 =	vadd.f32 v3, v0  }
0x1ab: {  	v52 =	vand.u32 $0x7FFFFFFF, v46;
	v46 =	vor.u32 $0x3D, v2;
	v5 =	vld.idx.msk [tilespmem:v56+s5+$0x0], $0xffff;
	v3 =	vadd.f32 v53, v50  }
0x1ac: {  	v6 =	vld.idx.msk [tilespmem:v61+s5+$0x0], $0xffff;
	v0 =	vadd.f32 v52, v0  }
0x1ad: {  	v13 =	vand.u32 $0x7FFFFFFF, v13;
	v14 =	vld.idx.msk [tilespmem:v58+s2+$0x0], $0xffff;
	v35 =	vor.u32 $0x34, v1;
	v3 =	vsub.f32 v3, v28  }
0x1ae: {  	v9 =	vld.idx.msk [tilespmem:v60+s6+$0x0], $0xffff;
	v0 =	vadd.f32 v13, v0  }
0x1af: {  	v42 =	vor.u32 $0x35, v1;
	v4 =	vadd.f32 v59, v4;
	v61 =	vld.idx.msk [tilespmem:v54+s6+$0x0], $0xffff;
	v3 =	vand.u32 $0x7FFFFFFF, v3  }
0x1b0: {  	v54 =	vld.idx.msk [tilespmem:v46+s5+$0x0], $0xffff;
	v0 =	vadd.f32 v3, v0  }
0x1b1: {  	v10 =	vand.u32 $0x7FFFFFFF, v10;
	v4 =	vsub.f32 v4, v20;
	v40 =	vld.idx.msk [tilespmem:v32+s2+$0x0], $0xffff;
	v3 =	vadd.f32 v62, v25  }
0x1b2: {  	v59 =	vor.u32 $0x38, v1;
	v56 =	vor.u32 $0x38, v2;
	v45 =	vld.idx.msk [tilespmem:v35+s6+$0x0], $0xffff;
	v0 =	vadd.f32 v10, v0  }
0x1b3: {  	v58 =	vld.idx.msk [tilespmem:v51+s2+$0x0], $0xffff;
	v4 =	vand.u32 $0x7FFFFFFF, v4;
	v9 =	vadd.f32 v9, v14;
	v3 =	vsub.f32 v3, v5  }
0x1b4: {  	v60 =	vor.u32 $0x39, v2;
	v15 =	vld.idx.msk [tilespmem:v42+s6+$0x0], $0xffff;
	v0 =	vadd.f32 v4, v0  }
0x1b5: {  	v33 =	vadd.f32 v21, v23;
	v9 =	vsub.f32 v9, v22;
	v50 =	vld.idx.msk [tilespmem:v38+s5+$0x0], $0xffff;
	v3 =	vand.u32 $0x7FFFFFFF, v3  }
0x1b6: {  	v63 =	vor.u32 $0x39, v1;
	v53 =	vld.idx.msk [tilespmem:v44+s2+$0x0], $0xffff;
	v0 =	vadd.f32 v3, v0  }
0x1b7: {  	v29 =	vld.idx.msk [tilespmem:v56+s5+$0x0], $0xffff;
	v6 =	vsub.f32 v33, v6;
	v9 =	vand.u32 $0x7FFFFFFF, v9;
	v3 =	vadd.f32 v45, v40  }
0x1b8: {  	v30 =	vor.u32 $0x3A, v2;
	v32 =	vld.idx.msk [tilespmem:v59+s6+$0x0], $0xffff;
	v35 =	vor.u32 $0x3A, v1;
	v0 =	vadd.f32 v9, v0  }
0x1b9: {  	v6 =	vand.u32 $0x7FFFFFFF, v6;
	v34 =	vld.idx.msk [tilespmem:v60+s2+$0x0], $0xffff;
	v15 =	vadd.f32 v15, v48;
	v3 =	vsub.f32 v3, v27  }
0x1ba: {  	v62 =	vld.idx.msk [tilespmem:v56+s2+$0x0], $0xffff;
	v0 =	vadd.f32 v6, v0  }
0x1bb: {  	v36 =	vld.idx.msk [tilespmem:v60+s5+$0x0], $0xffff;
	v7 =	vsub.f32 v15, v50;
	v13 =	vadd.f32 v57, v53;
	v3 =	vand.u32 $0x7FFFFFFF, v3  }
0x1bc: {  	v44 =	vor.u32 $0x3C, v1;
	v10 =	vld.idx.msk [tilespmem:v63+s6+$0x0], $0xffff;
	v0 =	vadd.f32 v3, v0  }
0x1bd: {  	v38 =	vld.idx.msk [tilespmem:v30+s2+$0x0], $0xffff;
	v13 =	vsub.f32 v13, v55;
	v7 =	vand.u32 $0x7FFFFFFF, v7;
	v3 =	vadd.f32 v61, v58  }
0x1be: {  	v42 =	vld.idx.msk [tilespmem:v35+s6+$0x0], $0xffff;
	v48 =	vor.u32 $0x3D, v1;
	v50 =	vor.u32 $0x3E, v2;
	v0 =	vadd.f32 v7, v0  }
0x1bf: {  	v52 =	vld.idx.msk [tilespmem:v46+s2+$0x0], $0xffff;
	v13 =	vand.u32 $0x7FFFFFFF, v13;
	v4 =	vadd.f32 v32, v62;
	v3 =	vsub.f32 v3, v11  }
0x1c0: {  	v53 =	vor.u32 $0x3E, v1;
	v2 =	vor.u32 $0x3F, v2;
	v40 =	vld.idx.msk [tilespmem:v30+s5+$0x0], $0xffff;
	v0 =	vadd.f32 v13, v0  }
0x1c1: {  	v51 =	vld.idx.msk [tilespmem:v44+s6+$0x0], $0xffff;
	v10 =	vadd.f32 v10, v34;
	v4 =	vsub.f32 v4, v29;
	v3 =	vand.u32 $0x7FFFFFFF, v3  }
0x1c2: {  	v1 =	vor.u32 $0x3F, v1;
	v45 =	vld.idx.msk [tilespmem:v37+s5+$0x0], $0xffff;
	v0 =	vadd.f32 v3, v0  }
0x1c3: {  	v55 =	vld.idx.msk [tilespmem:v48+s6+$0x0], $0xffff;
	v4 =	vand.u32 $0x7FFFFFFF, v4;
	v6 =	vadd.f32 v42, v38;
	v3 =	vsub.f32 v10, v36  }
0x1c4: {  	v56 =	vld.idx.msk [tilespmem:v50+s2+$0x0], $0xffff;
	v0 =	vadd.f32 v4, v0  }
0x1c5: {  	v57 =	vadd.f32 v16, v43;
	v59 =	vld.idx.msk [tilespmem:v2+s2+$0x0], $0xffff;
	v6 =	vsub.f32 v6, v40;
	v3 =	vand.u32 $0x7FFFFFFF, v3  }
0x1c6: {  	v0 =	vadd.f32 v3, v0;
	v3 =	vld.idx.msk [tilespmem:v53+s6+$0x0], $0xffff  }
0x1c7: {  	v1 =	vld.idx.msk [tilespmem:v1+s6+$0x0], $0xffff;
	v8 =	vsub.f32 v57, v45;
	v6 =	vand.u32 $0x7FFFFFFF, v6;
	v7 =	vadd.f32 v51, v47  }
0x1c8: {  	v58 =	vld.idx.msk [tilespmem:v50+s5+$0x0], $0xffff;
	v0 =	vadd.f32 v6, v0  }
0x1c9: {  	v60 =	vadd.f32 v55, v52;
	v61 =	vand.u32 $0x7FFFFFFF, v8;
	v5 =	vsub.f32 v7, v49  }
0x1ca: {  	v2 =	vld.idx.msk [tilespmem:v2+s5+$0x0], $0xffff;
	v0 =	vadd.f32 v61, v0  }
0x1cb: {  	v62 =	vand.u32 $0x7FFFFFFF, v5;
	v6 =	vsub.f32 v60, v54;
	v3 =	vadd.f32 v3, v56  }
0x1cc: {  	v0 =	vadd.f32 v62, v0  }
0x1cd: {  	v1 =	vadd.f32 v1, v59;
	v63 =	vand.u32 $0x7FFFFFFF, v6;
	v3 =	vsub.f32 v3, v58  }
0x1ce: {  	v0 =	vadd.f32 v63, v0  }
0x1cf: {  	p0 =	sne.s32 s29, $0x70;
	v1 =	vsub.f32 v1, v2;
	v3 =	vand.u32 $0x7FFFFFFF, v3  }
.Ltmp4:
0x1d0: {  	v0 =	vadd.f32 v3, v0;
	(pc) =	sbr.rel @p0 .LBB2_11-.Ltmp4, $3  }
0x1d1: {  	v1 =	vand.u32 $0x7FFFFFFF, v1  }
0x1d2: {  	v0 =	vadd.f32 v1, v0;
	_ =	sdelay $0x1  }
0x1d3: {  	s31 =	sadd.s32 $0x10, s31;
	s29 =	sadd.s32 $0x10, s29;
	[tilespmem:s30+$0x0] =	vst v0;
	v0 =	vld [tilespmem:$0x1FFF0];
	s30 =	sadd.s32 $0x10, s30  }
0x1d4: {  	s2 =	rddreg [dreg:$0x1a]  }
0x1d5: {  	s2 =	sadd.s32 $0x1, s2  }
0x1d6: {  	p0 =	sne.s32 s2, $0x4  }
.Ltmp5:
0x1d7: {  	_ = 	snop;
	(pc) =	sbr.rel @p0 .LBB2_6-.Ltmp5, $3  }
0x1d8: {  	_ =	sdelay $0x1  }
0x1d9: {  	s14 =	sadd.s32 $0x80, s14  }
0x1da: {  	s12 =	sadd.s32 $0x80, s12;
	s0 =	sadd.s32 $0x80, s0;
	s1 =	sadd.s32 $0x80, s1  }
0x1db: {  	s0 =	rddreg [dreg:$0x13];
	s1 =	simm.s32 $0x18200;
	s5 =	simm.s32 $0x3  }
0x1dc: {  	[hbm4b:s0+s28] =	stream.linear.scatter [tilespmem:s1], [sflag:$0x3], $0x200, $0x38;
	[tilespmem:$0x18400] =	vst v63  }
0x1dd: {  	_ =	swait.ge [sflag:s5], $0x200  }
0x1de: {  	s30 =	rddreg [dreg:$0x15]  }
0x1df: {  	s31 =	rddreg [dreg:$0x14];
	s1 =	sadd.s32 $0x1, s30  }
0x1e0: {  	p0 =	sne.s32 s1, s31  }
.Ltmp6:
0x1e1: {  	_ = 	snop;
	(pc) =	sbr.rel @p0 .LBB2_1-.Ltmp6, $4  }
0x1e2: {  	_ = 	snop  }
0x1e3: {  	[sflag:s5] =	ssyncset.done $0x0  }
0x1e4: {  	[sflag:s5] =	ssyncadd.s32 $0xFFFFFE00  }
0x1e5: {  	s10 =	rddreg [dreg:$0x4]  }
0x1e6: {  	_ =	sfence.sel $0x180000  }
0x1e7: {  	[bflag:$0x0] =	sbarrier.arrive $0xFFFF  }
0x1e8: {  	_ =	strace $0x90000047  }
0x1e9: {  	s0 =	stileid.u32;
	[bflag:$0x2] =	sbarrier.arrive $0xFFFF  }
0x1ea: {  	p0 =	sne.s32 s0, $0x0;
	s0 =	rddreg [dreg:$0x6]  }
0x1eb: {  	s0 =	sadd.s32 @!p0 $0x100000, s0  }
0x1ec: {  	[sflag:s0] =	ssyncadd.tile.s32 @!p0 $0x1;
	_ =	shalt  }
.Lfunc_end2:
_tile_overlayer_lowered:
.L_overlay_start_2:
0x1ed: {  	(tag) =	ssettag $0x2  }
0x1ee: {  	s0 =	rddreg [dreg:$0x0];
	s2 =	stileid.u32  }
0x1ef: {  	s1 =	rddreg [dreg:$0x1];
	p0 =	sne.s32 s2, $0x0  }
0x1f0: {  	s3 =	rddreg [dreg:$0x2];
	[bflag:$0x3] =	sbarrier.arrive $0xFFFF;
	s2 =	simm.s32 @!p0 $0x1C03  }
0x1f1: {  	[timem:s3], [sflag:s2] =	dma.local @!p0 [hbm:s0], s1  }
0x1f2: {  	s0 =	simm.s32 @!p0 $0x3  }
0x1f3: {  	_ =	swait.ge @!p0 [sflag:s0], s1  }
0x1f4: {  	s1 =	ssub.s32 @!p0 $0x0, s1;
	[sflag:s0] =	ssyncset.done @!p0 $0x0  }
0x1f5: {  	[sflag:s0] =	ssyncadd.s32 @!p0 s1  }
0x1f6: {  	[bflag:$0x3] =	sbarrier.arrive $0xFFFF  }
0x1f7: {  	_ =	shalt  }

</sc_bundles>
